<compile_context>
chip_gen: v7x
topology: tpu7x:2x2x1
jax: 0.10.2.dev20260603
libtpu: 0.0.44.dev20260713+nightly
codegen_flags: <defaults>
</compile_context>

<pallas_src>
import functools

import jax
import jax.numpy as jnp
from jax import lax
from jax.experimental import pallas as pl
from jax.experimental.pallas import tpu as pltpu
from jax.experimental.pallas import tpu_sc as plsc

_DIM = 128
_K = 65536
_BATCH = 4096
_CW = 4096
_NCPW = 8

_MESH = plsc.VectorSubcoreMesh(core_axis_name="c", subcore_axis_name="s")


@functools.partial(
    pl.kernel,
    out_type=jax.ShapeDtypeStruct((_DIM, _K), jnp.float32),
    mesh=_MESH,
    scratch_types=[
        pltpu.VMEM((2, 8, _CW), jnp.float32),
        pltpu.VMEM((128, 128), jnp.float32),
        pltpu.VMEM((128, 128), jnp.float32),
        pltpu.VMEM((16,), jnp.int32),
        pltpu.SemaphoreType.DMA,
        pltpu.SemaphoreType.DMA,
        pltpu.SemaphoreType.DMA,
        pltpu.SemaphoreType.DMA,
        pltpu.SemaphoreType.DMA,
        pltpu.SemaphoreType.DMA,
        pltpu.SemaphoreType.DMA,
        pltpu.SemaphoreType.DMA,
    ],
    compiler_params=pltpu.CompilerParams(needs_layout_passes=False),
)
def _sc_update(q_hbm, keys_hbm, c0_hbm, out_hbm, bufs, kt, tt, c0v,
               si0, si1, si2, so0, so1, so2, ksem, ssem):
    w = lax.axis_index("s") * 2 + lax.axis_index("c")
    sin = (si0, si1, si2)
    sout = (so0, so1, so2)

    kin = pltpu.make_async_copy(keys_hbm.at[pl.ds(w * 128, 128), :], kt, ksem)
    kin.start()
    pltpu.sync_copy(c0_hbm, c0v)
    c0 = jnp.max(c0v[...])
    kskip = c0 // 32

    def chunk_slice(ref, c):
        n = w * _NCPW + c
        return ref.at[pl.ds((n // 16) * 8, 8), pl.ds((n % 16) * _CW, _CW)]

    def in_copy(c, b):
        return pltpu.make_async_copy(chunk_slice(q_hbm, c), bufs.at[b], sin[b])

    def out_copy(c, b):
        return pltpu.make_async_copy(bufs.at[b], chunk_slice(out_hbm, c), sout[b])

    def skip(c):
        return ((w * _NCPW + c) % 16) == kskip

    for c in range(2):
        @pl.when(jnp.logical_not(skip(c)))
        def _():
            in_copy(c, c).start()

    kin.wait()
    lane = lax.iota(jnp.int32, 16)

    def tbody(d, carry):
        dvec = jnp.full((16,), d, jnp.int32)
        for cc in range(8):
            rvec = cc * 16 + lane
            vals = plsc.load_gather(kt, [rvec, dvec])
            plsc.store_scatter(tt, [dvec, rvec], vals)
        return carry

    lax.fori_loop(0, 128, tbody, 0)

    col = (c0 + w) * 128
    for a in range(16):
        pltpu.make_async_copy(
            tt.at[pl.ds(8 * a, 8), :],
            out_hbm.at[pl.ds(8 * a, 8), pl.ds(col, 128)],
            ssem,
        ).start()

    for c in range(_NCPW):
        b = c % 2

        @pl.when(jnp.logical_not(skip(c)))
        def _():
            in_copy(c, b).wait()
            out_copy(c, b).start()

        if c + 2 < _NCPW:
            @pl.when(jnp.logical_not(skip(c)))
            def _():
                out_copy(c, b).wait()

            @pl.when(jnp.logical_not(skip(c + 2)))
            def _():
                in_copy(c + 2, b).start()
    for c in range(_NCPW - 2, _NCPW):
        @pl.when(jnp.logical_not(skip(c)))
        def _():
            out_copy(c, c % 2).wait()
    for a in range(16):
        pltpu.make_async_copy(
            tt.at[pl.ds(8 * a, 8), :],
            out_hbm.at[pl.ds(8 * a, 8), pl.ds(col, 128)],
            ssem,
        ).wait()


def kernel(keys, queue, queue_ptr):
    ptr = jnp.asarray(queue_ptr, jnp.int32)
    c0rep = jnp.full((16,), ptr // 128, jnp.int32)
    new_queue = _sc_update(queue, keys, c0rep)
    new_ptr = (ptr + _BATCH) % _K
    return new_queue, jnp.asarray(new_ptr, dtype=jnp.int64)

# --- scband reference (transcript-rebuilt; emitter-appended) ---
"""Pipeline reference for scband-group-que-46488726012440 (READ-ONLY COPY).

The authoritative reference and input builder live on the scoring server;
editing this copy changes nothing except your own understanding.
"""

import jax, jax.numpy as jnp
import numpy as np

DIM = 128
K = 65536
BATCH = 4096

def setup_inputs(seed: int = 0) -> dict:
    key = jax.random.key(seed)
    k1, k2 = jax.random.split(key)
    keys = jax.random.normal(k1, (BATCH, DIM), dtype=jnp.float32)
    queue = jax.random.normal(k2, (DIM, K), dtype=jnp.float32)
    # module __init__ normalizes the queue along dim 0
    queue = queue / jnp.linalg.norm(queue, axis=0, keepdims=True)
    return {"keys": keys, "queue": queue, "queue_ptr": 0}

def reference(keys, queue, queue_ptr):
    # concat_all_gather is identity in single-process (world_size=1) setting
    batch_size = keys.shape[0]
    assert K % batch_size == 0
    # scatter-overwrite: queue[:, ptr:ptr+batch_size] = keys.T
    new_queue = jax.lax.dynamic_update_slice(queue, keys.T, (0, queue_ptr))
    new_ptr = (queue_ptr + batch_size) % K
    return new_queue, jnp.array(new_ptr, dtype=jnp.int64)

if __name__ == "__main__":
    import jax
    _d = setup_inputs()
    print(jax.jit(kernel)(*tuple(_d.values())))

</pallas_src>

<mosaic_0001>
#map = affine_map<(d0, d1) -> (0, 0)>
#map1 = affine_map<(d0, d1) -> (0)>
module attributes {stable_mosaic.version = 14 : i64} {
  func.func @_sc_update(%arg0: i32, %arg1: i32, %arg2: memref<128x65536xf32, #tpu.memory_space<hbm>>, %arg3: memref<4096x128xf32, #tpu.memory_space<hbm>>, %arg4: memref<16xi32, #tpu.memory_space<hbm>>, %arg5: memref<128x65536xf32, #tpu.memory_space<hbm>>, %arg6: memref<2x8x4096xf32, #tpu.memory_space<vmem>>, %arg7: memref<128x128xf32, #tpu.memory_space<vmem>>, %arg8: memref<128x128xf32, #tpu.memory_space<vmem>>, %arg9: memref<16xi32, #tpu.memory_space<vmem>>, %arg10: memref<!tpu.dma_semaphore, #tpu.memory_space<semaphore_mem>>, %arg11: memref<!tpu.dma_semaphore, #tpu.memory_space<semaphore_mem>>, %arg12: memref<!tpu.dma_semaphore, #tpu.memory_space<semaphore_mem>>, %arg13: memref<!tpu.dma_semaphore, #tpu.memory_space<semaphore_mem>>, %arg14: memref<!tpu.dma_semaphore, #tpu.memory_space<semaphore_mem>>, %arg15: memref<!tpu.dma_semaphore, #tpu.memory_space<semaphore_mem>>, %arg16: memref<!tpu.dma_semaphore, #tpu.memory_space<semaphore_mem>>, %arg17: memref<!tpu.dma_semaphore, #tpu.memory_space<semaphore_mem>>) attributes {dimension_semantics = [#tpu.dimension_semantics<core_parallel>, #tpu.dimension_semantics<subcore_parallel>], iteration_bounds = array<i64: 2, 16>, scalar_prefetch = 0 : i64, scratch_operands = 12 : i64, tpu.core_type = #tpu.core_type<sc_vector_subcore>, window_params = [{transform_indices = #map}, {transform_indices = #map}, {transform_indices = #map1}, {transform_indices = #map}]} {
    %mul3A = arith.constant 2 : i32
    %mul3A_0 = arith.muli %arg1, %mul3A : i32
    %add3A = arith.addi %mul3A_0, %arg0 : i32
    %mul3A_1 = arith.constant 128 : i32
    %mul3A_2 = arith.muli %add3A, %mul3A_1 : i32
    %dma_start3A = arith.constant 0 : i32
    %dma_start3A_3 = tpu.memref_slice %arg3[%mul3A_2, %dma_start3A] : memref<4096x128xf32, #tpu.memory_space<hbm>> -> memref<128x128xf32, #tpu.memory_space<hbm>>
    %dma_start3A_4 = arith.constant 0 : i32
    %dma_start3A_5 = tpu.memref_slice %arg3[%mul3A_2, %dma_start3A_4] : memref<4096x128xf32, #tpu.memory_space<hbm>> -> memref<128x128xf32, #tpu.memory_space<hbm>>
    tpu.enqueue_dma source(%dma_start3A_5 : memref<128x128xf32, #tpu.memory_space<hbm>>) target(%arg7 : memref<128x128xf32, #tpu.memory_space<vmem>>) target_semaphore(%arg16 : memref<!tpu.dma_semaphore, #tpu.memory_space<semaphore_mem>>)
    "tpu.region"() ({
      %run_scoped3A = tpu.sem_alloc : memref<!tpu.dma_semaphore, #tpu.memory_space<semaphore_mem>>
      tpu.enqueue_dma source(%arg4 : memref<16xi32, #tpu.memory_space<hbm>>) target(%arg9 : memref<16xi32, #tpu.memory_space<vmem>>) target_semaphore(%run_scoped3A : memref<!tpu.dma_semaphore, #tpu.memory_space<semaphore_mem>>)
      tpu.wait_dma2 semaphore(%run_scoped3A : memref<!tpu.dma_semaphore, #tpu.memory_space<semaphore_mem>>) src(%arg4 : memref<16xi32, #tpu.memory_space<hbm>>) dst(%arg9 : memref<16xi32, #tpu.memory_space<vmem>>)
      tpu.yield
    }) : () -> ()
    %get3A = arith.constant 0 : index
    %get3A_6 = tpu.vector_load %arg9[%get3A] {strides = array<i32>} : memref<16xi32, #tpu.memory_space<vmem>>, vector<16xi32>,
    %reduce_max3A = arith.constant true
    %reduce_max3A_7 = vector.broadcast %reduce_max3A : i1 to vector<16xi1>
    %reduce_max3A_8 = arith.constant -2147483648 : i32
    %reduce_max3A_9 = vector.broadcast %reduce_max3A_8 : i32 to vector<16xi32>
    %reduce_max3A_10 = arith.xori %get3A_6, %reduce_max3A_9 : vector<16xi32>
    %reduce_max3A_11 = tpu.scan <max>, %reduce_max3A_10 masked %reduce_max3A_7 : vector<16xi32>, vector<16xi1> -> vector<16xi32>
    %reduce_max3A_12 = arith.xori %reduce_max3A_11, %reduce_max3A_9 : vector<16xi32>
    %reduce_max3A_13 = vector.extract %reduce_max3A_12[15] : i32 from vector<16xi32>
    %jit3A = arith.constant 32 : i32
    %div3A = arith.divsi %reduce_max3A_13, %jit3A : i32
    %sign3A = arith.constant 0 : i32
    %sign3A_14 = arith.cmpi sgt, %reduce_max3A_13, %sign3A : i32
    %sign3A_15 = arith.extui %sign3A_14 : i1 to i32
    %sign3A_16 = arith.constant 0 : i32
    %sign3A_17 = arith.cmpi slt, %reduce_max3A_13, %sign3A_16 : i32
    %sign3A_18 = arith.extui %sign3A_17 : i1 to i32
    %sign3A_19 = arith.subi %sign3A_15, %sign3A_18 : i32
    %sign3A_20 = arith.constant 0 : i32
    %sign3A_21 = arith.cmpi sgt, %jit3A, %sign3A_20 : i32
    %sign3A_22 = arith.extui %sign3A_21 : i1 to i32
    %sign3A_23 = arith.constant 0 : i32
    %sign3A_24 = arith.cmpi slt, %jit3A, %sign3A_23 : i32
    %sign3A_25 = arith.extui %sign3A_24 : i1 to i32
    %sign3A_26 = arith.subi %sign3A_22, %sign3A_25 : i32
    %ne3A = arith.cmpi ne, %sign3A_19, %sign3A_26 : i32
    %rem3A = arith.remsi %reduce_max3A_13, %jit3A : i32
    %ne3A_27 = arith.constant 0 : i32
    %ne3A_28 = arith.cmpi ne, %rem3A, %ne3A_27 : i32
    %and3A = arith.andi %ne3A, %ne3A_28 : i1
    %sub3A = arith.constant 1 : i32
    %sub3A_29 = arith.subi %div3A, %sub3A : i32
    %select_n3A = arith.select %and3A, %sub3A_29, %div3A : i32
    %mul3A_30 = arith.constant 8 : i32
    %mul3A_31 = arith.muli %add3A, %mul3A_30 : i32
    %add3A_32 = arith.constant 0 : i32
    %add3A_33 = arith.addi %mul3A_31, %add3A_32 : i32
    %jit3A_34 = arith.constant 16 : i32
    %eq3A = arith.constant 0 : i32
    %eq3A_35 = arith.cmpi eq, %jit3A_34, %eq3A : i32
    %jit3A_36 = arith.constant 1 : i32
    %select_n3A_37 = arith.select %eq3A_35, %jit3A_36, %jit3A_34 : i32
    %rem3A_38 = arith.remsi %add3A_33, %select_n3A_37 : i32
    %ne3A_39 = arith.constant 0 : i32
    %ne3A_40 = arith.cmpi ne, %rem3A_38, %ne3A_39 : i32
    %lt3A = arith.constant 0 : i32
    %lt3A_41 = arith.cmpi slt, %rem3A_38, %lt3A : i32
    %lt3A_42 = arith.constant 0 : i32
    %lt3A_43 = arith.cmpi slt, %select_n3A_37, %lt3A_42 : i32
    %ne3A_44 = arith.xori %lt3A_41, %lt3A_43 : i1
    %and3A_45 = arith.andi %ne3A_44, %ne3A_40 : i1
    %add3A_46 = arith.addi %rem3A_38, %select_n3A_37 : i32
    %select_n3A_47 = arith.select %and3A_45, %add3A_46, %rem3A_38 : i32
    %eq3A_48 = arith.cmpi eq, %select_n3A_47, %select_n3A : i32
    %not3A = arith.constant true
    %not3A_49 = arith.xori %eq3A_48, %not3A : i1
    %convert_element_type3A = arith.extui %not3A_49 : i1 to i32
    %cond3A = arith.constant 0 : i32
    %cond3A_50 = arith.cmpi ne, %convert_element_type3A, %cond3A : i32
    scf.if %cond3A_50 {
      %mul3A_980 = arith.constant 8 : i32
      %mul3A_981 = arith.muli %add3A, %mul3A_980 : i32
      %add3A_982 = arith.constant 0 : i32
      %add3A_983 = arith.addi %mul3A_981, %add3A_982 : i32
      %jit3A_984 = arith.constant 16 : i32
      %div3A_985 = arith.divsi %add3A_983, %jit3A_984 : i32
      %sign3A_986 = arith.constant 0 : i32
      %sign3A_987 = arith.cmpi sgt, %add3A_983, %sign3A_986 : i32
      %sign3A_988 = arith.extui %sign3A_987 : i1 to i32
      %sign3A_989 = arith.constant 0 : i32
      %sign3A_990 = arith.cmpi slt, %add3A_983, %sign3A_989 : i32
      %sign3A_991 = arith.extui %sign3A_990 : i1 to i32
      %sign3A_992 = arith.subi %sign3A_988, %sign3A_991 : i32
      %sign3A_993 = arith.constant 0 : i32
      %sign3A_994 = arith.cmpi sgt, %jit3A_984, %sign3A_993 : i32
      %sign3A_995 = arith.extui %sign3A_994 : i1 to i32
      %sign3A_996 = arith.constant 0 : i32
      %sign3A_997 = arith.cmpi slt, %jit3A_984, %sign3A_996 : i32
      %sign3A_998 = arith.extui %sign3A_997 : i1 to i32
      %sign3A_999 = arith.subi %sign3A_995, %sign3A_998 : i32
      %ne3A_1000 = arith.cmpi ne, %sign3A_992, %sign3A_999 : i32
      %rem3A_1001 = arith.remsi %add3A_983, %jit3A_984 : i32
      %ne3A_1002 = arith.constant 0 : i32
      %ne3A_1003 = arith.cmpi ne, %rem3A_1001, %ne3A_1002 : i32
      %and3A_1004 = arith.andi %ne3A_1000, %ne3A_1003 : i1
      %sub3A_1005 = arith.constant 1 : i32
      %sub3A_1006 = arith.subi %div3A_985, %sub3A_1005 : i32
      %select_n3A_1007 = arith.select %and3A_1004, %sub3A_1006, %div3A_985 : i32
      %mul3A_1008 = arith.constant 8 : i32
      %mul3A_1009 = arith.muli %select_n3A_1007, %mul3A_1008 : i32
      %jit3A_1010 = arith.constant 16 : i32
      %eq3A_1011 = arith.constant 0 : i32
      %eq3A_1012 = arith.cmpi eq, %jit3A_1010, %eq3A_1011 : i32
      %jit3A_1013 = arith.constant 1 : i32
      %select_n3A_1014 = arith.select %eq3A_1012, %jit3A_1013, %jit3A_1010 : i32
      %rem3A_1015 = arith.remsi %add3A_983, %select_n3A_1014 : i32
      %ne3A_1016 = arith.constant 0 : i32
      %ne3A_1017 = arith.cmpi ne, %rem3A_1015, %ne3A_1016 : i32
      %lt3A_1018 = arith.constant 0 : i32
      %lt3A_1019 = arith.cmpi slt, %rem3A_1015, %lt3A_1018 : i32
      %lt3A_1020 = arith.constant 0 : i32
      %lt3A_1021 = arith.cmpi slt, %select_n3A_1014, %lt3A_1020 : i32
      %ne3A_1022 = arith.xori %lt3A_1019, %lt3A_1021 : i1
      %and3A_1023 = arith.andi %ne3A_1022, %ne3A_1017 : i1
      %add3A_1024 = arith.addi %rem3A_1015, %select_n3A_1014 : i32
      %select_n3A_1025 = arith.select %and3A_1023, %add3A_1024, %rem3A_1015 : i32
      %mul3A_1026 = arith.constant 4096 : i32
      %mul3A_1027 = arith.muli %select_n3A_1025, %mul3A_1026 : i32
      %dma_start3A_1028 = arith.constant 0 : i32
      %dma_start3A_1029 = arith.constant 0 : i32
      %dma_start3A_1030 = arith.constant 0 : i32
      %dma_start3A_1031 = tpu.memref_slice %arg6[%dma_start3A_1028, %dma_start3A_1029, %dma_start3A_1030] : memref<2x8x4096xf32, #tpu.memory_space<vmem>> -> memref<1x8x4096xf32, #tpu.memory_space<vmem>>
      %dma_start3A_1032 = tpu.memref_squeeze %dma_start3A_1031 : memref<1x8x4096xf32, #tpu.memory_space<vmem>> -> memref<8x4096xf32, #tpu.memory_space<vmem>>
      %dma_start3A_1033 = tpu.memref_slice %arg2[%mul3A_1009, %mul3A_1027] : memref<128x65536xf32, #tpu.memory_space<hbm>> -> memref<8x4096xf32, #tpu.memory_space<hbm>>
      %dma_start3A_1034 = arith.constant 0 : i32
      %dma_start3A_1035 = arith.constant 0 : i32
      %dma_start3A_1036 = tpu.memref_slice %arg6[%dma_start3A_1028, %dma_start3A_1034, %dma_start3A_1035] : memref<2x8x4096xf32, #tpu.memory_space<vmem>> -> memref<1x8x4096xf32, #tpu.memory_space<vmem>>
      %dma_start3A_1037 = tpu.memref_squeeze %dma_start3A_1036 : memref<1x8x4096xf32, #tpu.memory_space<vmem>> -> memref<8x4096xf32, #tpu.memory_space<vmem>>
      %dma_start3A_1038 = tpu.memref_slice %arg2[%mul3A_1009, %mul3A_1027] : memref<128x65536xf32, #tpu.memory_space<hbm>> -> memref<8x4096xf32, #tpu.memory_space<hbm>>
      tpu.enqueue_dma source(%dma_start3A_1038 : memref<8x4096xf32, #tpu.memory_space<hbm>>) target(%dma_start3A_1037 : memref<8x4096xf32, #tpu.memory_space<vmem>>) target_semaphore(%arg10 : memref<!tpu.dma_semaphore, #tpu.memory_space<semaphore_mem>>)
    } else {
    }
    %mul3A_51 = arith.constant 8 : i32
    %mul3A_52 = arith.muli %add3A, %mul3A_51 : i32
    %add3A_53 = arith.constant 1 : i32
    %add3A_54 = arith.addi %mul3A_52, %add3A_53 : i32
    %jit3A_55 = arith.constant 16 : i32
    %eq3A_56 = arith.constant 0 : i32
    %eq3A_57 = arith.cmpi eq, %jit3A_55, %eq3A_56 : i32
    %jit3A_58 = arith.constant 1 : i32
    %select_n3A_59 = arith.select %eq3A_57, %jit3A_58, %jit3A_55 : i32
    %rem3A_60 = arith.remsi %add3A_54, %select_n3A_59 : i32
    %ne3A_61 = arith.constant 0 : i32
    %ne3A_62 = arith.cmpi ne, %rem3A_60, %ne3A_61 : i32
    %lt3A_63 = arith.constant 0 : i32
    %lt3A_64 = arith.cmpi slt, %rem3A_60, %lt3A_63 : i32
    %lt3A_65 = arith.constant 0 : i32
    %lt3A_66 = arith.cmpi slt, %select_n3A_59, %lt3A_65 : i32
    %ne3A_67 = arith.xori %lt3A_64, %lt3A_66 : i1
    %and3A_68 = arith.andi %ne3A_67, %ne3A_62 : i1
    %add3A_69 = arith.addi %rem3A_60, %select_n3A_59 : i32
    %select_n3A_70 = arith.select %and3A_68, %add3A_69, %rem3A_60 : i32
    %eq3A_71 = arith.cmpi eq, %select_n3A_70, %select_n3A : i32
    %not3A_72 = arith.constant true
    %not3A_73 = arith.xori %eq3A_71, %not3A_72 : i1
    %convert_element_type3A_74 = arith.extui %not3A_73 : i1 to i32
    %cond3A_75 = arith.constant 0 : i32
    %cond3A_76 = arith.cmpi ne, %convert_element_type3A_74, %cond3A_75 : i32
    scf.if %cond3A_76 {
      %mul3A_980 = arith.constant 8 : i32
      %mul3A_981 = arith.muli %add3A, %mul3A_980 : i32
      %add3A_982 = arith.constant 1 : i32
      %add3A_983 = arith.addi %mul3A_981, %add3A_982 : i32
      %jit3A_984 = arith.constant 16 : i32
      %div3A_985 = arith.divsi %add3A_983, %jit3A_984 : i32
      %sign3A_986 = arith.constant 0 : i32
      %sign3A_987 = arith.cmpi sgt, %add3A_983, %sign3A_986 : i32
      %sign3A_988 = arith.extui %sign3A_987 : i1 to i32
      %sign3A_989 = arith.constant 0 : i32
      %sign3A_990 = arith.cmpi slt, %add3A_983, %sign3A_989 : i32
      %sign3A_991 = arith.extui %sign3A_990 : i1 to i32
      %sign3A_992 = arith.subi %sign3A_988, %sign3A_991 : i32
      %sign3A_993 = arith.constant 0 : i32
      %sign3A_994 = arith.cmpi sgt, %jit3A_984, %sign3A_993 : i32
      %sign3A_995 = arith.extui %sign3A_994 : i1 to i32
      %sign3A_996 = arith.constant 0 : i32
      %sign3A_997 = arith.cmpi slt, %jit3A_984, %sign3A_996 : i32
      %sign3A_998 = arith.extui %sign3A_997 : i1 to i32
      %sign3A_999 = arith.subi %sign3A_995, %sign3A_998 : i32
      %ne3A_1000 = arith.cmpi ne, %sign3A_992, %sign3A_999 : i32
      %rem3A_1001 = arith.remsi %add3A_983, %jit3A_984 : i32
      %ne3A_1002 = arith.constant 0 : i32
      %ne3A_1003 = arith.cmpi ne, %rem3A_1001, %ne3A_1002 : i32
      %and3A_1004 = arith.andi %ne3A_1000, %ne3A_1003 : i1
      %sub3A_1005 = arith.constant 1 : i32
      %sub3A_1006 = arith.subi %div3A_985, %sub3A_1005 : i32
      %select_n3A_1007 = arith.select %and3A_1004, %sub3A_1006, %div3A_985 : i32
      %mul3A_1008 = arith.constant 8 : i32
      %mul3A_1009 = arith.muli %select_n3A_1007, %mul3A_1008 : i32
      %jit3A_1010 = arith.constant 16 : i32
      %eq3A_1011 = arith.constant 0 : i32
      %eq3A_1012 = arith.cmpi eq, %jit3A_1010, %eq3A_1011 : i32
      %jit3A_1013 = arith.constant 1 : i32
      %select_n3A_1014 = arith.select %eq3A_1012, %jit3A_1013, %jit3A_1010 : i32
      %rem3A_1015 = arith.remsi %add3A_983, %select_n3A_1014 : i32
      %ne3A_1016 = arith.constant 0 : i32
      %ne3A_1017 = arith.cmpi ne, %rem3A_1015, %ne3A_1016 : i32
      %lt3A_1018 = arith.constant 0 : i32
      %lt3A_1019 = arith.cmpi slt, %rem3A_1015, %lt3A_1018 : i32
      %lt3A_1020 = arith.constant 0 : i32
      %lt3A_1021 = arith.cmpi slt, %select_n3A_1014, %lt3A_1020 : i32
      %ne3A_1022 = arith.xori %lt3A_1019, %lt3A_1021 : i1
      %and3A_1023 = arith.andi %ne3A_1022, %ne3A_1017 : i1
      %add3A_1024 = arith.addi %rem3A_1015, %select_n3A_1014 : i32
      %select_n3A_1025 = arith.select %and3A_1023, %add3A_1024, %rem3A_1015 : i32
      %mul3A_1026 = arith.constant 4096 : i32
      %mul3A_1027 = arith.muli %select_n3A_1025, %mul3A_1026 : i32
      %dma_start3A_1028 = arith.constant 1 : i32
      %dma_start3A_1029 = arith.constant 0 : i32
      %dma_start3A_1030 = arith.constant 0 : i32
      %dma_start3A_1031 = tpu.memref_slice %arg6[%dma_start3A_1028, %dma_start3A_1029, %dma_start3A_1030] : memref<2x8x4096xf32, #tpu.memory_space<vmem>> -> memref<1x8x4096xf32, #tpu.memory_space<vmem>>
      %dma_start3A_1032 = tpu.memref_squeeze %dma_start3A_1031 : memref<1x8x4096xf32, #tpu.memory_space<vmem>> -> memref<8x4096xf32, #tpu.memory_space<vmem>>
      %dma_start3A_1033 = tpu.memref_slice %arg2[%mul3A_1009, %mul3A_1027] : memref<128x65536xf32, #tpu.memory_space<hbm>> -> memref<8x4096xf32, #tpu.memory_space<hbm>>
      %dma_start3A_1034 = arith.constant 0 : i32
      %dma_start3A_1035 = arith.constant 0 : i32
      %dma_start3A_1036 = tpu.memref_slice %arg6[%dma_start3A_1028, %dma_start3A_1034, %dma_start3A_1035] : memref<2x8x4096xf32, #tpu.memory_space<vmem>> -> memref<1x8x4096xf32, #tpu.memory_space<vmem>>
      %dma_start3A_1037 = tpu.memref_squeeze %dma_start3A_1036 : memref<1x8x4096xf32, #tpu.memory_space<vmem>> -> memref<8x4096xf32, #tpu.memory_space<vmem>>
      %dma_start3A_1038 = tpu.memref_slice %arg2[%mul3A_1009, %mul3A_1027] : memref<128x65536xf32, #tpu.memory_space<hbm>> -> memref<8x4096xf32, #tpu.memory_space<hbm>>
      tpu.enqueue_dma source(%dma_start3A_1038 : memref<8x4096xf32, #tpu.memory_space<hbm>>) target(%dma_start3A_1037 : memref<8x4096xf32, #tpu.memory_space<vmem>>) target_semaphore(%arg11 : memref<!tpu.dma_semaphore, #tpu.memory_space<semaphore_mem>>)
    } else {
    }
    %dma_wait3A = arith.constant 0 : i32
    %dma_wait3A_77 = tpu.memref_slice %arg3[%mul3A_2, %dma_wait3A] : memref<4096x128xf32, #tpu.memory_space<hbm>> -> memref<128x128xf32, #tpu.memory_space<hbm>>
    %dma_wait3A_78 = arith.constant 0 : i32
    %dma_wait3A_79 = tpu.memref_slice %arg3[%mul3A_2, %dma_wait3A_78] : memref<4096x128xf32, #tpu.memory_space<hbm>> -> memref<128x128xf32, #tpu.memory_space<hbm>>
    tpu.wait_dma2 semaphore(%arg16 : memref<!tpu.dma_semaphore, #tpu.memory_space<semaphore_mem>>) src(%dma_wait3A_79 : memref<128x128xf32, #tpu.memory_space<hbm>>) dst(%arg7 : memref<128x128xf32, #tpu.memory_space<vmem>>)
    %iota3A = tpu.iota {dimensions = array<i32: 0>} : vector<16xi32>
    %scan3A = arith.constant 0 : i32
    %scan3A_80 = arith.constant 0 : i32
    %scan3A_81 = arith.constant 128 : i32
    %scan3A_82 = arith.addi %scan3A_80, %scan3A_81 : i32
    %scan3A_83 = arith.constant 1 : i32
    scf.for %scan3A_980 = %scan3A_80 to %scan3A_82 step %scan3A_83  : i32 {
      %broadcast_in_dim3A = vector.broadcast %scan3A_980 : i32 to vector<16xi32>
      %add3A_981 = arith.constant 0 : i32
      %add3A_982 = vector.broadcast %add3A_981 : i32 to vector<16xi32>
      %add3A_983 = arith.addi %add3A_982, %iota3A : vector<16xi32>
      %gather3A = tpu.vector_load_idx %arg7[%add3A_983, %broadcast_in_dim3A] : memref<128x128xf32, #tpu.memory_space<vmem>>[vector<16xi32>, vector<16xi32>], vector<16xf32>,
      tpu.vector_store_idx %arg8[%broadcast_in_dim3A, %add3A_983], %gather3A : memref<128x128xf32, #tpu.memory_space<vmem>>[vector<16xi32>, vector<16xi32>], vector<16xf32>,
      %add3A_984 = arith.constant 16 : i32
      %add3A_985 = vector.broadcast %add3A_984 : i32 to vector<16xi32>
      %add3A_986 = arith.addi %add3A_985, %iota3A : vector<16xi32>
      %gather3A_987 = tpu.vector_load_idx %arg7[%add3A_986, %broadcast_in_dim3A] : memref<128x128xf32, #tpu.memory_space<vmem>>[vector<16xi32>, vector<16xi32>], vector<16xf32>,
      tpu.vector_store_idx %arg8[%broadcast_in_dim3A, %add3A_986], %gather3A_987 : memref<128x128xf32, #tpu.memory_space<vmem>>[vector<16xi32>, vector<16xi32>], vector<16xf32>,
      %add3A_988 = arith.constant 32 : i32
      %add3A_989 = vector.broadcast %add3A_988 : i32 to vector<16xi32>
      %add3A_990 = arith.addi %add3A_989, %iota3A : vector<16xi32>
      %gather3A_991 = tpu.vector_load_idx %arg7[%add3A_990, %broadcast_in_dim3A] : memref<128x128xf32, #tpu.memory_space<vmem>>[vector<16xi32>, vector<16xi32>], vector<16xf32>,
      tpu.vector_store_idx %arg8[%broadcast_in_dim3A, %add3A_990], %gather3A_991 : memref<128x128xf32, #tpu.memory_space<vmem>>[vector<16xi32>, vector<16xi32>], vector<16xf32>,
      %add3A_992 = arith.constant 48 : i32
      %add3A_993 = vector.broadcast %add3A_992 : i32 to vector<16xi32>
      %add3A_994 = arith.addi %add3A_993, %iota3A : vector<16xi32>
      %gather3A_995 = tpu.vector_load_idx %arg7[%add3A_994, %broadcast_in_dim3A] : memref<128x128xf32, #tpu.memory_space<vmem>>[vector<16xi32>, vector<16xi32>], vector<16xf32>,
      tpu.vector_store_idx %arg8[%broadcast_in_dim3A, %add3A_994], %gather3A_995 : memref<128x128xf32, #tpu.memory_space<vmem>>[vector<16xi32>, vector<16xi32>], vector<16xf32>,
      %add3A_996 = arith.constant 64 : i32
      %add3A_997 = vector.broadcast %add3A_996 : i32 to vector<16xi32>
      %add3A_998 = arith.addi %add3A_997, %iota3A : vector<16xi32>
      %gather3A_999 = tpu.vector_load_idx %arg7[%add3A_998, %broadcast_in_dim3A] : memref<128x128xf32, #tpu.memory_space<vmem>>[vector<16xi32>, vector<16xi32>], vector<16xf32>,
      tpu.vector_store_idx %arg8[%broadcast_in_dim3A, %add3A_998], %gather3A_999 : memref<128x128xf32, #tpu.memory_space<vmem>>[vector<16xi32>, vector<16xi32>], vector<16xf32>,
      %add3A_1000 = arith.constant 80 : i32
      %add3A_1001 = vector.broadcast %add3A_1000 : i32 to vector<16xi32>
      %add3A_1002 = arith.addi %add3A_1001, %iota3A : vector<16xi32>
      %gather3A_1003 = tpu.vector_load_idx %arg7[%add3A_1002, %broadcast_in_dim3A] : memref<128x128xf32, #tpu.memory_space<vmem>>[vector<16xi32>, vector<16xi32>], vector<16xf32>,
      tpu.vector_store_idx %arg8[%broadcast_in_dim3A, %add3A_1002], %gather3A_1003 : memref<128x128xf32, #tpu.memory_space<vmem>>[vector<16xi32>, vector<16xi32>], vector<16xf32>,
      %add3A_1004 = arith.constant 96 : i32
      %add3A_1005 = vector.broadcast %add3A_1004 : i32 to vector<16xi32>
      %add3A_1006 = arith.addi %add3A_1005, %iota3A : vector<16xi32>
      %gather3A_1007 = tpu.vector_load_idx %arg7[%add3A_1006, %broadcast_in_dim3A] : memref<128x128xf32, #tpu.memory_space<vmem>>[vector<16xi32>, vector<16xi32>], vector<16xf32>,
      tpu.vector_store_idx %arg8[%broadcast_in_dim3A, %add3A_1006], %gather3A_1007 : memref<128x128xf32, #tpu.memory_space<vmem>>[vector<16xi32>, vector<16xi32>], vector<16xf32>,
      %add3A_1008 = arith.constant 112 : i32
      %add3A_1009 = vector.broadcast %add3A_1008 : i32 to vector<16xi32>
      %add3A_1010 = arith.addi %add3A_1009, %iota3A : vector<16xi32>
      %gather3A_1011 = tpu.vector_load_idx %arg7[%add3A_1010, %broadcast_in_dim3A] : memref<128x128xf32, #tpu.memory_space<vmem>>[vector<16xi32>, vector<16xi32>], vector<16xf32>,
      tpu.vector_store_idx %arg8[%broadcast_in_dim3A, %add3A_1010], %gather3A_1011 : memref<128x128xf32, #tpu.memory_space<vmem>>[vector<16xi32>, vector<16xi32>], vector<16xf32>,
    }
    %scan3A_84 = arith.constant 128 : i32
    %add3A_85 = arith.addi %reduce_max3A_13, %add3A : i32
    %mul3A_86 = arith.constant 128 : i32
    %mul3A_87 = arith.muli %add3A_85, %mul3A_86 : i32
    %dma_start3A_88 = arith.constant 0 : i32
    %dma_start3A_89 = arith.constant 0 : i32
    %dma_start3A_90 = tpu.memref_slice %arg8[%dma_start3A_88, %dma_start3A_89] : memref<128x128xf32, #tpu.memory_space<vmem>> -> memref<8x128xf32, #tpu.memory_space<vmem>>
    %dma_start3A_91 = arith.constant 0 : i32
    %dma_start3A_92 = tpu.memref_slice %arg5[%dma_start3A_91, %mul3A_87] : memref<128x65536xf32, #tpu.memory_space<hbm>> -> memref<8x128xf32, #tpu.memory_space<hbm>>
    %dma_start3A_93 = arith.constant 0 : i32
    %dma_start3A_94 = tpu.memref_slice %arg5[%dma_start3A_93, %mul3A_87] : memref<128x65536xf32, #tpu.memory_space<hbm>> -> memref<8x128xf32, #tpu.memory_space<hbm>>
    %dma_start3A_95 = arith.constant 0 : i32
    %dma_start3A_96 = arith.constant 0 : i32
    %dma_start3A_97 = tpu.memref_slice %arg8[%dma_start3A_95, %dma_start3A_96] : memref<128x128xf32, #tpu.memory_space<vmem>> -> memref<8x128xf32, #tpu.memory_space<vmem>>
    tpu.enqueue_dma source(%dma_start3A_97 : memref<8x128xf32, #tpu.memory_space<vmem>>) target(%dma_start3A_94 : memref<8x128xf32, #tpu.memory_space<hbm>>) target_semaphore(%arg17 : memref<!tpu.dma_semaphore, #tpu.memory_space<semaphore_mem>>)
    %dma_start3A_98 = arith.constant 8 : i32
    %dma_start3A_99 = arith.constant 0 : i32
    %dma_start3A_100 = tpu.memref_slice %arg8[%dma_start3A_98, %dma_start3A_99] : memref<128x128xf32, #tpu.memory_space<vmem>> -> memref<8x128xf32, #tpu.memory_space<vmem>>
    %dma_start3A_101 = arith.constant 8 : i32
    %dma_start3A_102 = tpu.memref_slice %arg5[%dma_start3A_101, %mul3A_87] : memref<128x65536xf32, #tpu.memory_space<hbm>> -> memref<8x128xf32, #tpu.memory_space<hbm>>
    %dma_start3A_103 = arith.constant 8 : i32
    %dma_start3A_104 = tpu.memref_slice %arg5[%dma_start3A_103, %mul3A_87] : memref<128x65536xf32, #tpu.memory_space<hbm>> -> memref<8x128xf32, #tpu.memory_space<hbm>>
    %dma_start3A_105 = arith.constant 8 : i32
    %dma_start3A_106 = arith.constant 0 : i32
    %dma_start3A_107 = tpu.memref_slice %arg8[%dma_start3A_105, %dma_start3A_106] : memref<128x128xf32, #tpu.memory_space<vmem>> -> memref<8x128xf32, #tpu.memory_space<vmem>>
    tpu.enqueue_dma source(%dma_start3A_107 : memref<8x128xf32, #tpu.memory_space<vmem>>) target(%dma_start3A_104 : memref<8x128xf32, #tpu.memory_space<hbm>>) target_semaphore(%arg17 : memref<!tpu.dma_semaphore, #tpu.memory_space<semaphore_mem>>)
    %dma_start3A_108 = arith.constant 16 : i32
    %dma_start3A_109 = arith.constant 0 : i32
    %dma_start3A_110 = tpu.memref_slice %arg8[%dma_start3A_108, %dma_start3A_109] : memref<128x128xf32, #tpu.memory_space<vmem>> -> memref<8x128xf32, #tpu.memory_space<vmem>>
    %dma_start3A_111 = arith.constant 16 : i32
    %dma_start3A_112 = tpu.memref_slice %arg5[%dma_start3A_111, %mul3A_87] : memref<128x65536xf32, #tpu.memory_space<hbm>> -> memref<8x128xf32, #tpu.memory_space<hbm>>
    %dma_start3A_113 = arith.constant 16 : i32
    %dma_start3A_114 = tpu.memref_slice %arg5[%dma_start3A_113, %mul3A_87] : memref<128x65536xf32, #tpu.memory_space<hbm>> -> memref<8x128xf32, #tpu.memory_space<hbm>>
    %dma_start3A_115 = arith.constant 16 : i32
    %dma_start3A_116 = arith.constant 0 : i32
    %dma_start3A_117 = tpu.memref_slice %arg8[%dma_start3A_115, %dma_start3A_116] : memref<128x128xf32, #tpu.memory_space<vmem>> -> memref<8x128xf32, #tpu.memory_space<vmem>>
    tpu.enqueue_dma source(%dma_start3A_117 : memref<8x128xf32, #tpu.memory_space<vmem>>) target(%dma_start3A_114 : memref<8x128xf32, #tpu.memory_space<hbm>>) target_semaphore(%arg17 : memref<!tpu.dma_semaphore, #tpu.memory_space<semaphore_mem>>)
    %dma_start3A_118 = arith.constant 24 : i32
    %dma_start3A_119 = arith.constant 0 : i32
    %dma_start3A_120 = tpu.memref_slice %arg8[%dma_start3A_118, %dma_start3A_119] : memref<128x128xf32, #tpu.memory_space<vmem>> -> memref<8x128xf32, #tpu.memory_space<vmem>>
    %dma_start3A_121 = arith.constant 24 : i32
    %dma_start3A_122 = tpu.memref_slice %arg5[%dma_start3A_121, %mul3A_87] : memref<128x65536xf32, #tpu.memory_space<hbm>> -> memref<8x128xf32, #tpu.memory_space<hbm>>
    %dma_start3A_123 = arith.constant 24 : i32
    %dma_start3A_124 = tpu.memref_slice %arg5[%dma_start3A_123, %mul3A_87] : memref<128x65536xf32, #tpu.memory_space<hbm>> -> memref<8x128xf32, #tpu.memory_space<hbm>>
    %dma_start3A_125 = arith.constant 24 : i32
    %dma_start3A_126 = arith.constant 0 : i32
    %dma_start3A_127 = tpu.memref_slice %arg8[%dma_start3A_125, %dma_start3A_126] : memref<128x128xf32, #tpu.memory_space<vmem>> -> memref<8x128xf32, #tpu.memory_space<vmem>>
    tpu.enqueue_dma source(%dma_start3A_127 : memref<8x128xf32, #tpu.memory_space<vmem>>) target(%dma_start3A_124 : memref<8x128xf32, #tpu.memory_space<hbm>>) target_semaphore(%arg17 : memref<!tpu.dma_semaphore, #tpu.memory_space<semaphore_mem>>)
    %dma_start3A_128 = arith.constant 32 : i32
    %dma_start3A_129 = arith.constant 0 : i32
    %dma_start3A_130 = tpu.memref_slice %arg8[%dma_start3A_128, %dma_start3A_129] : memref<128x128xf32, #tpu.memory_space<vmem>> -> memref<8x128xf32, #tpu.memory_space<vmem>>
    %dma_start3A_131 = arith.constant 32 : i32
    %dma_start3A_132 = tpu.memref_slice %arg5[%dma_start3A_131, %mul3A_87] : memref<128x65536xf32, #tpu.memory_space<hbm>> -> memref<8x128xf32, #tpu.memory_space<hbm>>
    %dma_start3A_133 = arith.constant 32 : i32
    %dma_start3A_134 = tpu.memref_slice %arg5[%dma_start3A_133, %mul3A_87] : memref<128x65536xf32, #tpu.memory_space<hbm>> -> memref<8x128xf32, #tpu.memory_space<hbm>>
    %dma_start3A_135 = arith.constant 32 : i32
    %dma_start3A_136 = arith.constant 0 : i32
    %dma_start3A_137 = tpu.memref_slice %arg8[%dma_start3A_135, %dma_start3A_136] : memref<128x128xf32, #tpu.memory_space<vmem>> -> memref<8x128xf32, #tpu.memory_space<vmem>>
    tpu.enqueue_dma source(%dma_start3A_137 : memref<8x128xf32, #tpu.memory_space<vmem>>) target(%dma_start3A_134 : memref<8x128xf32, #tpu.memory_space<hbm>>) target_semaphore(%arg17 : memref<!tpu.dma_semaphore, #tpu.memory_space<semaphore_mem>>)
    %dma_start3A_138 = arith.constant 40 : i32
    %dma_start3A_139 = arith.constant 0 : i32
    %dma_start3A_140 = tpu.memref_slice %arg8[%dma_start3A_138, %dma_start3A_139] : memref<128x128xf32, #tpu.memory_space<vmem>> -> memref<8x128xf32, #tpu.memory_space<vmem>>
    %dma_start3A_141 = arith.constant 40 : i32
    %dma_start3A_142 = tpu.memref_slice %arg5[%dma_start3A_141, %mul3A_87] : memref<128x65536xf32, #tpu.memory_space<hbm>> -> memref<8x128xf32, #tpu.memory_space<hbm>>
    %dma_start3A_143 = arith.constant 40 : i32
    %dma_start3A_144 = tpu.memref_slice %arg5[%dma_start3A_143, %mul3A_87] : memref<128x65536xf32, #tpu.memory_space<hbm>> -> memref<8x128xf32, #tpu.memory_space<hbm>>
    %dma_start3A_145 = arith.constant 40 : i32
    %dma_start3A_146 = arith.constant 0 : i32
    %dma_start3A_147 = tpu.memref_slice %arg8[%dma_start3A_145, %dma_start3A_146] : memref<128x128xf32, #tpu.memory_space<vmem>> -> memref<8x128xf32, #tpu.memory_space<vmem>>
    tpu.enqueue_dma source(%dma_start3A_147 : memref<8x128xf32, #tpu.memory_space<vmem>>) target(%dma_start3A_144 : memref<8x128xf32, #tpu.memory_space<hbm>>) target_semaphore(%arg17 : memref<!tpu.dma_semaphore, #tpu.memory_space<semaphore_mem>>)
    %dma_start3A_148 = arith.constant 48 : i32
    %dma_start3A_149 = arith.constant 0 : i32
    %dma_start3A_150 = tpu.memref_slice %arg8[%dma_start3A_148, %dma_start3A_149] : memref<128x128xf32, #tpu.memory_space<vmem>> -> memref<8x128xf32, #tpu.memory_space<vmem>>
    %dma_start3A_151 = arith.constant 48 : i32
    %dma_start3A_152 = tpu.memref_slice %arg5[%dma_start3A_151, %mul3A_87] : memref<128x65536xf32, #tpu.memory_space<hbm>> -> memref<8x128xf32, #tpu.memory_space<hbm>>
    %dma_start3A_153 = arith.constant 48 : i32
    %dma_start3A_154 = tpu.memref_slice %arg5[%dma_start3A_153, %mul3A_87] : memref<128x65536xf32, #tpu.memory_space<hbm>> -> memref<8x128xf32, #tpu.memory_space<hbm>>
    %dma_start3A_155 = arith.constant 48 : i32
    %dma_start3A_156 = arith.constant 0 : i32
    %dma_start3A_157 = tpu.memref_slice %arg8[%dma_start3A_155, %dma_start3A_156] : memref<128x128xf32, #tpu.memory_space<vmem>> -> memref<8x128xf32, #tpu.memory_space<vmem>>
    tpu.enqueue_dma source(%dma_start3A_157 : memref<8x128xf32, #tpu.memory_space<vmem>>) target(%dma_start3A_154 : memref<8x128xf32, #tpu.memory_space<hbm>>) target_semaphore(%arg17 : memref<!tpu.dma_semaphore, #tpu.memory_space<semaphore_mem>>)
    %dma_start3A_158 = arith.constant 56 : i32
    %dma_start3A_159 = arith.constant 0 : i32
    %dma_start3A_160 = tpu.memref_slice %arg8[%dma_start3A_158, %dma_start3A_159] : memref<128x128xf32, #tpu.memory_space<vmem>> -> memref<8x128xf32, #tpu.memory_space<vmem>>
    %dma_start3A_161 = arith.constant 56 : i32
    %dma_start3A_162 = tpu.memref_slice %arg5[%dma_start3A_161, %mul3A_87] : memref<128x65536xf32, #tpu.memory_space<hbm>> -> memref<8x128xf32, #tpu.memory_space<hbm>>
    %dma_start3A_163 = arith.constant 56 : i32
    %dma_start3A_164 = tpu.memref_slice %arg5[%dma_start3A_163, %mul3A_87] : memref<128x65536xf32, #tpu.memory_space<hbm>> -> memref<8x128xf32, #tpu.memory_space<hbm>>
    %dma_start3A_165 = arith.constant 56 : i32
    %dma_start3A_166 = arith.constant 0 : i32
    %dma_start3A_167 = tpu.memref_slice %arg8[%dma_start3A_165, %dma_start3A_166] : memref<128x128xf32, #tpu.memory_space<vmem>> -> memref<8x128xf32, #tpu.memory_space<vmem>>
    tpu.enqueue_dma source(%dma_start3A_167 : memref<8x128xf32, #tpu.memory_space<vmem>>) target(%dma_start3A_164 : memref<8x128xf32, #tpu.memory_space<hbm>>) target_semaphore(%arg17 : memref<!tpu.dma_semaphore, #tpu.memory_space<semaphore_mem>>)
    %dma_start3A_168 = arith.constant 64 : i32
    %dma_start3A_169 = arith.constant 0 : i32
    %dma_start3A_170 = tpu.memref_slice %arg8[%dma_start3A_168, %dma_start3A_169] : memref<128x128xf32, #tpu.memory_space<vmem>> -> memref<8x128xf32, #tpu.memory_space<vmem>>
    %dma_start3A_171 = arith.constant 64 : i32
    %dma_start3A_172 = tpu.memref_slice %arg5[%dma_start3A_171, %mul3A_87] : memref<128x65536xf32, #tpu.memory_space<hbm>> -> memref<8x128xf32, #tpu.memory_space<hbm>>
    %dma_start3A_173 = arith.constant 64 : i32
    %dma_start3A_174 = tpu.memref_slice %arg5[%dma_start3A_173, %mul3A_87] : memref<128x65536xf32, #tpu.memory_space<hbm>> -> memref<8x128xf32, #tpu.memory_space<hbm>>
    %dma_start3A_175 = arith.constant 64 : i32
    %dma_start3A_176 = arith.constant 0 : i32
    %dma_start3A_177 = tpu.memref_slice %arg8[%dma_start3A_175, %dma_start3A_176] : memref<128x128xf32, #tpu.memory_space<vmem>> -> memref<8x128xf32, #tpu.memory_space<vmem>>
    tpu.enqueue_dma source(%dma_start3A_177 : memref<8x128xf32, #tpu.memory_space<vmem>>) target(%dma_start3A_174 : memref<8x128xf32, #tpu.memory_space<hbm>>) target_semaphore(%arg17 : memref<!tpu.dma_semaphore, #tpu.memory_space<semaphore_mem>>)
    %dma_start3A_178 = arith.constant 72 : i32
    %dma_start3A_179 = arith.constant 0 : i32
    %dma_start3A_180 = tpu.memref_slice %arg8[%dma_start3A_178, %dma_start3A_179] : memref<128x128xf32, #tpu.memory_space<vmem>> -> memref<8x128xf32, #tpu.memory_space<vmem>>
    %dma_start3A_181 = arith.constant 72 : i32
    %dma_start3A_182 = tpu.memref_slice %arg5[%dma_start3A_181, %mul3A_87] : memref<128x65536xf32, #tpu.memory_space<hbm>> -> memref<8x128xf32, #tpu.memory_space<hbm>>
    %dma_start3A_183 = arith.constant 72 : i32
    %dma_start3A_184 = tpu.memref_slice %arg5[%dma_start3A_183, %mul3A_87] : memref<128x65536xf32, #tpu.memory_space<hbm>> -> memref<8x128xf32, #tpu.memory_space<hbm>>
    %dma_start3A_185 = arith.constant 72 : i32
    %dma_start3A_186 = arith.constant 0 : i32
    %dma_start3A_187 = tpu.memref_slice %arg8[%dma_start3A_185, %dma_start3A_186] : memref<128x128xf32, #tpu.memory_space<vmem>> -> memref<8x128xf32, #tpu.memory_space<vmem>>
    tpu.enqueue_dma source(%dma_start3A_187 : memref<8x128xf32, #tpu.memory_space<vmem>>) target(%dma_start3A_184 : memref<8x128xf32, #tpu.memory_space<hbm>>) target_semaphore(%arg17 : memref<!tpu.dma_semaphore, #tpu.memory_space<semaphore_mem>>)
    %dma_start3A_188 = arith.constant 80 : i32
    %dma_start3A_189 = arith.constant 0 : i32
    %dma_start3A_190 = tpu.memref_slice %arg8[%dma_start3A_188, %dma_start3A_189] : memref<128x128xf32, #tpu.memory_space<vmem>> -> memref<8x128xf32, #tpu.memory_space<vmem>>
    %dma_start3A_191 = arith.constant 80 : i32
    %dma_start3A_192 = tpu.memref_slice %arg5[%dma_start3A_191, %mul3A_87] : memref<128x65536xf32, #tpu.memory_space<hbm>> -> memref<8x128xf32, #tpu.memory_space<hbm>>
    %dma_start3A_193 = arith.constant 80 : i32
    %dma_start3A_194 = tpu.memref_slice %arg5[%dma_start3A_193, %mul3A_87] : memref<128x65536xf32, #tpu.memory_space<hbm>> -> memref<8x128xf32, #tpu.memory_space<hbm>>
    %dma_start3A_195 = arith.constant 80 : i32
    %dma_start3A_196 = arith.constant 0 : i32
    %dma_start3A_197 = tpu.memref_slice %arg8[%dma_start3A_195, %dma_start3A_196] : memref<128x128xf32, #tpu.memory_space<vmem>> -> memref<8x128xf32, #tpu.memory_space<vmem>>
    tpu.enqueue_dma source(%dma_start3A_197 : memref<8x128xf32, #tpu.memory_space<vmem>>) target(%dma_start3A_194 : memref<8x128xf32, #tpu.memory_space<hbm>>) target_semaphore(%arg17 : memref<!tpu.dma_semaphore, #tpu.memory_space<semaphore_mem>>)
    %dma_start3A_198 = arith.constant 88 : i32
    %dma_start3A_199 = arith.constant 0 : i32
    %dma_start3A_200 = tpu.memref_slice %arg8[%dma_start3A_198, %dma_start3A_199] : memref<128x128xf32, #tpu.memory_space<vmem>> -> memref<8x128xf32, #tpu.memory_space<vmem>>
    %dma_start3A_201 = arith.constant 88 : i32
    %dma_start3A_202 = tpu.memref_slice %arg5[%dma_start3A_201, %mul3A_87] : memref<128x65536xf32, #tpu.memory_space<hbm>> -> memref<8x128xf32, #tpu.memory_space<hbm>>
    %dma_start3A_203 = arith.constant 88 : i32
    %dma_start3A_204 = tpu.memref_slice %arg5[%dma_start3A_203, %mul3A_87] : memref<128x65536xf32, #tpu.memory_space<hbm>> -> memref<8x128xf32, #tpu.memory_space<hbm>>
    %dma_start3A_205 = arith.constant 88 : i32
    %dma_start3A_206 = arith.constant 0 : i32
    %dma_start3A_207 = tpu.memref_slice %arg8[%dma_start3A_205, %dma_start3A_206] : memref<128x128xf32, #tpu.memory_space<vmem>> -> memref<8x128xf32, #tpu.memory_space<vmem>>
    tpu.enqueue_dma source(%dma_start3A_207 : memref<8x128xf32, #tpu.memory_space<vmem>>) target(%dma_start3A_204 : memref<8x128xf32, #tpu.memory_space<hbm>>) target_semaphore(%arg17 : memref<!tpu.dma_semaphore, #tpu.memory_space<semaphore_mem>>)
    %dma_start3A_208 = arith.constant 96 : i32
    %dma_start3A_209 = arith.constant 0 : i32
    %dma_start3A_210 = tpu.memref_slice %arg8[%dma_start3A_208, %dma_start3A_209] : memref<128x128xf32, #tpu.memory_space<vmem>> -> memref<8x128xf32, #tpu.memory_space<vmem>>
    %dma_start3A_211 = arith.constant 96 : i32
    %dma_start3A_212 = tpu.memref_slice %arg5[%dma_start3A_211, %mul3A_87] : memref<128x65536xf32, #tpu.memory_space<hbm>> -> memref<8x128xf32, #tpu.memory_space<hbm>>
    %dma_start3A_213 = arith.constant 96 : i32
    %dma_start3A_214 = tpu.memref_slice %arg5[%dma_start3A_213, %mul3A_87] : memref<128x65536xf32, #tpu.memory_space<hbm>> -> memref<8x128xf32, #tpu.memory_space<hbm>>
    %dma_start3A_215 = arith.constant 96 : i32
    %dma_start3A_216 = arith.constant 0 : i32
    %dma_start3A_217 = tpu.memref_slice %arg8[%dma_start3A_215, %dma_start3A_216] : memref<128x128xf32, #tpu.memory_space<vmem>> -> memref<8x128xf32, #tpu.memory_space<vmem>>
    tpu.enqueue_dma source(%dma_start3A_217 : memref<8x128xf32, #tpu.memory_space<vmem>>) target(%dma_start3A_214 : memref<8x128xf32, #tpu.memory_space<hbm>>) target_semaphore(%arg17 : memref<!tpu.dma_semaphore, #tpu.memory_space<semaphore_mem>>)
    %dma_start3A_218 = arith.constant 104 : i32
    %dma_start3A_219 = arith.constant 0 : i32
    %dma_start3A_220 = tpu.memref_slice %arg8[%dma_start3A_218, %dma_start3A_219] : memref<128x128xf32, #tpu.memory_space<vmem>> -> memref<8x128xf32, #tpu.memory_space<vmem>>
    %dma_start3A_221 = arith.constant 104 : i32
    %dma_start3A_222 = tpu.memref_slice %arg5[%dma_start3A_221, %mul3A_87] : memref<128x65536xf32, #tpu.memory_space<hbm>> -> memref<8x128xf32, #tpu.memory_space<hbm>>
    %dma_start3A_223 = arith.constant 104 : i32
    %dma_start3A_224 = tpu.memref_slice %arg5[%dma_start3A_223, %mul3A_87] : memref<128x65536xf32, #tpu.memory_space<hbm>> -> memref<8x128xf32, #tpu.memory_space<hbm>>
    %dma_start3A_225 = arith.constant 104 : i32
    %dma_start3A_226 = arith.constant 0 : i32
    %dma_start3A_227 = tpu.memref_slice %arg8[%dma_start3A_225, %dma_start3A_226] : memref<128x128xf32, #tpu.memory_space<vmem>> -> memref<8x128xf32, #tpu.memory_space<vmem>>
    tpu.enqueue_dma source(%dma_start3A_227 : memref<8x128xf32, #tpu.memory_space<vmem>>) target(%dma_start3A_224 : memref<8x128xf32, #tpu.memory_space<hbm>>) target_semaphore(%arg17 : memref<!tpu.dma_semaphore, #tpu.memory_space<semaphore_mem>>)
    %dma_start3A_228 = arith.constant 112 : i32
    %dma_start3A_229 = arith.constant 0 : i32
    %dma_start3A_230 = tpu.memref_slice %arg8[%dma_start3A_228, %dma_start3A_229] : memref<128x128xf32, #tpu.memory_space<vmem>> -> memref<8x128xf32, #tpu.memory_space<vmem>>
    %dma_start3A_231 = arith.constant 112 : i32
    %dma_start3A_232 = tpu.memref_slice %arg5[%dma_start3A_231, %mul3A_87] : memref<128x65536xf32, #tpu.memory_space<hbm>> -> memref<8x128xf32, #tpu.memory_space<hbm>>
    %dma_start3A_233 = arith.constant 112 : i32
    %dma_start3A_234 = tpu.memref_slice %arg5[%dma_start3A_233, %mul3A_87] : memref<128x65536xf32, #tpu.memory_space<hbm>> -> memref<8x128xf32, #tpu.memory_space<hbm>>
    %dma_start3A_235 = arith.constant 112 : i32
    %dma_start3A_236 = arith.constant 0 : i32
    %dma_start3A_237 = tpu.memref_slice %arg8[%dma_start3A_235, %dma_start3A_236] : memref<128x128xf32, #tpu.memory_space<vmem>> -> memref<8x128xf32, #tpu.memory_space<vmem>>
    tpu.enqueue_dma source(%dma_start3A_237 : memref<8x128xf32, #tpu.memory_space<vmem>>) target(%dma_start3A_234 : memref<8x128xf32, #tpu.memory_space<hbm>>) target_semaphore(%arg17 : memref<!tpu.dma_semaphore, #tpu.memory_space<semaphore_mem>>)
    %dma_start3A_238 = arith.constant 120 : i32
    %dma_start3A_239 = arith.constant 0 : i32
    %dma_start3A_240 = tpu.memref_slice %arg8[%dma_start3A_238, %dma_start3A_239] : memref<128x128xf32, #tpu.memory_space<vmem>> -> memref<8x128xf32, #tpu.memory_space<vmem>>
    %dma_start3A_241 = arith.constant 120 : i32
    %dma_start3A_242 = tpu.memref_slice %arg5[%dma_start3A_241, %mul3A_87] : memref<128x65536xf32, #tpu.memory_space<hbm>> -> memref<8x128xf32, #tpu.memory_space<hbm>>
    %dma_start3A_243 = arith.constant 120 : i32
    %dma_start3A_244 = tpu.memref_slice %arg5[%dma_start3A_243, %mul3A_87] : memref<128x65536xf32, #tpu.memory_space<hbm>> -> memref<8x128xf32, #tpu.memory_space<hbm>>
    %dma_start3A_245 = arith.constant 120 : i32
    %dma_start3A_246 = arith.constant 0 : i32
    %dma_start3A_247 = tpu.memref_slice %arg8[%dma_start3A_245, %dma_start3A_246] : memref<128x128xf32, #tpu.memory_space<vmem>> -> memref<8x128xf32, #tpu.memory_space<vmem>>
    tpu.enqueue_dma source(%dma_start3A_247 : memref<8x128xf32, #tpu.memory_space<vmem>>) target(%dma_start3A_244 : memref<8x128xf32, #tpu.memory_space<hbm>>) target_semaphore(%arg17 : memref<!tpu.dma_semaphore, #tpu.memory_space<semaphore_mem>>)
    %mul3A_248 = arith.constant 8 : i32
    %mul3A_249 = arith.muli %add3A, %mul3A_248 : i32
    %add3A_250 = arith.constant 0 : i32
    %add3A_251 = arith.addi %mul3A_249, %add3A_250 : i32
    %jit3A_252 = arith.constant 16 : i32
    %eq3A_253 = arith.constant 0 : i32
    %eq3A_254 = arith.cmpi eq, %jit3A_252, %eq3A_253 : i32
    %jit3A_255 = arith.constant 1 : i32
    %select_n3A_256 = arith.select %eq3A_254, %jit3A_255, %jit3A_252 : i32
    %rem3A_257 = arith.remsi %add3A_251, %select_n3A_256 : i32
    %ne3A_258 = arith.constant 0 : i32
    %ne3A_259 = arith.cmpi ne, %rem3A_257, %ne3A_258 : i32
    %lt3A_260 = arith.constant 0 : i32
    %lt3A_261 = arith.cmpi slt, %rem3A_257, %lt3A_260 : i32
    %lt3A_262 = arith.constant 0 : i32
    %lt3A_263 = arith.cmpi slt, %select_n3A_256, %lt3A_262 : i32
    %ne3A_264 = arith.xori %lt3A_261, %lt3A_263 : i1
    %and3A_265 = arith.andi %ne3A_264, %ne3A_259 : i1
    %add3A_266 = arith.addi %rem3A_257, %select_n3A_256 : i32
    %select_n3A_267 = arith.select %and3A_265, %add3A_266, %rem3A_257 : i32
    %eq3A_268 = arith.cmpi eq, %select_n3A_267, %select_n3A : i32
    %not3A_269 = arith.constant true
    %not3A_270 = arith.xori %eq3A_268, %not3A_269 : i1
    %convert_element_type3A_271 = arith.extui %not3A_270 : i1 to i32
    %cond3A_272 = arith.constant 0 : i32
    %cond3A_273 = arith.cmpi ne, %convert_element_type3A_271, %cond3A_272 : i32
    scf.if %cond3A_273 {
      %mul3A_980 = arith.constant 8 : i32
      %mul3A_981 = arith.muli %add3A, %mul3A_980 : i32
      %add3A_982 = arith.constant 0 : i32
      %add3A_983 = arith.addi %mul3A_981, %add3A_982 : i32
      %jit3A_984 = arith.constant 16 : i32
      %div3A_985 = arith.divsi %add3A_983, %jit3A_984 : i32
      %sign3A_986 = arith.constant 0 : i32
      %sign3A_987 = arith.cmpi sgt, %add3A_983, %sign3A_986 : i32
      %sign3A_988 = arith.extui %sign3A_987 : i1 to i32
      %sign3A_989 = arith.constant 0 : i32
      %sign3A_990 = arith.cmpi slt, %add3A_983, %sign3A_989 : i32
      %sign3A_991 = arith.extui %sign3A_990 : i1 to i32
      %sign3A_992 = arith.subi %sign3A_988, %sign3A_991 : i32
      %sign3A_993 = arith.constant 0 : i32
      %sign3A_994 = arith.cmpi sgt, %jit3A_984, %sign3A_993 : i32
      %sign3A_995 = arith.extui %sign3A_994 : i1 to i32
      %sign3A_996 = arith.constant 0 : i32
      %sign3A_997 = arith.cmpi slt, %jit3A_984, %sign3A_996 : i32
      %sign3A_998 = arith.extui %sign3A_997 : i1 to i32
      %sign3A_999 = arith.subi %sign3A_995, %sign3A_998 : i32
      %ne3A_1000 = arith.cmpi ne, %sign3A_992, %sign3A_999 : i32
      %rem3A_1001 = arith.remsi %add3A_983, %jit3A_984 : i32
      %ne3A_1002 = arith.constant 0 : i32
      %ne3A_1003 = arith.cmpi ne, %rem3A_1001, %ne3A_1002 : i32
      %and3A_1004 = arith.andi %ne3A_1000, %ne3A_1003 : i1
      %sub3A_1005 = arith.constant 1 : i32
      %sub3A_1006 = arith.subi %div3A_985, %sub3A_1005 : i32
      %select_n3A_1007 = arith.select %and3A_1004, %sub3A_1006, %div3A_985 : i32
      %mul3A_1008 = arith.constant 8 : i32
      %mul3A_1009 = arith.muli %select_n3A_1007, %mul3A_1008 : i32
      %jit3A_1010 = arith.constant 16 : i32
      %eq3A_1011 = arith.constant 0 : i32
      %eq3A_1012 = arith.cmpi eq, %jit3A_1010, %eq3A_1011 : i32
      %jit3A_1013 = arith.constant 1 : i32
      %select_n3A_1014 = arith.select %eq3A_1012, %jit3A_1013, %jit3A_1010 : i32
      %rem3A_1015 = arith.remsi %add3A_983, %select_n3A_1014 : i32
      %ne3A_1016 = arith.constant 0 : i32
      %ne3A_1017 = arith.cmpi ne, %rem3A_1015, %ne3A_1016 : i32
      %lt3A_1018 = arith.constant 0 : i32
      %lt3A_1019 = arith.cmpi slt, %rem3A_1015, %lt3A_1018 : i32
      %lt3A_1020 = arith.constant 0 : i32
      %lt3A_1021 = arith.cmpi slt, %select_n3A_1014, %lt3A_1020 : i32
      %ne3A_1022 = arith.xori %lt3A_1019, %lt3A_1021 : i1
      %and3A_1023 = arith.andi %ne3A_1022, %ne3A_1017 : i1
      %add3A_1024 = arith.addi %rem3A_1015, %select_n3A_1014 : i32
      %select_n3A_1025 = arith.select %and3A_1023, %add3A_1024, %rem3A_1015 : i32
      %mul3A_1026 = arith.constant 4096 : i32
      %mul3A_1027 = arith.muli %select_n3A_1025, %mul3A_1026 : i32
      %dma_wait3A_1028 = arith.constant 0 : i32
      %dma_wait3A_1029 = arith.constant 0 : i32
      %dma_wait3A_1030 = arith.constant 0 : i32
      %dma_wait3A_1031 = tpu.memref_slice %arg6[%dma_wait3A_1028, %dma_wait3A_1029, %dma_wait3A_1030] : memref<2x8x4096xf32, #tpu.memory_space<vmem>> -> memref<1x8x4096xf32, #tpu.memory_space<vmem>>
      %dma_wait3A_1032 = tpu.memref_squeeze %dma_wait3A_1031 : memref<1x8x4096xf32, #tpu.memory_space<vmem>> -> memref<8x4096xf32, #tpu.memory_space<vmem>>
      %dma_wait3A_1033 = tpu.memref_slice %arg2[%mul3A_1009, %mul3A_1027] : memref<128x65536xf32, #tpu.memory_space<hbm>> -> memref<8x4096xf32, #tpu.memory_space<hbm>>
      %dma_wait3A_1034 = arith.constant 0 : i32
      %dma_wait3A_1035 = arith.constant 0 : i32
      %dma_wait3A_1036 = tpu.memref_slice %arg6[%dma_wait3A_1028, %dma_wait3A_1034, %dma_wait3A_1035] : memref<2x8x4096xf32, #tpu.memory_space<vmem>> -> memref<1x8x4096xf32, #tpu.memory_space<vmem>>
      %dma_wait3A_1037 = tpu.memref_squeeze %dma_wait3A_1036 : memref<1x8x4096xf32, #tpu.memory_space<vmem>> -> memref<8x4096xf32, #tpu.memory_space<vmem>>
      %dma_wait3A_1038 = tpu.memref_slice %arg2[%mul3A_1009, %mul3A_1027] : memref<128x65536xf32, #tpu.memory_space<hbm>> -> memref<8x4096xf32, #tpu.memory_space<hbm>>
      tpu.wait_dma2 semaphore(%arg10 : memref<!tpu.dma_semaphore, #tpu.memory_space<semaphore_mem>>) src(%dma_wait3A_1038 : memref<8x4096xf32, #tpu.memory_space<hbm>>) dst(%dma_wait3A_1037 : memref<8x4096xf32, #tpu.memory_space<vmem>>)
      %mul3A_1039 = arith.constant 8 : i32
      %mul3A_1040 = arith.muli %add3A, %mul3A_1039 : i32
      %add3A_1041 = arith.constant 0 : i32
      %add3A_1042 = arith.addi %mul3A_1040, %add3A_1041 : i32
      %jit3A_1043 = arith.constant 16 : i32
      %div3A_1044 = arith.divsi %add3A_1042, %jit3A_1043 : i32
      %sign3A_1045 = arith.constant 0 : i32
      %sign3A_1046 = arith.cmpi sgt, %add3A_1042, %sign3A_1045 : i32
      %sign3A_1047 = arith.extui %sign3A_1046 : i1 to i32
      %sign3A_1048 = arith.constant 0 : i32
      %sign3A_1049 = arith.cmpi slt, %add3A_1042, %sign3A_1048 : i32
      %sign3A_1050 = arith.extui %sign3A_1049 : i1 to i32
      %sign3A_1051 = arith.subi %sign3A_1047, %sign3A_1050 : i32
      %sign3A_1052 = arith.constant 0 : i32
      %sign3A_1053 = arith.cmpi sgt, %jit3A_1043, %sign3A_1052 : i32
      %sign3A_1054 = arith.extui %sign3A_1053 : i1 to i32
      %sign3A_1055 = arith.constant 0 : i32
      %sign3A_1056 = arith.cmpi slt, %jit3A_1043, %sign3A_1055 : i32
      %sign3A_1057 = arith.extui %sign3A_1056 : i1 to i32
      %sign3A_1058 = arith.subi %sign3A_1054, %sign3A_1057 : i32
      %ne3A_1059 = arith.cmpi ne, %sign3A_1051, %sign3A_1058 : i32
      %rem3A_1060 = arith.remsi %add3A_1042, %jit3A_1043 : i32
      %ne3A_1061 = arith.constant 0 : i32
      %ne3A_1062 = arith.cmpi ne, %rem3A_1060, %ne3A_1061 : i32
      %and3A_1063 = arith.andi %ne3A_1059, %ne3A_1062 : i1
      %sub3A_1064 = arith.constant 1 : i32
      %sub3A_1065 = arith.subi %div3A_1044, %sub3A_1064 : i32
      %select_n3A_1066 = arith.select %and3A_1063, %sub3A_1065, %div3A_1044 : i32
      %mul3A_1067 = arith.constant 8 : i32
      %mul3A_1068 = arith.muli %select_n3A_1066, %mul3A_1067 : i32
      %jit3A_1069 = arith.constant 16 : i32
      %eq3A_1070 = arith.constant 0 : i32
      %eq3A_1071 = arith.cmpi eq, %jit3A_1069, %eq3A_1070 : i32
      %jit3A_1072 = arith.constant 1 : i32
      %select_n3A_1073 = arith.select %eq3A_1071, %jit3A_1072, %jit3A_1069 : i32
      %rem3A_1074 = arith.remsi %add3A_1042, %select_n3A_1073 : i32
      %ne3A_1075 = arith.constant 0 : i32
      %ne3A_1076 = arith.cmpi ne, %rem3A_1074, %ne3A_1075 : i32
      %lt3A_1077 = arith.constant 0 : i32
      %lt3A_1078 = arith.cmpi slt, %rem3A_1074, %lt3A_1077 : i32
      %lt3A_1079 = arith.constant 0 : i32
      %lt3A_1080 = arith.cmpi slt, %select_n3A_1073, %lt3A_1079 : i32
      %ne3A_1081 = arith.xori %lt3A_1078, %lt3A_1080 : i1
      %and3A_1082 = arith.andi %ne3A_1081, %ne3A_1076 : i1
      %add3A_1083 = arith.addi %rem3A_1074, %select_n3A_1073 : i32
      %select_n3A_1084 = arith.select %and3A_1082, %add3A_1083, %rem3A_1074 : i32
      %mul3A_1085 = arith.constant 4096 : i32
      %mul3A_1086 = arith.muli %select_n3A_1084, %mul3A_1085 : i32
      %dma_start3A_1087 = arith.constant 0 : i32
      %dma_start3A_1088 = arith.constant 0 : i32
      %dma_start3A_1089 = arith.constant 0 : i32
      %dma_start3A_1090 = tpu.memref_slice %arg6[%dma_start3A_1087, %dma_start3A_1088, %dma_start3A_1089] : memref<2x8x4096xf32, #tpu.memory_space<vmem>> -> memref<1x8x4096xf32, #tpu.memory_space<vmem>>
      %dma_start3A_1091 = tpu.memref_squeeze %dma_start3A_1090 : memref<1x8x4096xf32, #tpu.memory_space<vmem>> -> memref<8x4096xf32, #tpu.memory_space<vmem>>
      %dma_start3A_1092 = tpu.memref_slice %arg5[%mul3A_1068, %mul3A_1086] : memref<128x65536xf32, #tpu.memory_space<hbm>> -> memref<8x4096xf32, #tpu.memory_space<hbm>>
      %dma_start3A_1093 = tpu.memref_slice %arg5[%mul3A_1068, %mul3A_1086] : memref<128x65536xf32, #tpu.memory_space<hbm>> -> memref<8x4096xf32, #tpu.memory_space<hbm>>
      %dma_start3A_1094 = arith.constant 0 : i32
      %dma_start3A_1095 = arith.constant 0 : i32
      %dma_start3A_1096 = tpu.memref_slice %arg6[%dma_start3A_1087, %dma_start3A_1094, %dma_start3A_1095] : memref<2x8x4096xf32, #tpu.memory_space<vmem>> -> memref<1x8x4096xf32, #tpu.memory_space<vmem>>
      %dma_start3A_1097 = tpu.memref_squeeze %dma_start3A_1096 : memref<1x8x4096xf32, #tpu.memory_space<vmem>> -> memref<8x4096xf32, #tpu.memory_space<vmem>>
      tpu.enqueue_dma source(%dma_start3A_1097 : memref<8x4096xf32, #tpu.memory_space<vmem>>) target(%dma_start3A_1093 : memref<8x4096xf32, #tpu.memory_space<hbm>>) target_semaphore(%arg13 : memref<!tpu.dma_semaphore, #tpu.memory_space<semaphore_mem>>)
    } else {
    }
    %mul3A_274 = arith.constant 8 : i32
    %mul3A_275 = arith.muli %add3A, %mul3A_274 : i32
    %add3A_276 = arith.constant 0 : i32
    %add3A_277 = arith.addi %mul3A_275, %add3A_276 : i32
    %jit3A_278 = arith.constant 16 : i32
    %eq3A_279 = arith.constant 0 : i32
    %eq3A_280 = arith.cmpi eq, %jit3A_278, %eq3A_279 : i32
    %jit3A_281 = arith.constant 1 : i32
    %select_n3A_282 = arith.select %eq3A_280, %jit3A_281, %jit3A_278 : i32
    %rem3A_283 = arith.remsi %add3A_277, %select_n3A_282 : i32
    %ne3A_284 = arith.constant 0 : i32
    %ne3A_285 = arith.cmpi ne, %rem3A_283, %ne3A_284 : i32
    %lt3A_286 = arith.constant 0 : i32
    %lt3A_287 = arith.cmpi slt, %rem3A_283, %lt3A_286 : i32
    %lt3A_288 = arith.constant 0 : i32
    %lt3A_289 = arith.cmpi slt, %select_n3A_282, %lt3A_288 : i32
    %ne3A_290 = arith.xori %lt3A_287, %lt3A_289 : i1
    %and3A_291 = arith.andi %ne3A_290, %ne3A_285 : i1
    %add3A_292 = arith.addi %rem3A_283, %select_n3A_282 : i32
    %select_n3A_293 = arith.select %and3A_291, %add3A_292, %rem3A_283 : i32
    %eq3A_294 = arith.cmpi eq, %select_n3A_293, %select_n3A : i32
    %not3A_295 = arith.constant true
    %not3A_296 = arith.xori %eq3A_294, %not3A_295 : i1
    %convert_element_type3A_297 = arith.extui %not3A_296 : i1 to i32
    %cond3A_298 = arith.constant 0 : i32
    %cond3A_299 = arith.cmpi ne, %convert_element_type3A_297, %cond3A_298 : i32
    scf.if %cond3A_299 {
      %mul3A_980 = arith.constant 8 : i32
      %mul3A_981 = arith.muli %add3A, %mul3A_980 : i32
      %add3A_982 = arith.constant 0 : i32
      %add3A_983 = arith.addi %mul3A_981, %add3A_982 : i32
      %jit3A_984 = arith.constant 16 : i32
      %div3A_985 = arith.divsi %add3A_983, %jit3A_984 : i32
      %sign3A_986 = arith.constant 0 : i32
      %sign3A_987 = arith.cmpi sgt, %add3A_983, %sign3A_986 : i32
      %sign3A_988 = arith.extui %sign3A_987 : i1 to i32
      %sign3A_989 = arith.constant 0 : i32
      %sign3A_990 = arith.cmpi slt, %add3A_983, %sign3A_989 : i32
      %sign3A_991 = arith.extui %sign3A_990 : i1 to i32
      %sign3A_992 = arith.subi %sign3A_988, %sign3A_991 : i32
      %sign3A_993 = arith.constant 0 : i32
      %sign3A_994 = arith.cmpi sgt, %jit3A_984, %sign3A_993 : i32
      %sign3A_995 = arith.extui %sign3A_994 : i1 to i32
      %sign3A_996 = arith.constant 0 : i32
      %sign3A_997 = arith.cmpi slt, %jit3A_984, %sign3A_996 : i32
      %sign3A_998 = arith.extui %sign3A_997 : i1 to i32
      %sign3A_999 = arith.subi %sign3A_995, %sign3A_998 : i32
      %ne3A_1000 = arith.cmpi ne, %sign3A_992, %sign3A_999 : i32
      %rem3A_1001 = arith.remsi %add3A_983, %jit3A_984 : i32
      %ne3A_1002 = arith.constant 0 : i32
      %ne3A_1003 = arith.cmpi ne, %rem3A_1001, %ne3A_1002 : i32
      %and3A_1004 = arith.andi %ne3A_1000, %ne3A_1003 : i1
      %sub3A_1005 = arith.constant 1 : i32
      %sub3A_1006 = arith.subi %div3A_985, %sub3A_1005 : i32
      %select_n3A_1007 = arith.select %and3A_1004, %sub3A_1006, %div3A_985 : i32
      %mul3A_1008 = arith.constant 8 : i32
      %mul3A_1009 = arith.muli %select_n3A_1007, %mul3A_1008 : i32
      %jit3A_1010 = arith.constant 16 : i32
      %eq3A_1011 = arith.constant 0 : i32
      %eq3A_1012 = arith.cmpi eq, %jit3A_1010, %eq3A_1011 : i32
      %jit3A_1013 = arith.constant 1 : i32
      %select_n3A_1014 = arith.select %eq3A_1012, %jit3A_1013, %jit3A_1010 : i32
      %rem3A_1015 = arith.remsi %add3A_983, %select_n3A_1014 : i32
      %ne3A_1016 = arith.constant 0 : i32
      %ne3A_1017 = arith.cmpi ne, %rem3A_1015, %ne3A_1016 : i32
      %lt3A_1018 = arith.constant 0 : i32
      %lt3A_1019 = arith.cmpi slt, %rem3A_1015, %lt3A_1018 : i32
      %lt3A_1020 = arith.constant 0 : i32
      %lt3A_1021 = arith.cmpi slt, %select_n3A_1014, %lt3A_1020 : i32
      %ne3A_1022 = arith.xori %lt3A_1019, %lt3A_1021 : i1
      %and3A_1023 = arith.andi %ne3A_1022, %ne3A_1017 : i1
      %add3A_1024 = arith.addi %rem3A_1015, %select_n3A_1014 : i32
      %select_n3A_1025 = arith.select %and3A_1023, %add3A_1024, %rem3A_1015 : i32
      %mul3A_1026 = arith.constant 4096 : i32
      %mul3A_1027 = arith.muli %select_n3A_1025, %mul3A_1026 : i32
      %dma_wait3A_1028 = arith.constant 0 : i32
      %dma_wait3A_1029 = arith.constant 0 : i32
      %dma_wait3A_1030 = arith.constant 0 : i32
      %dma_wait3A_1031 = tpu.memref_slice %arg6[%dma_wait3A_1028, %dma_wait3A_1029, %dma_wait3A_1030] : memref<2x8x4096xf32, #tpu.memory_space<vmem>> -> memref<1x8x4096xf32, #tpu.memory_space<vmem>>
      %dma_wait3A_1032 = tpu.memref_squeeze %dma_wait3A_1031 : memref<1x8x4096xf32, #tpu.memory_space<vmem>> -> memref<8x4096xf32, #tpu.memory_space<vmem>>
      %dma_wait3A_1033 = tpu.memref_slice %arg5[%mul3A_1009, %mul3A_1027] : memref<128x65536xf32, #tpu.memory_space<hbm>> -> memref<8x4096xf32, #tpu.memory_space<hbm>>
      %dma_wait3A_1034 = tpu.memref_slice %arg5[%mul3A_1009, %mul3A_1027] : memref<128x65536xf32, #tpu.memory_space<hbm>> -> memref<8x4096xf32, #tpu.memory_space<hbm>>
      %dma_wait3A_1035 = arith.constant 0 : i32
      %dma_wait3A_1036 = arith.constant 0 : i32
      %dma_wait3A_1037 = tpu.memref_slice %arg6[%dma_wait3A_1028, %dma_wait3A_1035, %dma_wait3A_1036] : memref<2x8x4096xf32, #tpu.memory_space<vmem>> -> memref<1x8x4096xf32, #tpu.memory_space<vmem>>
      %dma_wait3A_1038 = tpu.memref_squeeze %dma_wait3A_1037 : memref<1x8x4096xf32, #tpu.memory_space<vmem>> -> memref<8x4096xf32, #tpu.memory_space<vmem>>
      tpu.wait_dma2 semaphore(%arg13 : memref<!tpu.dma_semaphore, #tpu.memory_space<semaphore_mem>>) src(%dma_wait3A_1038 : memref<8x4096xf32, #tpu.memory_space<vmem>>) dst(%dma_wait3A_1034 : memref<8x4096xf32, #tpu.memory_space<hbm>>)
    } else {
    }
    %mul3A_300 = arith.constant 8 : i32
    %mul3A_301 = arith.muli %add3A, %mul3A_300 : i32
    %add3A_302 = arith.constant 2 : i32
    %add3A_303 = arith.addi %mul3A_301, %add3A_302 : i32
    %jit3A_304 = arith.constant 16 : i32
    %eq3A_305 = arith.constant 0 : i32
    %eq3A_306 = arith.cmpi eq, %jit3A_304, %eq3A_305 : i32
    %jit3A_307 = arith.constant 1 : i32
    %select_n3A_308 = arith.select %eq3A_306, %jit3A_307, %jit3A_304 : i32
    %rem3A_309 = arith.remsi %add3A_303, %select_n3A_308 : i32
    %ne3A_310 = arith.constant 0 : i32
    %ne3A_311 = arith.cmpi ne, %rem3A_309, %ne3A_310 : i32
    %lt3A_312 = arith.constant 0 : i32
    %lt3A_313 = arith.cmpi slt, %rem3A_309, %lt3A_312 : i32
    %lt3A_314 = arith.constant 0 : i32
    %lt3A_315 = arith.cmpi slt, %select_n3A_308, %lt3A_314 : i32
    %ne3A_316 = arith.xori %lt3A_313, %lt3A_315 : i1
    %and3A_317 = arith.andi %ne3A_316, %ne3A_311 : i1
    %add3A_318 = arith.addi %rem3A_309, %select_n3A_308 : i32
    %select_n3A_319 = arith.select %and3A_317, %add3A_318, %rem3A_309 : i32
    %eq3A_320 = arith.cmpi eq, %select_n3A_319, %select_n3A : i32
    %not3A_321 = arith.constant true
    %not3A_322 = arith.xori %eq3A_320, %not3A_321 : i1
    %convert_element_type3A_323 = arith.extui %not3A_322 : i1 to i32
    %cond3A_324 = arith.constant 0 : i32
    %cond3A_325 = arith.cmpi ne, %convert_element_type3A_323, %cond3A_324 : i32
    scf.if %cond3A_325 {
      %mul3A_980 = arith.constant 8 : i32
      %mul3A_981 = arith.muli %add3A, %mul3A_980 : i32
      %add3A_982 = arith.constant 2 : i32
      %add3A_983 = arith.addi %mul3A_981, %add3A_982 : i32
      %jit3A_984 = arith.constant 16 : i32
      %div3A_985 = arith.divsi %add3A_983, %jit3A_984 : i32
      %sign3A_986 = arith.constant 0 : i32
      %sign3A_987 = arith.cmpi sgt, %add3A_983, %sign3A_986 : i32
      %sign3A_988 = arith.extui %sign3A_987 : i1 to i32
      %sign3A_989 = arith.constant 0 : i32
      %sign3A_990 = arith.cmpi slt, %add3A_983, %sign3A_989 : i32
      %sign3A_991 = arith.extui %sign3A_990 : i1 to i32
      %sign3A_992 = arith.subi %sign3A_988, %sign3A_991 : i32
      %sign3A_993 = arith.constant 0 : i32
      %sign3A_994 = arith.cmpi sgt, %jit3A_984, %sign3A_993 : i32
      %sign3A_995 = arith.extui %sign3A_994 : i1 to i32
      %sign3A_996 = arith.constant 0 : i32
      %sign3A_997 = arith.cmpi slt, %jit3A_984, %sign3A_996 : i32
      %sign3A_998 = arith.extui %sign3A_997 : i1 to i32
      %sign3A_999 = arith.subi %sign3A_995, %sign3A_998 : i32
      %ne3A_1000 = arith.cmpi ne, %sign3A_992, %sign3A_999 : i32
      %rem3A_1001 = arith.remsi %add3A_983, %jit3A_984 : i32
      %ne3A_1002 = arith.constant 0 : i32
      %ne3A_1003 = arith.cmpi ne, %rem3A_1001, %ne3A_1002 : i32
      %and3A_1004 = arith.andi %ne3A_1000, %ne3A_1003 : i1
      %sub3A_1005 = arith.constant 1 : i32
      %sub3A_1006 = arith.subi %div3A_985, %sub3A_1005 : i32
      %select_n3A_1007 = arith.select %and3A_1004, %sub3A_1006, %div3A_985 : i32
      %mul3A_1008 = arith.constant 8 : i32
      %mul3A_1009 = arith.muli %select_n3A_1007, %mul3A_1008 : i32
      %jit3A_1010 = arith.constant 16 : i32
      %eq3A_1011 = arith.constant 0 : i32
      %eq3A_1012 = arith.cmpi eq, %jit3A_1010, %eq3A_1011 : i32
      %jit3A_1013 = arith.constant 1 : i32
      %select_n3A_1014 = arith.select %eq3A_1012, %jit3A_1013, %jit3A_1010 : i32
      %rem3A_1015 = arith.remsi %add3A_983, %select_n3A_1014 : i32
      %ne3A_1016 = arith.constant 0 : i32
      %ne3A_1017 = arith.cmpi ne, %rem3A_1015, %ne3A_1016 : i32
      %lt3A_1018 = arith.constant 0 : i32
      %lt3A_1019 = arith.cmpi slt, %rem3A_1015, %lt3A_1018 : i32
      %lt3A_1020 = arith.constant 0 : i32
      %lt3A_1021 = arith.cmpi slt, %select_n3A_1014, %lt3A_1020 : i32
      %ne3A_1022 = arith.xori %lt3A_1019, %lt3A_1021 : i1
      %and3A_1023 = arith.andi %ne3A_1022, %ne3A_1017 : i1
      %add3A_1024 = arith.addi %rem3A_1015, %select_n3A_1014 : i32
      %select_n3A_1025 = arith.select %and3A_1023, %add3A_1024, %rem3A_1015 : i32
      %mul3A_1026 = arith.constant 4096 : i32
      %mul3A_1027 = arith.muli %select_n3A_1025, %mul3A_1026 : i32
      %dma_start3A_1028 = arith.constant 0 : i32
      %dma_start3A_1029 = arith.constant 0 : i32
      %dma_start3A_1030 = arith.constant 0 : i32
      %dma_start3A_1031 = tpu.memref_slice %arg6[%dma_start3A_1028, %dma_start3A_1029, %dma_start3A_1030] : memref<2x8x4096xf32, #tpu.memory_space<vmem>> -> memref<1x8x4096xf32, #tpu.memory_space<vmem>>
      %dma_start3A_1032 = tpu.memref_squeeze %dma_start3A_1031 : memref<1x8x4096xf32, #tpu.memory_space<vmem>> -> memref<8x4096xf32, #tpu.memory_space<vmem>>
      %dma_start3A_1033 = tpu.memref_slice %arg2[%mul3A_1009, %mul3A_1027] : memref<128x65536xf32, #tpu.memory_space<hbm>> -> memref<8x4096xf32, #tpu.memory_space<hbm>>
      %dma_start3A_1034 = arith.constant 0 : i32
      %dma_start3A_1035 = arith.constant 0 : i32
      %dma_start3A_1036 = tpu.memref_slice %arg6[%dma_start3A_1028, %dma_start3A_1034, %dma_start3A_1035] : memref<2x8x4096xf32, #tpu.memory_space<vmem>> -> memref<1x8x4096xf32, #tpu.memory_space<vmem>>
      %dma_start3A_1037 = tpu.memref_squeeze %dma_start3A_1036 : memref<1x8x4096xf32, #tpu.memory_space<vmem>> -> memref<8x4096xf32, #tpu.memory_space<vmem>>
      %dma_start3A_1038 = tpu.memref_slice %arg2[%mul3A_1009, %mul3A_1027] : memref<128x65536xf32, #tpu.memory_space<hbm>> -> memref<8x4096xf32, #tpu.memory_space<hbm>>
      tpu.enqueue_dma source(%dma_start3A_1038 : memref<8x4096xf32, #tpu.memory_space<hbm>>) target(%dma_start3A_1037 : memref<8x4096xf32, #tpu.memory_space<vmem>>) target_semaphore(%arg10 : memref<!tpu.dma_semaphore, #tpu.memory_space<semaphore_mem>>)
    } else {
    }
    %mul3A_326 = arith.constant 8 : i32
    %mul3A_327 = arith.muli %add3A, %mul3A_326 : i32
    %add3A_328 = arith.constant 1 : i32
    %add3A_329 = arith.addi %mul3A_327, %add3A_328 : i32
    %jit3A_330 = arith.constant 16 : i32
    %eq3A_331 = arith.constant 0 : i32
    %eq3A_332 = arith.cmpi eq, %jit3A_330, %eq3A_331 : i32
    %jit3A_333 = arith.constant 1 : i32
    %select_n3A_334 = arith.select %eq3A_332, %jit3A_333, %jit3A_330 : i32
    %rem3A_335 = arith.remsi %add3A_329, %select_n3A_334 : i32
    %ne3A_336 = arith.constant 0 : i32
    %ne3A_337 = arith.cmpi ne, %rem3A_335, %ne3A_336 : i32
    %lt3A_338 = arith.constant 0 : i32
    %lt3A_339 = arith.cmpi slt, %rem3A_335, %lt3A_338 : i32
    %lt3A_340 = arith.constant 0 : i32
    %lt3A_341 = arith.cmpi slt, %select_n3A_334, %lt3A_340 : i32
    %ne3A_342 = arith.xori %lt3A_339, %lt3A_341 : i1
    %and3A_343 = arith.andi %ne3A_342, %ne3A_337 : i1
    %add3A_344 = arith.addi %rem3A_335, %select_n3A_334 : i32
    %select_n3A_345 = arith.select %and3A_343, %add3A_344, %rem3A_335 : i32
    %eq3A_346 = arith.cmpi eq, %select_n3A_345, %select_n3A : i32
    %not3A_347 = arith.constant true
    %not3A_348 = arith.xori %eq3A_346, %not3A_347 : i1
    %convert_element_type3A_349 = arith.extui %not3A_348 : i1 to i32
    %cond3A_350 = arith.constant 0 : i32
    %cond3A_351 = arith.cmpi ne, %convert_element_type3A_349, %cond3A_350 : i32
    scf.if %cond3A_351 {
      %mul3A_980 = arith.constant 8 : i32
      %mul3A_981 = arith.muli %add3A, %mul3A_980 : i32
      %add3A_982 = arith.constant 1 : i32
      %add3A_983 = arith.addi %mul3A_981, %add3A_982 : i32
      %jit3A_984 = arith.constant 16 : i32
      %div3A_985 = arith.divsi %add3A_983, %jit3A_984 : i32
      %sign3A_986 = arith.constant 0 : i32
      %sign3A_987 = arith.cmpi sgt, %add3A_983, %sign3A_986 : i32
      %sign3A_988 = arith.extui %sign3A_987 : i1 to i32
      %sign3A_989 = arith.constant 0 : i32
      %sign3A_990 = arith.cmpi slt, %add3A_983, %sign3A_989 : i32
      %sign3A_991 = arith.extui %sign3A_990 : i1 to i32
      %sign3A_992 = arith.subi %sign3A_988, %sign3A_991 : i32
      %sign3A_993 = arith.constant 0 : i32
      %sign3A_994 = arith.cmpi sgt, %jit3A_984, %sign3A_993 : i32
      %sign3A_995 = arith.extui %sign3A_994 : i1 to i32
      %sign3A_996 = arith.constant 0 : i32
      %sign3A_997 = arith.cmpi slt, %jit3A_984, %sign3A_996 : i32
      %sign3A_998 = arith.extui %sign3A_997 : i1 to i32
      %sign3A_999 = arith.subi %sign3A_995, %sign3A_998 : i32
      %ne3A_1000 = arith.cmpi ne, %sign3A_992, %sign3A_999 : i32
      %rem3A_1001 = arith.remsi %add3A_983, %jit3A_984 : i32
      %ne3A_1002 = arith.constant 0 : i32
      %ne3A_1003 = arith.cmpi ne, %rem3A_1001, %ne3A_1002 : i32
      %and3A_1004 = arith.andi %ne3A_1000, %ne3A_1003 : i1
      %sub3A_1005 = arith.constant 1 : i32
      %sub3A_1006 = arith.subi %div3A_985, %sub3A_1005 : i32
      %select_n3A_1007 = arith.select %and3A_1004, %sub3A_1006, %div3A_985 : i32
      %mul3A_1008 = arith.constant 8 : i32
      %mul3A_1009 = arith.muli %select_n3A_1007, %mul3A_1008 : i32
      %jit3A_1010 = arith.constant 16 : i32
      %eq3A_1011 = arith.constant 0 : i32
      %eq3A_1012 = arith.cmpi eq, %jit3A_1010, %eq3A_1011 : i32
      %jit3A_1013 = arith.constant 1 : i32
      %select_n3A_1014 = arith.select %eq3A_1012, %jit3A_1013, %jit3A_1010 : i32
      %rem3A_1015 = arith.remsi %add3A_983, %select_n3A_1014 : i32
      %ne3A_1016 = arith.constant 0 : i32
      %ne3A_1017 = arith.cmpi ne, %rem3A_1015, %ne3A_1016 : i32
      %lt3A_1018 = arith.constant 0 : i32
      %lt3A_1019 = arith.cmpi slt, %rem3A_1015, %lt3A_1018 : i32
      %lt3A_1020 = arith.constant 0 : i32
      %lt3A_1021 = arith.cmpi slt, %select_n3A_1014, %lt3A_1020 : i32
      %ne3A_1022 = arith.xori %lt3A_1019, %lt3A_1021 : i1
      %and3A_1023 = arith.andi %ne3A_1022, %ne3A_1017 : i1
      %add3A_1024 = arith.addi %rem3A_1015, %select_n3A_1014 : i32
      %select_n3A_1025 = arith.select %and3A_1023, %add3A_1024, %rem3A_1015 : i32
      %mul3A_1026 = arith.constant 4096 : i32
      %mul3A_1027 = arith.muli %select_n3A_1025, %mul3A_1026 : i32
      %dma_wait3A_1028 = arith.constant 1 : i32
      %dma_wait3A_1029 = arith.constant 0 : i32
      %dma_wait3A_1030 = arith.constant 0 : i32
      %dma_wait3A_1031 = tpu.memref_slice %arg6[%dma_wait3A_1028, %dma_wait3A_1029, %dma_wait3A_1030] : memref<2x8x4096xf32, #tpu.memory_space<vmem>> -> memref<1x8x4096xf32, #tpu.memory_space<vmem>>
      %dma_wait3A_1032 = tpu.memref_squeeze %dma_wait3A_1031 : memref<1x8x4096xf32, #tpu.memory_space<vmem>> -> memref<8x4096xf32, #tpu.memory_space<vmem>>
      %dma_wait3A_1033 = tpu.memref_slice %arg2[%mul3A_1009, %mul3A_1027] : memref<128x65536xf32, #tpu.memory_space<hbm>> -> memref<8x4096xf32, #tpu.memory_space<hbm>>
      %dma_wait3A_1034 = arith.constant 0 : i32
      %dma_wait3A_1035 = arith.constant 0 : i32
      %dma_wait3A_1036 = tpu.memref_slice %arg6[%dma_wait3A_1028, %dma_wait3A_1034, %dma_wait3A_1035] : memref<2x8x4096xf32, #tpu.memory_space<vmem>> -> memref<1x8x4096xf32, #tpu.memory_space<vmem>>
      %dma_wait3A_1037 = tpu.memref_squeeze %dma_wait3A_1036 : memref<1x8x4096xf32, #tpu.memory_space<vmem>> -> memref<8x4096xf32, #tpu.memory_space<vmem>>
      %dma_wait3A_1038 = tpu.memref_slice %arg2[%mul3A_1009, %mul3A_1027] : memref<128x65536xf32, #tpu.memory_space<hbm>> -> memref<8x4096xf32, #tpu.memory_space<hbm>>
      tpu.wait_dma2 semaphore(%arg11 : memref<!tpu.dma_semaphore, #tpu.memory_space<semaphore_mem>>) src(%dma_wait3A_1038 : memref<8x4096xf32, #tpu.memory_space<hbm>>) dst(%dma_wait3A_1037 : memref<8x4096xf32, #tpu.memory_space<vmem>>)
      %mul3A_1039 = arith.constant 8 : i32
      %mul3A_1040 = arith.muli %add3A, %mul3A_1039 : i32
      %add3A_1041 = arith.constant 1 : i32
      %add3A_1042 = arith.addi %mul3A_1040, %add3A_1041 : i32
      %jit3A_1043 = arith.constant 16 : i32
      %div3A_1044 = arith.divsi %add3A_1042, %jit3A_1043 : i32
      %sign3A_1045 = arith.constant 0 : i32
      %sign3A_1046 = arith.cmpi sgt, %add3A_1042, %sign3A_1045 : i32
      %sign3A_1047 = arith.extui %sign3A_1046 : i1 to i32
      %sign3A_1048 = arith.constant 0 : i32
      %sign3A_1049 = arith.cmpi slt, %add3A_1042, %sign3A_1048 : i32
      %sign3A_1050 = arith.extui %sign3A_1049 : i1 to i32
      %sign3A_1051 = arith.subi %sign3A_1047, %sign3A_1050 : i32
      %sign3A_1052 = arith.constant 0 : i32
      %sign3A_1053 = arith.cmpi sgt, %jit3A_1043, %sign3A_1052 : i32
      %sign3A_1054 = arith.extui %sign3A_1053 : i1 to i32
      %sign3A_1055 = arith.constant 0 : i32
      %sign3A_1056 = arith.cmpi slt, %jit3A_1043, %sign3A_1055 : i32
      %sign3A_1057 = arith.extui %sign3A_1056 : i1 to i32
      %sign3A_1058 = arith.subi %sign3A_1054, %sign3A_1057 : i32
      %ne3A_1059 = arith.cmpi ne, %sign3A_1051, %sign3A_1058 : i32
      %rem3A_1060 = arith.remsi %add3A_1042, %jit3A_1043 : i32
      %ne3A_1061 = arith.constant 0 : i32
      %ne3A_1062 = arith.cmpi ne, %rem3A_1060, %ne3A_1061 : i32
      %and3A_1063 = arith.andi %ne3A_1059, %ne3A_1062 : i1
      %sub3A_1064 = arith.constant 1 : i32
      %sub3A_1065 = arith.subi %div3A_1044, %sub3A_1064 : i32
      %select_n3A_1066 = arith.select %and3A_1063, %sub3A_1065, %div3A_1044 : i32
      %mul3A_1067 = arith.constant 8 : i32
      %mul3A_1068 = arith.muli %select_n3A_1066, %mul3A_1067 : i32
      %jit3A_1069 = arith.constant 16 : i32
      %eq3A_1070 = arith.constant 0 : i32
      %eq3A_1071 = arith.cmpi eq, %jit3A_1069, %eq3A_1070 : i32
      %jit3A_1072 = arith.constant 1 : i32
      %select_n3A_1073 = arith.select %eq3A_1071, %jit3A_1072, %jit3A_1069 : i32
      %rem3A_1074 = arith.remsi %add3A_1042, %select_n3A_1073 : i32
      %ne3A_1075 = arith.constant 0 : i32
      %ne3A_1076 = arith.cmpi ne, %rem3A_1074, %ne3A_1075 : i32
      %lt3A_1077 = arith.constant 0 : i32
      %lt3A_1078 = arith.cmpi slt, %rem3A_1074, %lt3A_1077 : i32
      %lt3A_1079 = arith.constant 0 : i32
      %lt3A_1080 = arith.cmpi slt, %select_n3A_1073, %lt3A_1079 : i32
      %ne3A_1081 = arith.xori %lt3A_1078, %lt3A_1080 : i1
      %and3A_1082 = arith.andi %ne3A_1081, %ne3A_1076 : i1
      %add3A_1083 = arith.addi %rem3A_1074, %select_n3A_1073 : i32
      %select_n3A_1084 = arith.select %and3A_1082, %add3A_1083, %rem3A_1074 : i32
      %mul3A_1085 = arith.constant 4096 : i32
      %mul3A_1086 = arith.muli %select_n3A_1084, %mul3A_1085 : i32
      %dma_start3A_1087 = arith.constant 1 : i32
      %dma_start3A_1088 = arith.constant 0 : i32
      %dma_start3A_1089 = arith.constant 0 : i32
      %dma_start3A_1090 = tpu.memref_slice %arg6[%dma_start3A_1087, %dma_start3A_1088, %dma_start3A_1089] : memref<2x8x4096xf32, #tpu.memory_space<vmem>> -> memref<1x8x4096xf32, #tpu.memory_space<vmem>>
      %dma_start3A_1091 = tpu.memref_squeeze %dma_start3A_1090 : memref<1x8x4096xf32, #tpu.memory_space<vmem>> -> memref<8x4096xf32, #tpu.memory_space<vmem>>
      %dma_start3A_1092 = tpu.memref_slice %arg5[%mul3A_1068, %mul3A_1086] : memref<128x65536xf32, #tpu.memory_space<hbm>> -> memref<8x4096xf32, #tpu.memory_space<hbm>>
      %dma_start3A_1093 = tpu.memref_slice %arg5[%mul3A_1068, %mul3A_1086] : memref<128x65536xf32, #tpu.memory_space<hbm>> -> memref<8x4096xf32, #tpu.memory_space<hbm>>
      %dma_start3A_1094 = arith.constant 0 : i32
      %dma_start3A_1095 = arith.constant 0 : i32
      %dma_start3A_1096 = tpu.memref_slice %arg6[%dma_start3A_1087, %dma_start3A_1094, %dma_start3A_1095] : memref<2x8x4096xf32, #tpu.memory_space<vmem>> -> memref<1x8x4096xf32, #tpu.memory_space<vmem>>
      %dma_start3A_1097 = tpu.memref_squeeze %dma_start3A_1096 : memref<1x8x4096xf32, #tpu.memory_space<vmem>> -> memref<8x4096xf32, #tpu.memory_space<vmem>>
      tpu.enqueue_dma source(%dma_start3A_1097 : memref<8x4096xf32, #tpu.memory_space<vmem>>) target(%dma_start3A_1093 : memref<8x4096xf32, #tpu.memory_space<hbm>>) target_semaphore(%arg14 : memref<!tpu.dma_semaphore, #tpu.memory_space<semaphore_mem>>)
    } else {
    }
    %mul3A_352 = arith.constant 8 : i32
    %mul3A_353 = arith.muli %add3A, %mul3A_352 : i32
    %add3A_354 = arith.constant 1 : i32
    %add3A_355 = arith.addi %mul3A_353, %add3A_354 : i32
    %jit3A_356 = arith.constant 16 : i32
    %eq3A_357 = arith.constant 0 : i32
    %eq3A_358 = arith.cmpi eq, %jit3A_356, %eq3A_357 : i32
    %jit3A_359 = arith.constant 1 : i32
    %select_n3A_360 = arith.select %eq3A_358, %jit3A_359, %jit3A_356 : i32
    %rem3A_361 = arith.remsi %add3A_355, %select_n3A_360 : i32
    %ne3A_362 = arith.constant 0 : i32
    %ne3A_363 = arith.cmpi ne, %rem3A_361, %ne3A_362 : i32
    %lt3A_364 = arith.constant 0 : i32
    %lt3A_365 = arith.cmpi slt, %rem3A_361, %lt3A_364 : i32
    %lt3A_366 = arith.constant 0 : i32
    %lt3A_367 = arith.cmpi slt, %select_n3A_360, %lt3A_366 : i32
    %ne3A_368 = arith.xori %lt3A_365, %lt3A_367 : i1
    %and3A_369 = arith.andi %ne3A_368, %ne3A_363 : i1
    %add3A_370 = arith.addi %rem3A_361, %select_n3A_360 : i32
    %select_n3A_371 = arith.select %and3A_369, %add3A_370, %rem3A_361 : i32
    %eq3A_372 = arith.cmpi eq, %select_n3A_371, %select_n3A : i32
    %not3A_373 = arith.constant true
    %not3A_374 = arith.xori %eq3A_372, %not3A_373 : i1
    %convert_element_type3A_375 = arith.extui %not3A_374 : i1 to i32
    %cond3A_376 = arith.constant 0 : i32
    %cond3A_377 = arith.cmpi ne, %convert_element_type3A_375, %cond3A_376 : i32
    scf.if %cond3A_377 {
      %mul3A_980 = arith.constant 8 : i32
      %mul3A_981 = arith.muli %add3A, %mul3A_980 : i32
      %add3A_982 = arith.constant 1 : i32
      %add3A_983 = arith.addi %mul3A_981, %add3A_982 : i32
      %jit3A_984 = arith.constant 16 : i32
      %div3A_985 = arith.divsi %add3A_983, %jit3A_984 : i32
      %sign3A_986 = arith.constant 0 : i32
      %sign3A_987 = arith.cmpi sgt, %add3A_983, %sign3A_986 : i32
      %sign3A_988 = arith.extui %sign3A_987 : i1 to i32
      %sign3A_989 = arith.constant 0 : i32
      %sign3A_990 = arith.cmpi slt, %add3A_983, %sign3A_989 : i32
      %sign3A_991 = arith.extui %sign3A_990 : i1 to i32
      %sign3A_992 = arith.subi %sign3A_988, %sign3A_991 : i32
      %sign3A_993 = arith.constant 0 : i32
      %sign3A_994 = arith.cmpi sgt, %jit3A_984, %sign3A_993 : i32
      %sign3A_995 = arith.extui %sign3A_994 : i1 to i32
      %sign3A_996 = arith.constant 0 : i32
      %sign3A_997 = arith.cmpi slt, %jit3A_984, %sign3A_996 : i32
      %sign3A_998 = arith.extui %sign3A_997 : i1 to i32
      %sign3A_999 = arith.subi %sign3A_995, %sign3A_998 : i32
      %ne3A_1000 = arith.cmpi ne, %sign3A_992, %sign3A_999 : i32
      %rem3A_1001 = arith.remsi %add3A_983, %jit3A_984 : i32
      %ne3A_1002 = arith.constant 0 : i32
      %ne3A_1003 = arith.cmpi ne, %rem3A_1001, %ne3A_1002 : i32
      %and3A_1004 = arith.andi %ne3A_1000, %ne3A_1003 : i1
      %sub3A_1005 = arith.constant 1 : i32
      %sub3A_1006 = arith.subi %div3A_985, %sub3A_1005 : i32
      %select_n3A_1007 = arith.select %and3A_1004, %sub3A_1006, %div3A_985 : i32
      %mul3A_1008 = arith.constant 8 : i32
      %mul3A_1009 = arith.muli %select_n3A_1007, %mul3A_1008 : i32
      %jit3A_1010 = arith.constant 16 : i32
      %eq3A_1011 = arith.constant 0 : i32
      %eq3A_1012 = arith.cmpi eq, %jit3A_1010, %eq3A_1011 : i32
      %jit3A_1013 = arith.constant 1 : i32
      %select_n3A_1014 = arith.select %eq3A_1012, %jit3A_1013, %jit3A_1010 : i32
      %rem3A_1015 = arith.remsi %add3A_983, %select_n3A_1014 : i32
      %ne3A_1016 = arith.constant 0 : i32
      %ne3A_1017 = arith.cmpi ne, %rem3A_1015, %ne3A_1016 : i32
      %lt3A_1018 = arith.constant 0 : i32
      %lt3A_1019 = arith.cmpi slt, %rem3A_1015, %lt3A_1018 : i32
      %lt3A_1020 = arith.constant 0 : i32
      %lt3A_1021 = arith.cmpi slt, %select_n3A_1014, %lt3A_1020 : i32
      %ne3A_1022 = arith.xori %lt3A_1019, %lt3A_1021 : i1
      %and3A_1023 = arith.andi %ne3A_1022, %ne3A_1017 : i1
      %add3A_1024 = arith.addi %rem3A_1015, %select_n3A_1014 : i32
      %select_n3A_1025 = arith.select %and3A_1023, %add3A_1024, %rem3A_1015 : i32
      %mul3A_1026 = arith.constant 4096 : i32
      %mul3A_1027 = arith.muli %select_n3A_1025, %mul3A_1026 : i32
      %dma_wait3A_1028 = arith.constant 1 : i32
      %dma_wait3A_1029 = arith.constant 0 : i32
      %dma_wait3A_1030 = arith.constant 0 : i32
      %dma_wait3A_1031 = tpu.memref_slice %arg6[%dma_wait3A_1028, %dma_wait3A_1029, %dma_wait3A_1030] : memref<2x8x4096xf32, #tpu.memory_space<vmem>> -> memref<1x8x4096xf32, #tpu.memory_space<vmem>>
      %dma_wait3A_1032 = tpu.memref_squeeze %dma_wait3A_1031 : memref<1x8x4096xf32, #tpu.memory_space<vmem>> -> memref<8x4096xf32, #tpu.memory_space<vmem>>
      %dma_wait3A_1033 = tpu.memref_slice %arg5[%mul3A_1009, %mul3A_1027] : memref<128x65536xf32, #tpu.memory_space<hbm>> -> memref<8x4096xf32, #tpu.memory_space<hbm>>
      %dma_wait3A_1034 = tpu.memref_slice %arg5[%mul3A_1009, %mul3A_1027] : memref<128x65536xf32, #tpu.memory_space<hbm>> -> memref<8x4096xf32, #tpu.memory_space<hbm>>
      %dma_wait3A_1035 = arith.constant 0 : i32
      %dma_wait3A_1036 = arith.constant 0 : i32
      %dma_wait3A_1037 = tpu.memref_slice %arg6[%dma_wait3A_1028, %dma_wait3A_1035, %dma_wait3A_1036] : memref<2x8x4096xf32, #tpu.memory_space<vmem>> -> memref<1x8x4096xf32, #tpu.memory_space<vmem>>
      %dma_wait3A_1038 = tpu.memref_squeeze %dma_wait3A_1037 : memref<1x8x4096xf32, #tpu.memory_space<vmem>> -> memref<8x4096xf32, #tpu.memory_space<vmem>>
      tpu.wait_dma2 semaphore(%arg14 : memref<!tpu.dma_semaphore, #tpu.memory_space<semaphore_mem>>) src(%dma_wait3A_1038 : memref<8x4096xf32, #tpu.memory_space<vmem>>) dst(%dma_wait3A_1034 : memref<8x4096xf32, #tpu.memory_space<hbm>>)
    } else {
    }
    %mul3A_378 = arith.constant 8 : i32
    %mul3A_379 = arith.muli %add3A, %mul3A_378 : i32
    %add3A_380 = arith.constant 3 : i32
    %add3A_381 = arith.addi %mul3A_379, %add3A_380 : i32
    %jit3A_382 = arith.constant 16 : i32
    %eq3A_383 = arith.constant 0 : i32
    %eq3A_384 = arith.cmpi eq, %jit3A_382, %eq3A_383 : i32
    %jit3A_385 = arith.constant 1 : i32
    %select_n3A_386 = arith.select %eq3A_384, %jit3A_385, %jit3A_382 : i32
    %rem3A_387 = arith.remsi %add3A_381, %select_n3A_386 : i32
    %ne3A_388 = arith.constant 0 : i32
    %ne3A_389 = arith.cmpi ne, %rem3A_387, %ne3A_388 : i32
    %lt3A_390 = arith.constant 0 : i32
    %lt3A_391 = arith.cmpi slt, %rem3A_387, %lt3A_390 : i32
    %lt3A_392 = arith.constant 0 : i32
    %lt3A_393 = arith.cmpi slt, %select_n3A_386, %lt3A_392 : i32
    %ne3A_394 = arith.xori %lt3A_391, %lt3A_393 : i1
    %and3A_395 = arith.andi %ne3A_394, %ne3A_389 : i1
    %add3A_396 = arith.addi %rem3A_387, %select_n3A_386 : i32
    %select_n3A_397 = arith.select %and3A_395, %add3A_396, %rem3A_387 : i32
    %eq3A_398 = arith.cmpi eq, %select_n3A_397, %select_n3A : i32
    %not3A_399 = arith.constant true
    %not3A_400 = arith.xori %eq3A_398, %not3A_399 : i1
    %convert_element_type3A_401 = arith.extui %not3A_400 : i1 to i32
    %cond3A_402 = arith.constant 0 : i32
    %cond3A_403 = arith.cmpi ne, %convert_element_type3A_401, %cond3A_402 : i32
    scf.if %cond3A_403 {
      %mul3A_980 = arith.constant 8 : i32
      %mul3A_981 = arith.muli %add3A, %mul3A_980 : i32
      %add3A_982 = arith.constant 3 : i32
      %add3A_983 = arith.addi %mul3A_981, %add3A_982 : i32
      %jit3A_984 = arith.constant 16 : i32
      %div3A_985 = arith.divsi %add3A_983, %jit3A_984 : i32
      %sign3A_986 = arith.constant 0 : i32
      %sign3A_987 = arith.cmpi sgt, %add3A_983, %sign3A_986 : i32
      %sign3A_988 = arith.extui %sign3A_987 : i1 to i32
      %sign3A_989 = arith.constant 0 : i32
      %sign3A_990 = arith.cmpi slt, %add3A_983, %sign3A_989 : i32
      %sign3A_991 = arith.extui %sign3A_990 : i1 to i32
      %sign3A_992 = arith.subi %sign3A_988, %sign3A_991 : i32
      %sign3A_993 = arith.constant 0 : i32
      %sign3A_994 = arith.cmpi sgt, %jit3A_984, %sign3A_993 : i32
      %sign3A_995 = arith.extui %sign3A_994 : i1 to i32
      %sign3A_996 = arith.constant 0 : i32
      %sign3A_997 = arith.cmpi slt, %jit3A_984, %sign3A_996 : i32
      %sign3A_998 = arith.extui %sign3A_997 : i1 to i32
      %sign3A_999 = arith.subi %sign3A_995, %sign3A_998 : i32
      %ne3A_1000 = arith.cmpi ne, %sign3A_992, %sign3A_999 : i32
      %rem3A_1001 = arith.remsi %add3A_983, %jit3A_984 : i32
      %ne3A_1002 = arith.constant 0 : i32
      %ne3A_1003 = arith.cmpi ne, %rem3A_1001, %ne3A_1002 : i32
      %and3A_1004 = arith.andi %ne3A_1000, %ne3A_1003 : i1
      %sub3A_1005 = arith.constant 1 : i32
      %sub3A_1006 = arith.subi %div3A_985, %sub3A_1005 : i32
      %select_n3A_1007 = arith.select %and3A_1004, %sub3A_1006, %div3A_985 : i32
      %mul3A_1008 = arith.constant 8 : i32
      %mul3A_1009 = arith.muli %select_n3A_1007, %mul3A_1008 : i32
      %jit3A_1010 = arith.constant 16 : i32
      %eq3A_1011 = arith.constant 0 : i32
      %eq3A_1012 = arith.cmpi eq, %jit3A_1010, %eq3A_1011 : i32
      %jit3A_1013 = arith.constant 1 : i32
      %select_n3A_1014 = arith.select %eq3A_1012, %jit3A_1013, %jit3A_1010 : i32
      %rem3A_1015 = arith.remsi %add3A_983, %select_n3A_1014 : i32
      %ne3A_1016 = arith.constant 0 : i32
      %ne3A_1017 = arith.cmpi ne, %rem3A_1015, %ne3A_1016 : i32
      %lt3A_1018 = arith.constant 0 : i32
      %lt3A_1019 = arith.cmpi slt, %rem3A_1015, %lt3A_1018 : i32
      %lt3A_1020 = arith.constant 0 : i32
      %lt3A_1021 = arith.cmpi slt, %select_n3A_1014, %lt3A_1020 : i32
      %ne3A_1022 = arith.xori %lt3A_1019, %lt3A_1021 : i1
      %and3A_1023 = arith.andi %ne3A_1022, %ne3A_1017 : i1
      %add3A_1024 = arith.addi %rem3A_1015, %select_n3A_1014 : i32
      %select_n3A_1025 = arith.select %and3A_1023, %add3A_1024, %rem3A_1015 : i32
      %mul3A_1026 = arith.constant 4096 : i32
      %mul3A_1027 = arith.muli %select_n3A_1025, %mul3A_1026 : i32
      %dma_start3A_1028 = arith.constant 1 : i32
      %dma_start3A_1029 = arith.constant 0 : i32
      %dma_start3A_1030 = arith.constant 0 : i32
      %dma_start3A_1031 = tpu.memref_slice %arg6[%dma_start3A_1028, %dma_start3A_1029, %dma_start3A_1030] : memref<2x8x4096xf32, #tpu.memory_space<vmem>> -> memref<1x8x4096xf32, #tpu.memory_space<vmem>>
      %dma_start3A_1032 = tpu.memref_squeeze %dma_start3A_1031 : memref<1x8x4096xf32, #tpu.memory_space<vmem>> -> memref<8x4096xf32, #tpu.memory_space<vmem>>
      %dma_start3A_1033 = tpu.memref_slice %arg2[%mul3A_1009, %mul3A_1027] : memref<128x65536xf32, #tpu.memory_space<hbm>> -> memref<8x4096xf32, #tpu.memory_space<hbm>>
      %dma_start3A_1034 = arith.constant 0 : i32
      %dma_start3A_1035 = arith.constant 0 : i32
      %dma_start3A_1036 = tpu.memref_slice %arg6[%dma_start3A_1028, %dma_start3A_1034, %dma_start3A_1035] : memref<2x8x4096xf32, #tpu.memory_space<vmem>> -> memref<1x8x4096xf32, #tpu.memory_space<vmem>>
      %dma_start3A_1037 = tpu.memref_squeeze %dma_start3A_1036 : memref<1x8x4096xf32, #tpu.memory_space<vmem>> -> memref<8x4096xf32, #tpu.memory_space<vmem>>
      %dma_start3A_1038 = tpu.memref_slice %arg2[%mul3A_1009, %mul3A_1027] : memref<128x65536xf32, #tpu.memory_space<hbm>> -> memref<8x4096xf32, #tpu.memory_space<hbm>>
      tpu.enqueue_dma source(%dma_start3A_1038 : memref<8x4096xf32, #tpu.memory_space<hbm>>) target(%dma_start3A_1037 : memref<8x4096xf32, #tpu.memory_space<vmem>>) target_semaphore(%arg11 : memref<!tpu.dma_semaphore, #tpu.memory_space<semaphore_mem>>)
    } else {
    }
    %mul3A_404 = arith.constant 8 : i32
    %mul3A_405 = arith.muli %add3A, %mul3A_404 : i32
    %add3A_406 = arith.constant 2 : i32
    %add3A_407 = arith.addi %mul3A_405, %add3A_406 : i32
    %jit3A_408 = arith.constant 16 : i32
    %eq3A_409 = arith.constant 0 : i32
    %eq3A_410 = arith.cmpi eq, %jit3A_408, %eq3A_409 : i32
    %jit3A_411 = arith.constant 1 : i32
    %select_n3A_412 = arith.select %eq3A_410, %jit3A_411, %jit3A_408 : i32
    %rem3A_413 = arith.remsi %add3A_407, %select_n3A_412 : i32
    %ne3A_414 = arith.constant 0 : i32
    %ne3A_415 = arith.cmpi ne, %rem3A_413, %ne3A_414 : i32
    %lt3A_416 = arith.constant 0 : i32
    %lt3A_417 = arith.cmpi slt, %rem3A_413, %lt3A_416 : i32
    %lt3A_418 = arith.constant 0 : i32
    %lt3A_419 = arith.cmpi slt, %select_n3A_412, %lt3A_418 : i32
    %ne3A_420 = arith.xori %lt3A_417, %lt3A_419 : i1
    %and3A_421 = arith.andi %ne3A_420, %ne3A_415 : i1
    %add3A_422 = arith.addi %rem3A_413, %select_n3A_412 : i32
    %select_n3A_423 = arith.select %and3A_421, %add3A_422, %rem3A_413 : i32
    %eq3A_424 = arith.cmpi eq, %select_n3A_423, %select_n3A : i32
    %not3A_425 = arith.constant true
    %not3A_426 = arith.xori %eq3A_424, %not3A_425 : i1
    %convert_element_type3A_427 = arith.extui %not3A_426 : i1 to i32
    %cond3A_428 = arith.constant 0 : i32
    %cond3A_429 = arith.cmpi ne, %convert_element_type3A_427, %cond3A_428 : i32
    scf.if %cond3A_429 {
      %mul3A_980 = arith.constant 8 : i32
      %mul3A_981 = arith.muli %add3A, %mul3A_980 : i32
      %add3A_982 = arith.constant 2 : i32
      %add3A_983 = arith.addi %mul3A_981, %add3A_982 : i32
      %jit3A_984 = arith.constant 16 : i32
      %div3A_985 = arith.divsi %add3A_983, %jit3A_984 : i32
      %sign3A_986 = arith.constant 0 : i32
      %sign3A_987 = arith.cmpi sgt, %add3A_983, %sign3A_986 : i32
      %sign3A_988 = arith.extui %sign3A_987 : i1 to i32
      %sign3A_989 = arith.constant 0 : i32
      %sign3A_990 = arith.cmpi slt, %add3A_983, %sign3A_989 : i32
      %sign3A_991 = arith.extui %sign3A_990 : i1 to i32
      %sign3A_992 = arith.subi %sign3A_988, %sign3A_991 : i32
      %sign3A_993 = arith.constant 0 : i32
      %sign3A_994 = arith.cmpi sgt, %jit3A_984, %sign3A_993 : i32
      %sign3A_995 = arith.extui %sign3A_994 : i1 to i32
      %sign3A_996 = arith.constant 0 : i32
      %sign3A_997 = arith.cmpi slt, %jit3A_984, %sign3A_996 : i32
      %sign3A_998 = arith.extui %sign3A_997 : i1 to i32
      %sign3A_999 = arith.subi %sign3A_995, %sign3A_998 : i32
      %ne3A_1000 = arith.cmpi ne, %sign3A_992, %sign3A_999 : i32
      %rem3A_1001 = arith.remsi %add3A_983, %jit3A_984 : i32
      %ne3A_1002 = arith.constant 0 : i32
      %ne3A_1003 = arith.cmpi ne, %rem3A_1001, %ne3A_1002 : i32
      %and3A_1004 = arith.andi %ne3A_1000, %ne3A_1003 : i1
      %sub3A_1005 = arith.constant 1 : i32
      %sub3A_1006 = arith.subi %div3A_985, %sub3A_1005 : i32
      %select_n3A_1007 = arith.select %and3A_1004, %sub3A_1006, %div3A_985 : i32
      %mul3A_1008 = arith.constant 8 : i32
      %mul3A_1009 = arith.muli %select_n3A_1007, %mul3A_1008 : i32
      %jit3A_1010 = arith.constant 16 : i32
      %eq3A_1011 = arith.constant 0 : i32
      %eq3A_1012 = arith.cmpi eq, %jit3A_1010, %eq3A_1011 : i32
      %jit3A_1013 = arith.constant 1 : i32
      %select_n3A_1014 = arith.select %eq3A_1012, %jit3A_1013, %jit3A_1010 : i32
      %rem3A_1015 = arith.remsi %add3A_983, %select_n3A_1014 : i32
      %ne3A_1016 = arith.constant 0 : i32
      %ne3A_1017 = arith.cmpi ne, %rem3A_1015, %ne3A_1016 : i32
      %lt3A_1018 = arith.constant 0 : i32
      %lt3A_1019 = arith.cmpi slt, %rem3A_1015, %lt3A_1018 : i32
      %lt3A_1020 = arith.constant 0 : i32
      %lt3A_1021 = arith.cmpi slt, %select_n3A_1014, %lt3A_1020 : i32
      %ne3A_1022 = arith.xori %lt3A_1019, %lt3A_1021 : i1
      %and3A_1023 = arith.andi %ne3A_1022, %ne3A_1017 : i1
      %add3A_1024 = arith.addi %rem3A_1015, %select_n3A_1014 : i32
      %select_n3A_1025 = arith.select %and3A_1023, %add3A_1024, %rem3A_1015 : i32
      %mul3A_1026 = arith.constant 4096 : i32
      %mul3A_1027 = arith.muli %select_n3A_1025, %mul3A_1026 : i32
      %dma_wait3A_1028 = arith.constant 0 : i32
      %dma_wait3A_1029 = arith.constant 0 : i32
      %dma_wait3A_1030 = arith.constant 0 : i32
      %dma_wait3A_1031 = tpu.memref_slice %arg6[%dma_wait3A_1028, %dma_wait3A_1029, %dma_wait3A_1030] : memref<2x8x4096xf32, #tpu.memory_space<vmem>> -> memref<1x8x4096xf32, #tpu.memory_space<vmem>>
      %dma_wait3A_1032 = tpu.memref_squeeze %dma_wait3A_1031 : memref<1x8x4096xf32, #tpu.memory_space<vmem>> -> memref<8x4096xf32, #tpu.memory_space<vmem>>
      %dma_wait3A_1033 = tpu.memref_slice %arg2[%mul3A_1009, %mul3A_1027] : memref<128x65536xf32, #tpu.memory_space<hbm>> -> memref<8x4096xf32, #tpu.memory_space<hbm>>
      %dma_wait3A_1034 = arith.constant 0 : i32
      %dma_wait3A_1035 = arith.constant 0 : i32
      %dma_wait3A_1036 = tpu.memref_slice %arg6[%dma_wait3A_1028, %dma_wait3A_1034, %dma_wait3A_1035] : memref<2x8x4096xf32, #tpu.memory_space<vmem>> -> memref<1x8x4096xf32, #tpu.memory_space<vmem>>
      %dma_wait3A_1037 = tpu.memref_squeeze %dma_wait3A_1036 : memref<1x8x4096xf32, #tpu.memory_space<vmem>> -> memref<8x4096xf32, #tpu.memory_space<vmem>>
      %dma_wait3A_1038 = tpu.memref_slice %arg2[%mul3A_1009, %mul3A_1027] : memref<128x65536xf32, #tpu.memory_space<hbm>> -> memref<8x4096xf32, #tpu.memory_space<hbm>>
      tpu.wait_dma2 semaphore(%arg10 : memref<!tpu.dma_semaphore, #tpu.memory_space<semaphore_mem>>) src(%dma_wait3A_1038 : memref<8x4096xf32, #tpu.memory_space<hbm>>) dst(%dma_wait3A_1037 : memref<8x4096xf32, #tpu.memory_space<vmem>>)
      %mul3A_1039 = arith.constant 8 : i32
      %mul3A_1040 = arith.muli %add3A, %mul3A_1039 : i32
      %add3A_1041 = arith.constant 2 : i32
      %add3A_1042 = arith.addi %mul3A_1040, %add3A_1041 : i32
      %jit3A_1043 = arith.constant 16 : i32
      %div3A_1044 = arith.divsi %add3A_1042, %jit3A_1043 : i32
      %sign3A_1045 = arith.constant 0 : i32
      %sign3A_1046 = arith.cmpi sgt, %add3A_1042, %sign3A_1045 : i32
      %sign3A_1047 = arith.extui %sign3A_1046 : i1 to i32
      %sign3A_1048 = arith.constant 0 : i32
      %sign3A_1049 = arith.cmpi slt, %add3A_1042, %sign3A_1048 : i32
      %sign3A_1050 = arith.extui %sign3A_1049 : i1 to i32
      %sign3A_1051 = arith.subi %sign3A_1047, %sign3A_1050 : i32
      %sign3A_1052 = arith.constant 0 : i32
      %sign3A_1053 = arith.cmpi sgt, %jit3A_1043, %sign3A_1052 : i32
      %sign3A_1054 = arith.extui %sign3A_1053 : i1 to i32
      %sign3A_1055 = arith.constant 0 : i32
      %sign3A_1056 = arith.cmpi slt, %jit3A_1043, %sign3A_1055 : i32
      %sign3A_1057 = arith.extui %sign3A_1056 : i1 to i32
      %sign3A_1058 = arith.subi %sign3A_1054, %sign3A_1057 : i32
      %ne3A_1059 = arith.cmpi ne, %sign3A_1051, %sign3A_1058 : i32
      %rem3A_1060 = arith.remsi %add3A_1042, %jit3A_1043 : i32
      %ne3A_1061 = arith.constant 0 : i32
      %ne3A_1062 = arith.cmpi ne, %rem3A_1060, %ne3A_1061 : i32
      %and3A_1063 = arith.andi %ne3A_1059, %ne3A_1062 : i1
      %sub3A_1064 = arith.constant 1 : i32
      %sub3A_1065 = arith.subi %div3A_1044, %sub3A_1064 : i32
      %select_n3A_1066 = arith.select %and3A_1063, %sub3A_1065, %div3A_1044 : i32
      %mul3A_1067 = arith.constant 8 : i32
      %mul3A_1068 = arith.muli %select_n3A_1066, %mul3A_1067 : i32
      %jit3A_1069 = arith.constant 16 : i32
      %eq3A_1070 = arith.constant 0 : i32
      %eq3A_1071 = arith.cmpi eq, %jit3A_1069, %eq3A_1070 : i32
      %jit3A_1072 = arith.constant 1 : i32
      %select_n3A_1073 = arith.select %eq3A_1071, %jit3A_1072, %jit3A_1069 : i32
      %rem3A_1074 = arith.remsi %add3A_1042, %select_n3A_1073 : i32
      %ne3A_1075 = arith.constant 0 : i32
      %ne3A_1076 = arith.cmpi ne, %rem3A_1074, %ne3A_1075 : i32
      %lt3A_1077 = arith.constant 0 : i32
      %lt3A_1078 = arith.cmpi slt, %rem3A_1074, %lt3A_1077 : i32
      %lt3A_1079 = arith.constant 0 : i32
      %lt3A_1080 = arith.cmpi slt, %select_n3A_1073, %lt3A_1079 : i32
      %ne3A_1081 = arith.xori %lt3A_1078, %lt3A_1080 : i1
      %and3A_1082 = arith.andi %ne3A_1081, %ne3A_1076 : i1
      %add3A_1083 = arith.addi %rem3A_1074, %select_n3A_1073 : i32
      %select_n3A_1084 = arith.select %and3A_1082, %add3A_1083, %rem3A_1074 : i32
      %mul3A_1085 = arith.constant 4096 : i32
      %mul3A_1086 = arith.muli %select_n3A_1084, %mul3A_1085 : i32
      %dma_start3A_1087 = arith.constant 0 : i32
      %dma_start3A_1088 = arith.constant 0 : i32
      %dma_start3A_1089 = arith.constant 0 : i32
      %dma_start3A_1090 = tpu.memref_slice %arg6[%dma_start3A_1087, %dma_start3A_1088, %dma_start3A_1089] : memref<2x8x4096xf32, #tpu.memory_space<vmem>> -> memref<1x8x4096xf32, #tpu.memory_space<vmem>>
      %dma_start3A_1091 = tpu.memref_squeeze %dma_start3A_1090 : memref<1x8x4096xf32, #tpu.memory_space<vmem>> -> memref<8x4096xf32, #tpu.memory_space<vmem>>
      %dma_start3A_1092 = tpu.memref_slice %arg5[%mul3A_1068, %mul3A_1086] : memref<128x65536xf32, #tpu.memory_space<hbm>> -> memref<8x4096xf32, #tpu.memory_space<hbm>>
      %dma_start3A_1093 = tpu.memref_slice %arg5[%mul3A_1068, %mul3A_1086] : memref<128x65536xf32, #tpu.memory_space<hbm>> -> memref<8x4096xf32, #tpu.memory_space<hbm>>
      %dma_start3A_1094 = arith.constant 0 : i32
      %dma_start3A_1095 = arith.constant 0 : i32
      %dma_start3A_1096 = tpu.memref_slice %arg6[%dma_start3A_1087, %dma_start3A_1094, %dma_start3A_1095] : memref<2x8x4096xf32, #tpu.memory_space<vmem>> -> memref<1x8x4096xf32, #tpu.memory_space<vmem>>
      %dma_start3A_1097 = tpu.memref_squeeze %dma_start3A_1096 : memref<1x8x4096xf32, #tpu.memory_space<vmem>> -> memref<8x4096xf32, #tpu.memory_space<vmem>>
      tpu.enqueue_dma source(%dma_start3A_1097 : memref<8x4096xf32, #tpu.memory_space<vmem>>) target(%dma_start3A_1093 : memref<8x4096xf32, #tpu.memory_space<hbm>>) target_semaphore(%arg13 : memref<!tpu.dma_semaphore, #tpu.memory_space<semaphore_mem>>)
    } else {
    }
    %mul3A_430 = arith.constant 8 : i32
    %mul3A_431 = arith.muli %add3A, %mul3A_430 : i32
    %add3A_432 = arith.constant 2 : i32
    %add3A_433 = arith.addi %mul3A_431, %add3A_432 : i32
    %jit3A_434 = arith.constant 16 : i32
    %eq3A_435 = arith.constant 0 : i32
    %eq3A_436 = arith.cmpi eq, %jit3A_434, %eq3A_435 : i32
    %jit3A_437 = arith.constant 1 : i32
    %select_n3A_438 = arith.select %eq3A_436, %jit3A_437, %jit3A_434 : i32
    %rem3A_439 = arith.remsi %add3A_433, %select_n3A_438 : i32
    %ne3A_440 = arith.constant 0 : i32
    %ne3A_441 = arith.cmpi ne, %rem3A_439, %ne3A_440 : i32
    %lt3A_442 = arith.constant 0 : i32
    %lt3A_443 = arith.cmpi slt, %rem3A_439, %lt3A_442 : i32
    %lt3A_444 = arith.constant 0 : i32
    %lt3A_445 = arith.cmpi slt, %select_n3A_438, %lt3A_444 : i32
    %ne3A_446 = arith.xori %lt3A_443, %lt3A_445 : i1
    %and3A_447 = arith.andi %ne3A_446, %ne3A_441 : i1
    %add3A_448 = arith.addi %rem3A_439, %select_n3A_438 : i32
    %select_n3A_449 = arith.select %and3A_447, %add3A_448, %rem3A_439 : i32
    %eq3A_450 = arith.cmpi eq, %select_n3A_449, %select_n3A : i32
    %not3A_451 = arith.constant true
    %not3A_452 = arith.xori %eq3A_450, %not3A_451 : i1
    %convert_element_type3A_453 = arith.extui %not3A_452 : i1 to i32
    %cond3A_454 = arith.constant 0 : i32
    %cond3A_455 = arith.cmpi ne, %convert_element_type3A_453, %cond3A_454 : i32
    scf.if %cond3A_455 {
      %mul3A_980 = arith.constant 8 : i32
      %mul3A_981 = arith.muli %add3A, %mul3A_980 : i32
      %add3A_982 = arith.constant 2 : i32
      %add3A_983 = arith.addi %mul3A_981, %add3A_982 : i32
      %jit3A_984 = arith.constant 16 : i32
      %div3A_985 = arith.divsi %add3A_983, %jit3A_984 : i32
      %sign3A_986 = arith.constant 0 : i32
      %sign3A_987 = arith.cmpi sgt, %add3A_983, %sign3A_986 : i32
      %sign3A_988 = arith.extui %sign3A_987 : i1 to i32
      %sign3A_989 = arith.constant 0 : i32
      %sign3A_990 = arith.cmpi slt, %add3A_983, %sign3A_989 : i32
      %sign3A_991 = arith.extui %sign3A_990 : i1 to i32
      %sign3A_992 = arith.subi %sign3A_988, %sign3A_991 : i32
      %sign3A_993 = arith.constant 0 : i32
      %sign3A_994 = arith.cmpi sgt, %jit3A_984, %sign3A_993 : i32
      %sign3A_995 = arith.extui %sign3A_994 : i1 to i32
      %sign3A_996 = arith.constant 0 : i32
      %sign3A_997 = arith.cmpi slt, %jit3A_984, %sign3A_996 : i32
      %sign3A_998 = arith.extui %sign3A_997 : i1 to i32
      %sign3A_999 = arith.subi %sign3A_995, %sign3A_998 : i32
      %ne3A_1000 = arith.cmpi ne, %sign3A_992, %sign3A_999 : i32
      %rem3A_1001 = arith.remsi %add3A_983, %jit3A_984 : i32
      %ne3A_1002 = arith.constant 0 : i32
      %ne3A_1003 = arith.cmpi ne, %rem3A_1001, %ne3A_1002 : i32
      %and3A_1004 = arith.andi %ne3A_1000, %ne3A_1003 : i1
      %sub3A_1005 = arith.constant 1 : i32
      %sub3A_1006 = arith.subi %div3A_985, %sub3A_1005 : i32
      %select_n3A_1007 = arith.select %and3A_1004, %sub3A_1006, %div3A_985 : i32
      %mul3A_1008 = arith.constant 8 : i32
      %mul3A_1009 = arith.muli %select_n3A_1007, %mul3A_1008 : i32
      %jit3A_1010 = arith.constant 16 : i32
      %eq3A_1011 = arith.constant 0 : i32
      %eq3A_1012 = arith.cmpi eq, %jit3A_1010, %eq3A_1011 : i32
      %jit3A_1013 = arith.constant 1 : i32
      %select_n3A_1014 = arith.select %eq3A_1012, %jit3A_1013, %jit3A_1010 : i32
      %rem3A_1015 = arith.remsi %add3A_983, %select_n3A_1014 : i32
      %ne3A_1016 = arith.constant 0 : i32
      %ne3A_1017 = arith.cmpi ne, %rem3A_1015, %ne3A_1016 : i32
      %lt3A_1018 = arith.constant 0 : i32
      %lt3A_1019 = arith.cmpi slt, %rem3A_1015, %lt3A_1018 : i32
      %lt3A_1020 = arith.constant 0 : i32
      %lt3A_1021 = arith.cmpi slt, %select_n3A_1014, %lt3A_1020 : i32
      %ne3A_1022 = arith.xori %lt3A_1019, %lt3A_1021 : i1
      %and3A_1023 = arith.andi %ne3A_1022, %ne3A_1017 : i1
      %add3A_1024 = arith.addi %rem3A_1015, %select_n3A_1014 : i32
      %select_n3A_1025 = arith.select %and3A_1023, %add3A_1024, %rem3A_1015 : i32
      %mul3A_1026 = arith.constant 4096 : i32
      %mul3A_1027 = arith.muli %select_n3A_1025, %mul3A_1026 : i32
      %dma_wait3A_1028 = arith.constant 0 : i32
      %dma_wait3A_1029 = arith.constant 0 : i32
      %dma_wait3A_1030 = arith.constant 0 : i32
      %dma_wait3A_1031 = tpu.memref_slice %arg6[%dma_wait3A_1028, %dma_wait3A_1029, %dma_wait3A_1030] : memref<2x8x4096xf32, #tpu.memory_space<vmem>> -> memref<1x8x4096xf32, #tpu.memory_space<vmem>>
      %dma_wait3A_1032 = tpu.memref_squeeze %dma_wait3A_1031 : memref<1x8x4096xf32, #tpu.memory_space<vmem>> -> memref<8x4096xf32, #tpu.memory_space<vmem>>
      %dma_wait3A_1033 = tpu.memref_slice %arg5[%mul3A_1009, %mul3A_1027] : memref<128x65536xf32, #tpu.memory_space<hbm>> -> memref<8x4096xf32, #tpu.memory_space<hbm>>
      %dma_wait3A_1034 = tpu.memref_slice %arg5[%mul3A_1009, %mul3A_1027] : memref<128x65536xf32, #tpu.memory_space<hbm>> -> memref<8x4096xf32, #tpu.memory_space<hbm>>
      %dma_wait3A_1035 = arith.constant 0 : i32
      %dma_wait3A_1036 = arith.constant 0 : i32
      %dma_wait3A_1037 = tpu.memref_slice %arg6[%dma_wait3A_1028, %dma_wait3A_1035, %dma_wait3A_1036] : memref<2x8x4096xf32, #tpu.memory_space<vmem>> -> memref<1x8x4096xf32, #tpu.memory_space<vmem>>
      %dma_wait3A_1038 = tpu.memref_squeeze %dma_wait3A_1037 : memref<1x8x4096xf32, #tpu.memory_space<vmem>> -> memref<8x4096xf32, #tpu.memory_space<vmem>>
      tpu.wait_dma2 semaphore(%arg13 : memref<!tpu.dma_semaphore, #tpu.memory_space<semaphore_mem>>) src(%dma_wait3A_1038 : memref<8x4096xf32, #tpu.memory_space<vmem>>) dst(%dma_wait3A_1034 : memref<8x4096xf32, #tpu.memory_space<hbm>>)
    } else {
    }
    %mul3A_456 = arith.constant 8 : i32
    %mul3A_457 = arith.muli %add3A, %mul3A_456 : i32
    %add3A_458 = arith.constant 4 : i32
    %add3A_459 = arith.addi %mul3A_457, %add3A_458 : i32
    %jit3A_460 = arith.constant 16 : i32
    %eq3A_461 = arith.constant 0 : i32
    %eq3A_462 = arith.cmpi eq, %jit3A_460, %eq3A_461 : i32
    %jit3A_463 = arith.constant 1 : i32
    %select_n3A_464 = arith.select %eq3A_462, %jit3A_463, %jit3A_460 : i32
    %rem3A_465 = arith.remsi %add3A_459, %select_n3A_464 : i32
    %ne3A_466 = arith.constant 0 : i32
    %ne3A_467 = arith.cmpi ne, %rem3A_465, %ne3A_466 : i32
    %lt3A_468 = arith.constant 0 : i32
    %lt3A_469 = arith.cmpi slt, %rem3A_465, %lt3A_468 : i32
    %lt3A_470 = arith.constant 0 : i32
    %lt3A_471 = arith.cmpi slt, %select_n3A_464, %lt3A_470 : i32
    %ne3A_472 = arith.xori %lt3A_469, %lt3A_471 : i1
    %and3A_473 = arith.andi %ne3A_472, %ne3A_467 : i1
    %add3A_474 = arith.addi %rem3A_465, %select_n3A_464 : i32
    %select_n3A_475 = arith.select %and3A_473, %add3A_474, %rem3A_465 : i32
    %eq3A_476 = arith.cmpi eq, %select_n3A_475, %select_n3A : i32
    %not3A_477 = arith.constant true
    %not3A_478 = arith.xori %eq3A_476, %not3A_477 : i1
    %convert_element_type3A_479 = arith.extui %not3A_478 : i1 to i32
    %cond3A_480 = arith.constant 0 : i32
    %cond3A_481 = arith.cmpi ne, %convert_element_type3A_479, %cond3A_480 : i32
    scf.if %cond3A_481 {
      %mul3A_980 = arith.constant 8 : i32
      %mul3A_981 = arith.muli %add3A, %mul3A_980 : i32
      %add3A_982 = arith.constant 4 : i32
      %add3A_983 = arith.addi %mul3A_981, %add3A_982 : i32
      %jit3A_984 = arith.constant 16 : i32
      %div3A_985 = arith.divsi %add3A_983, %jit3A_984 : i32
      %sign3A_986 = arith.constant 0 : i32
      %sign3A_987 = arith.cmpi sgt, %add3A_983, %sign3A_986 : i32
      %sign3A_988 = arith.extui %sign3A_987 : i1 to i32
      %sign3A_989 = arith.constant 0 : i32
      %sign3A_990 = arith.cmpi slt, %add3A_983, %sign3A_989 : i32
      %sign3A_991 = arith.extui %sign3A_990 : i1 to i32
      %sign3A_992 = arith.subi %sign3A_988, %sign3A_991 : i32
      %sign3A_993 = arith.constant 0 : i32
      %sign3A_994 = arith.cmpi sgt, %jit3A_984, %sign3A_993 : i32
      %sign3A_995 = arith.extui %sign3A_994 : i1 to i32
      %sign3A_996 = arith.constant 0 : i32
      %sign3A_997 = arith.cmpi slt, %jit3A_984, %sign3A_996 : i32
      %sign3A_998 = arith.extui %sign3A_997 : i1 to i32
      %sign3A_999 = arith.subi %sign3A_995, %sign3A_998 : i32
      %ne3A_1000 = arith.cmpi ne, %sign3A_992, %sign3A_999 : i32
      %rem3A_1001 = arith.remsi %add3A_983, %jit3A_984 : i32
      %ne3A_1002 = arith.constant 0 : i32
      %ne3A_1003 = arith.cmpi ne, %rem3A_1001, %ne3A_1002 : i32
      %and3A_1004 = arith.andi %ne3A_1000, %ne3A_1003 : i1
      %sub3A_1005 = arith.constant 1 : i32
      %sub3A_1006 = arith.subi %div3A_985, %sub3A_1005 : i32
      %select_n3A_1007 = arith.select %and3A_1004, %sub3A_1006, %div3A_985 : i32
      %mul3A_1008 = arith.constant 8 : i32
      %mul3A_1009 = arith.muli %select_n3A_1007, %mul3A_1008 : i32
      %jit3A_1010 = arith.constant 16 : i32
      %eq3A_1011 = arith.constant 0 : i32
      %eq3A_1012 = arith.cmpi eq, %jit3A_1010, %eq3A_1011 : i32
      %jit3A_1013 = arith.constant 1 : i32
      %select_n3A_1014 = arith.select %eq3A_1012, %jit3A_1013, %jit3A_1010 : i32
      %rem3A_1015 = arith.remsi %add3A_983, %select_n3A_1014 : i32
      %ne3A_1016 = arith.constant 0 : i32
      %ne3A_1017 = arith.cmpi ne, %rem3A_1015, %ne3A_1016 : i32
      %lt3A_1018 = arith.constant 0 : i32
      %lt3A_1019 = arith.cmpi slt, %rem3A_1015, %lt3A_1018 : i32
      %lt3A_1020 = arith.constant 0 : i32
      %lt3A_1021 = arith.cmpi slt, %select_n3A_1014, %lt3A_1020 : i32
      %ne3A_1022 = arith.xori %lt3A_1019, %lt3A_1021 : i1
      %and3A_1023 = arith.andi %ne3A_1022, %ne3A_1017 : i1
      %add3A_1024 = arith.addi %rem3A_1015, %select_n3A_1014 : i32
      %select_n3A_1025 = arith.select %and3A_1023, %add3A_1024, %rem3A_1015 : i32
      %mul3A_1026 = arith.constant 4096 : i32
      %mul3A_1027 = arith.muli %select_n3A_1025, %mul3A_1026 : i32
      %dma_start3A_1028 = arith.constant 0 : i32
      %dma_start3A_1029 = arith.constant 0 : i32
      %dma_start3A_1030 = arith.constant 0 : i32
      %dma_start3A_1031 = tpu.memref_slice %arg6[%dma_start3A_1028, %dma_start3A_1029, %dma_start3A_1030] : memref<2x8x4096xf32, #tpu.memory_space<vmem>> -> memref<1x8x4096xf32, #tpu.memory_space<vmem>>
      %dma_start3A_1032 = tpu.memref_squeeze %dma_start3A_1031 : memref<1x8x4096xf32, #tpu.memory_space<vmem>> -> memref<8x4096xf32, #tpu.memory_space<vmem>>
      %dma_start3A_1033 = tpu.memref_slice %arg2[%mul3A_1009, %mul3A_1027] : memref<128x65536xf32, #tpu.memory_space<hbm>> -> memref<8x4096xf32, #tpu.memory_space<hbm>>
      %dma_start3A_1034 = arith.constant 0 : i32
      %dma_start3A_1035 = arith.constant 0 : i32
      %dma_start3A_1036 = tpu.memref_slice %arg6[%dma_start3A_1028, %dma_start3A_1034, %dma_start3A_1035] : memref<2x8x4096xf32, #tpu.memory_space<vmem>> -> memref<1x8x4096xf32, #tpu.memory_space<vmem>>
      %dma_start3A_1037 = tpu.memref_squeeze %dma_start3A_1036 : memref<1x8x4096xf32, #tpu.memory_space<vmem>> -> memref<8x4096xf32, #tpu.memory_space<vmem>>
      %dma_start3A_1038 = tpu.memref_slice %arg2[%mul3A_1009, %mul3A_1027] : memref<128x65536xf32, #tpu.memory_space<hbm>> -> memref<8x4096xf32, #tpu.memory_space<hbm>>
      tpu.enqueue_dma source(%dma_start3A_1038 : memref<8x4096xf32, #tpu.memory_space<hbm>>) target(%dma_start3A_1037 : memref<8x4096xf32, #tpu.memory_space<vmem>>) target_semaphore(%arg10 : memref<!tpu.dma_semaphore, #tpu.memory_space<semaphore_mem>>)
    } else {
    }
    %mul3A_482 = arith.constant 8 : i32
    %mul3A_483 = arith.muli %add3A, %mul3A_482 : i32
    %add3A_484 = arith.constant 3 : i32
    %add3A_485 = arith.addi %mul3A_483, %add3A_484 : i32
    %jit3A_486 = arith.constant 16 : i32
    %eq3A_487 = arith.constant 0 : i32
    %eq3A_488 = arith.cmpi eq, %jit3A_486, %eq3A_487 : i32
    %jit3A_489 = arith.constant 1 : i32
    %select_n3A_490 = arith.select %eq3A_488, %jit3A_489, %jit3A_486 : i32
    %rem3A_491 = arith.remsi %add3A_485, %select_n3A_490 : i32
    %ne3A_492 = arith.constant 0 : i32
    %ne3A_493 = arith.cmpi ne, %rem3A_491, %ne3A_492 : i32
    %lt3A_494 = arith.constant 0 : i32
    %lt3A_495 = arith.cmpi slt, %rem3A_491, %lt3A_494 : i32
    %lt3A_496 = arith.constant 0 : i32
    %lt3A_497 = arith.cmpi slt, %select_n3A_490, %lt3A_496 : i32
    %ne3A_498 = arith.xori %lt3A_495, %lt3A_497 : i1
    %and3A_499 = arith.andi %ne3A_498, %ne3A_493 : i1
    %add3A_500 = arith.addi %rem3A_491, %select_n3A_490 : i32
    %select_n3A_501 = arith.select %and3A_499, %add3A_500, %rem3A_491 : i32
    %eq3A_502 = arith.cmpi eq, %select_n3A_501, %select_n3A : i32
    %not3A_503 = arith.constant true
    %not3A_504 = arith.xori %eq3A_502, %not3A_503 : i1
    %convert_element_type3A_505 = arith.extui %not3A_504 : i1 to i32
    %cond3A_506 = arith.constant 0 : i32
    %cond3A_507 = arith.cmpi ne, %convert_element_type3A_505, %cond3A_506 : i32
    scf.if %cond3A_507 {
      %mul3A_980 = arith.constant 8 : i32
      %mul3A_981 = arith.muli %add3A, %mul3A_980 : i32
      %add3A_982 = arith.constant 3 : i32
      %add3A_983 = arith.addi %mul3A_981, %add3A_982 : i32
      %jit3A_984 = arith.constant 16 : i32
      %div3A_985 = arith.divsi %add3A_983, %jit3A_984 : i32
      %sign3A_986 = arith.constant 0 : i32
      %sign3A_987 = arith.cmpi sgt, %add3A_983, %sign3A_986 : i32
      %sign3A_988 = arith.extui %sign3A_987 : i1 to i32
      %sign3A_989 = arith.constant 0 : i32
      %sign3A_990 = arith.cmpi slt, %add3A_983, %sign3A_989 : i32
      %sign3A_991 = arith.extui %sign3A_990 : i1 to i32
      %sign3A_992 = arith.subi %sign3A_988, %sign3A_991 : i32
      %sign3A_993 = arith.constant 0 : i32
      %sign3A_994 = arith.cmpi sgt, %jit3A_984, %sign3A_993 : i32
      %sign3A_995 = arith.extui %sign3A_994 : i1 to i32
      %sign3A_996 = arith.constant 0 : i32
      %sign3A_997 = arith.cmpi slt, %jit3A_984, %sign3A_996 : i32
      %sign3A_998 = arith.extui %sign3A_997 : i1 to i32
      %sign3A_999 = arith.subi %sign3A_995, %sign3A_998 : i32
      %ne3A_1000 = arith.cmpi ne, %sign3A_992, %sign3A_999 : i32
      %rem3A_1001 = arith.remsi %add3A_983, %jit3A_984 : i32
      %ne3A_1002 = arith.constant 0 : i32
      %ne3A_1003 = arith.cmpi ne, %rem3A_1001, %ne3A_1002 : i32
      %and3A_1004 = arith.andi %ne3A_1000, %ne3A_1003 : i1
      %sub3A_1005 = arith.constant 1 : i32
      %sub3A_1006 = arith.subi %div3A_985, %sub3A_1005 : i32
      %select_n3A_1007 = arith.select %and3A_1004, %sub3A_1006, %div3A_985 : i32
      %mul3A_1008 = arith.constant 8 : i32
      %mul3A_1009 = arith.muli %select_n3A_1007, %mul3A_1008 : i32
      %jit3A_1010 = arith.constant 16 : i32
      %eq3A_1011 = arith.constant 0 : i32
      %eq3A_1012 = arith.cmpi eq, %jit3A_1010, %eq3A_1011 : i32
      %jit3A_1013 = arith.constant 1 : i32
      %select_n3A_1014 = arith.select %eq3A_1012, %jit3A_1013, %jit3A_1010 : i32
      %rem3A_1015 = arith.remsi %add3A_983, %select_n3A_1014 : i32
      %ne3A_1016 = arith.constant 0 : i32
      %ne3A_1017 = arith.cmpi ne, %rem3A_1015, %ne3A_1016 : i32
      %lt3A_1018 = arith.constant 0 : i32
      %lt3A_1019 = arith.cmpi slt, %rem3A_1015, %lt3A_1018 : i32
      %lt3A_1020 = arith.constant 0 : i32
      %lt3A_1021 = arith.cmpi slt, %select_n3A_1014, %lt3A_1020 : i32
      %ne3A_1022 = arith.xori %lt3A_1019, %lt3A_1021 : i1
      %and3A_1023 = arith.andi %ne3A_1022, %ne3A_1017 : i1
      %add3A_1024 = arith.addi %rem3A_1015, %select_n3A_1014 : i32
      %select_n3A_1025 = arith.select %and3A_1023, %add3A_1024, %rem3A_1015 : i32
      %mul3A_1026 = arith.constant 4096 : i32
      %mul3A_1027 = arith.muli %select_n3A_1025, %mul3A_1026 : i32
      %dma_wait3A_1028 = arith.constant 1 : i32
      %dma_wait3A_1029 = arith.constant 0 : i32
      %dma_wait3A_1030 = arith.constant 0 : i32
      %dma_wait3A_1031 = tpu.memref_slice %arg6[%dma_wait3A_1028, %dma_wait3A_1029, %dma_wait3A_1030] : memref<2x8x4096xf32, #tpu.memory_space<vmem>> -> memref<1x8x4096xf32, #tpu.memory_space<vmem>>
      %dma_wait3A_1032 = tpu.memref_squeeze %dma_wait3A_1031 : memref<1x8x4096xf32, #tpu.memory_space<vmem>> -> memref<8x4096xf32, #tpu.memory_space<vmem>>
      %dma_wait3A_1033 = tpu.memref_slice %arg2[%mul3A_1009, %mul3A_1027] : memref<128x65536xf32, #tpu.memory_space<hbm>> -> memref<8x4096xf32, #tpu.memory_space<hbm>>
      %dma_wait3A_1034 = arith.constant 0 : i32
      %dma_wait3A_1035 = arith.constant 0 : i32
      %dma_wait3A_1036 = tpu.memref_slice %arg6[%dma_wait3A_1028, %dma_wait3A_1034, %dma_wait3A_1035] : memref<2x8x4096xf32, #tpu.memory_space<vmem>> -> memref<1x8x4096xf32, #tpu.memory_space<vmem>>
      %dma_wait3A_1037 = tpu.memref_squeeze %dma_wait3A_1036 : memref<1x8x4096xf32, #tpu.memory_space<vmem>> -> memref<8x4096xf32, #tpu.memory_space<vmem>>
      %dma_wait3A_1038 = tpu.memref_slice %arg2[%mul3A_1009, %mul3A_1027] : memref<128x65536xf32, #tpu.memory_space<hbm>> -> memref<8x4096xf32, #tpu.memory_space<hbm>>
      tpu.wait_dma2 semaphore(%arg11 : memref<!tpu.dma_semaphore, #tpu.memory_space<semaphore_mem>>) src(%dma_wait3A_1038 : memref<8x4096xf32, #tpu.memory_space<hbm>>) dst(%dma_wait3A_1037 : memref<8x4096xf32, #tpu.memory_space<vmem>>)
      %mul3A_1039 = arith.constant 8 : i32
      %mul3A_1040 = arith.muli %add3A, %mul3A_1039 : i32
      %add3A_1041 = arith.constant 3 : i32
      %add3A_1042 = arith.addi %mul3A_1040, %add3A_1041 : i32
      %jit3A_1043 = arith.constant 16 : i32
      %div3A_1044 = arith.divsi %add3A_1042, %jit3A_1043 : i32
      %sign3A_1045 = arith.constant 0 : i32
      %sign3A_1046 = arith.cmpi sgt, %add3A_1042, %sign3A_1045 : i32
      %sign3A_1047 = arith.extui %sign3A_1046 : i1 to i32
      %sign3A_1048 = arith.constant 0 : i32
      %sign3A_1049 = arith.cmpi slt, %add3A_1042, %sign3A_1048 : i32
      %sign3A_1050 = arith.extui %sign3A_1049 : i1 to i32
      %sign3A_1051 = arith.subi %sign3A_1047, %sign3A_1050 : i32
      %sign3A_1052 = arith.constant 0 : i32
      %sign3A_1053 = arith.cmpi sgt, %jit3A_1043, %sign3A_1052 : i32
      %sign3A_1054 = arith.extui %sign3A_1053 : i1 to i32
      %sign3A_1055 = arith.constant 0 : i32
      %sign3A_1056 = arith.cmpi slt, %jit3A_1043, %sign3A_1055 : i32
      %sign3A_1057 = arith.extui %sign3A_1056 : i1 to i32
      %sign3A_1058 = arith.subi %sign3A_1054, %sign3A_1057 : i32
      %ne3A_1059 = arith.cmpi ne, %sign3A_1051, %sign3A_1058 : i32
      %rem3A_1060 = arith.remsi %add3A_1042, %jit3A_1043 : i32
      %ne3A_1061 = arith.constant 0 : i32
      %ne3A_1062 = arith.cmpi ne, %rem3A_1060, %ne3A_1061 : i32
      %and3A_1063 = arith.andi %ne3A_1059, %ne3A_1062 : i1
      %sub3A_1064 = arith.constant 1 : i32
      %sub3A_1065 = arith.subi %div3A_1044, %sub3A_1064 : i32
      %select_n3A_1066 = arith.select %and3A_1063, %sub3A_1065, %div3A_1044 : i32
      %mul3A_1067 = arith.constant 8 : i32
      %mul3A_1068 = arith.muli %select_n3A_1066, %mul3A_1067 : i32
      %jit3A_1069 = arith.constant 16 : i32
      %eq3A_1070 = arith.constant 0 : i32
      %eq3A_1071 = arith.cmpi eq, %jit3A_1069, %eq3A_1070 : i32
      %jit3A_1072 = arith.constant 1 : i32
      %select_n3A_1073 = arith.select %eq3A_1071, %jit3A_1072, %jit3A_1069 : i32
      %rem3A_1074 = arith.remsi %add3A_1042, %select_n3A_1073 : i32
      %ne3A_1075 = arith.constant 0 : i32
      %ne3A_1076 = arith.cmpi ne, %rem3A_1074, %ne3A_1075 : i32
      %lt3A_1077 = arith.constant 0 : i32
      %lt3A_1078 = arith.cmpi slt, %rem3A_1074, %lt3A_1077 : i32
      %lt3A_1079 = arith.constant 0 : i32
      %lt3A_1080 = arith.cmpi slt, %select_n3A_1073, %lt3A_1079 : i32
      %ne3A_1081 = arith.xori %lt3A_1078, %lt3A_1080 : i1
      %and3A_1082 = arith.andi %ne3A_1081, %ne3A_1076 : i1
      %add3A_1083 = arith.addi %rem3A_1074, %select_n3A_1073 : i32
      %select_n3A_1084 = arith.select %and3A_1082, %add3A_1083, %rem3A_1074 : i32
      %mul3A_1085 = arith.constant 4096 : i32
      %mul3A_1086 = arith.muli %select_n3A_1084, %mul3A_1085 : i32
      %dma_start3A_1087 = arith.constant 1 : i32
      %dma_start3A_1088 = arith.constant 0 : i32
      %dma_start3A_1089 = arith.constant 0 : i32
      %dma_start3A_1090 = tpu.memref_slice %arg6[%dma_start3A_1087, %dma_start3A_1088, %dma_start3A_1089] : memref<2x8x4096xf32, #tpu.memory_space<vmem>> -> memref<1x8x4096xf32, #tpu.memory_space<vmem>>
      %dma_start3A_1091 = tpu.memref_squeeze %dma_start3A_1090 : memref<1x8x4096xf32, #tpu.memory_space<vmem>> -> memref<8x4096xf32, #tpu.memory_space<vmem>>
      %dma_start3A_1092 = tpu.memref_slice %arg5[%mul3A_1068, %mul3A_1086] : memref<128x65536xf32, #tpu.memory_space<hbm>> -> memref<8x4096xf32, #tpu.memory_space<hbm>>
      %dma_start3A_1093 = tpu.memref_slice %arg5[%mul3A_1068, %mul3A_1086] : memref<128x65536xf32, #tpu.memory_space<hbm>> -> memref<8x4096xf32, #tpu.memory_space<hbm>>
      %dma_start3A_1094 = arith.constant 0 : i32
      %dma_start3A_1095 = arith.constant 0 : i32
      %dma_start3A_1096 = tpu.memref_slice %arg6[%dma_start3A_1087, %dma_start3A_1094, %dma_start3A_1095] : memref<2x8x4096xf32, #tpu.memory_space<vmem>> -> memref<1x8x4096xf32, #tpu.memory_space<vmem>>
      %dma_start3A_1097 = tpu.memref_squeeze %dma_start3A_1096 : memref<1x8x4096xf32, #tpu.memory_space<vmem>> -> memref<8x4096xf32, #tpu.memory_space<vmem>>
      tpu.enqueue_dma source(%dma_start3A_1097 : memref<8x4096xf32, #tpu.memory_space<vmem>>) target(%dma_start3A_1093 : memref<8x4096xf32, #tpu.memory_space<hbm>>) target_semaphore(%arg14 : memref<!tpu.dma_semaphore, #tpu.memory_space<semaphore_mem>>)
    } else {
    }
    %mul3A_508 = arith.constant 8 : i32
    %mul3A_509 = arith.muli %add3A, %mul3A_508 : i32
    %add3A_510 = arith.constant 3 : i32
    %add3A_511 = arith.addi %mul3A_509, %add3A_510 : i32
    %jit3A_512 = arith.constant 16 : i32
    %eq3A_513 = arith.constant 0 : i32
    %eq3A_514 = arith.cmpi eq, %jit3A_512, %eq3A_513 : i32
    %jit3A_515 = arith.constant 1 : i32
    %select_n3A_516 = arith.select %eq3A_514, %jit3A_515, %jit3A_512 : i32
    %rem3A_517 = arith.remsi %add3A_511, %select_n3A_516 : i32
    %ne3A_518 = arith.constant 0 : i32
    %ne3A_519 = arith.cmpi ne, %rem3A_517, %ne3A_518 : i32
    %lt3A_520 = arith.constant 0 : i32
    %lt3A_521 = arith.cmpi slt, %rem3A_517, %lt3A_520 : i32
    %lt3A_522 = arith.constant 0 : i32
    %lt3A_523 = arith.cmpi slt, %select_n3A_516, %lt3A_522 : i32
    %ne3A_524 = arith.xori %lt3A_521, %lt3A_523 : i1
    %and3A_525 = arith.andi %ne3A_524, %ne3A_519 : i1
    %add3A_526 = arith.addi %rem3A_517, %select_n3A_516 : i32
    %select_n3A_527 = arith.select %and3A_525, %add3A_526, %rem3A_517 : i32
    %eq3A_528 = arith.cmpi eq, %select_n3A_527, %select_n3A : i32
    %not3A_529 = arith.constant true
    %not3A_530 = arith.xori %eq3A_528, %not3A_529 : i1
    %convert_element_type3A_531 = arith.extui %not3A_530 : i1 to i32
    %cond3A_532 = arith.constant 0 : i32
    %cond3A_533 = arith.cmpi ne, %convert_element_type3A_531, %cond3A_532 : i32
    scf.if %cond3A_533 {
      %mul3A_980 = arith.constant 8 : i32
      %mul3A_981 = arith.muli %add3A, %mul3A_980 : i32
      %add3A_982 = arith.constant 3 : i32
      %add3A_983 = arith.addi %mul3A_981, %add3A_982 : i32
      %jit3A_984 = arith.constant 16 : i32
      %div3A_985 = arith.divsi %add3A_983, %jit3A_984 : i32
      %sign3A_986 = arith.constant 0 : i32
      %sign3A_987 = arith.cmpi sgt, %add3A_983, %sign3A_986 : i32
      %sign3A_988 = arith.extui %sign3A_987 : i1 to i32
      %sign3A_989 = arith.constant 0 : i32
      %sign3A_990 = arith.cmpi slt, %add3A_983, %sign3A_989 : i32
      %sign3A_991 = arith.extui %sign3A_990 : i1 to i32
      %sign3A_992 = arith.subi %sign3A_988, %sign3A_991 : i32
      %sign3A_993 = arith.constant 0 : i32
      %sign3A_994 = arith.cmpi sgt, %jit3A_984, %sign3A_993 : i32
      %sign3A_995 = arith.extui %sign3A_994 : i1 to i32
      %sign3A_996 = arith.constant 0 : i32
      %sign3A_997 = arith.cmpi slt, %jit3A_984, %sign3A_996 : i32
      %sign3A_998 = arith.extui %sign3A_997 : i1 to i32
      %sign3A_999 = arith.subi %sign3A_995, %sign3A_998 : i32
      %ne3A_1000 = arith.cmpi ne, %sign3A_992, %sign3A_999 : i32
      %rem3A_1001 = arith.remsi %add3A_983, %jit3A_984 : i32
      %ne3A_1002 = arith.constant 0 : i32
      %ne3A_1003 = arith.cmpi ne, %rem3A_1001, %ne3A_1002 : i32
      %and3A_1004 = arith.andi %ne3A_1000, %ne3A_1003 : i1
      %sub3A_1005 = arith.constant 1 : i32
      %sub3A_1006 = arith.subi %div3A_985, %sub3A_1005 : i32
      %select_n3A_1007 = arith.select %and3A_1004, %sub3A_1006, %div3A_985 : i32
      %mul3A_1008 = arith.constant 8 : i32
      %mul3A_1009 = arith.muli %select_n3A_1007, %mul3A_1008 : i32
      %jit3A_1010 = arith.constant 16 : i32
      %eq3A_1011 = arith.constant 0 : i32
      %eq3A_1012 = arith.cmpi eq, %jit3A_1010, %eq3A_1011 : i32
      %jit3A_1013 = arith.constant 1 : i32
      %select_n3A_1014 = arith.select %eq3A_1012, %jit3A_1013, %jit3A_1010 : i32
      %rem3A_1015 = arith.remsi %add3A_983, %select_n3A_1014 : i32
      %ne3A_1016 = arith.constant 0 : i32
      %ne3A_1017 = arith.cmpi ne, %rem3A_1015, %ne3A_1016 : i32
      %lt3A_1018 = arith.constant 0 : i32
      %lt3A_1019 = arith.cmpi slt, %rem3A_1015, %lt3A_1018 : i32
      %lt3A_1020 = arith.constant 0 : i32
      %lt3A_1021 = arith.cmpi slt, %select_n3A_1014, %lt3A_1020 : i32
      %ne3A_1022 = arith.xori %lt3A_1019, %lt3A_1021 : i1
      %and3A_1023 = arith.andi %ne3A_1022, %ne3A_1017 : i1
      %add3A_1024 = arith.addi %rem3A_1015, %select_n3A_1014 : i32
      %select_n3A_1025 = arith.select %and3A_1023, %add3A_1024, %rem3A_1015 : i32
      %mul3A_1026 = arith.constant 4096 : i32
      %mul3A_1027 = arith.muli %select_n3A_1025, %mul3A_1026 : i32
      %dma_wait3A_1028 = arith.constant 1 : i32
      %dma_wait3A_1029 = arith.constant 0 : i32
      %dma_wait3A_1030 = arith.constant 0 : i32
      %dma_wait3A_1031 = tpu.memref_slice %arg6[%dma_wait3A_1028, %dma_wait3A_1029, %dma_wait3A_1030] : memref<2x8x4096xf32, #tpu.memory_space<vmem>> -> memref<1x8x4096xf32, #tpu.memory_space<vmem>>
      %dma_wait3A_1032 = tpu.memref_squeeze %dma_wait3A_1031 : memref<1x8x4096xf32, #tpu.memory_space<vmem>> -> memref<8x4096xf32, #tpu.memory_space<vmem>>
      %dma_wait3A_1033 = tpu.memref_slice %arg5[%mul3A_1009, %mul3A_1027] : memref<128x65536xf32, #tpu.memory_space<hbm>> -> memref<8x4096xf32, #tpu.memory_space<hbm>>
      %dma_wait3A_1034 = tpu.memref_slice %arg5[%mul3A_1009, %mul3A_1027] : memref<128x65536xf32, #tpu.memory_space<hbm>> -> memref<8x4096xf32, #tpu.memory_space<hbm>>
      %dma_wait3A_1035 = arith.constant 0 : i32
      %dma_wait3A_1036 = arith.constant 0 : i32
      %dma_wait3A_1037 = tpu.memref_slice %arg6[%dma_wait3A_1028, %dma_wait3A_1035, %dma_wait3A_1036] : memref<2x8x4096xf32, #tpu.memory_space<vmem>> -> memref<1x8x4096xf32, #tpu.memory_space<vmem>>
      %dma_wait3A_1038 = tpu.memref_squeeze %dma_wait3A_1037 : memref<1x8x4096xf32, #tpu.memory_space<vmem>> -> memref<8x4096xf32, #tpu.memory_space<vmem>>
      tpu.wait_dma2 semaphore(%arg14 : memref<!tpu.dma_semaphore, #tpu.memory_space<semaphore_mem>>) src(%dma_wait3A_1038 : memref<8x4096xf32, #tpu.memory_space<vmem>>) dst(%dma_wait3A_1034 : memref<8x4096xf32, #tpu.memory_space<hbm>>)
    } else {
    }
    %mul3A_534 = arith.constant 8 : i32
    %mul3A_535 = arith.muli %add3A, %mul3A_534 : i32
    %add3A_536 = arith.constant 5 : i32
    %add3A_537 = arith.addi %mul3A_535, %add3A_536 : i32
    %jit3A_538 = arith.constant 16 : i32
    %eq3A_539 = arith.constant 0 : i32
    %eq3A_540 = arith.cmpi eq, %jit3A_538, %eq3A_539 : i32
    %jit3A_541 = arith.constant 1 : i32
    %select_n3A_542 = arith.select %eq3A_540, %jit3A_541, %jit3A_538 : i32
    %rem3A_543 = arith.remsi %add3A_537, %select_n3A_542 : i32
    %ne3A_544 = arith.constant 0 : i32
    %ne3A_545 = arith.cmpi ne, %rem3A_543, %ne3A_544 : i32
    %lt3A_546 = arith.constant 0 : i32
    %lt3A_547 = arith.cmpi slt, %rem3A_543, %lt3A_546 : i32
    %lt3A_548 = arith.constant 0 : i32
    %lt3A_549 = arith.cmpi slt, %select_n3A_542, %lt3A_548 : i32
    %ne3A_550 = arith.xori %lt3A_547, %lt3A_549 : i1
    %and3A_551 = arith.andi %ne3A_550, %ne3A_545 : i1
    %add3A_552 = arith.addi %rem3A_543, %select_n3A_542 : i32
    %select_n3A_553 = arith.select %and3A_551, %add3A_552, %rem3A_543 : i32
    %eq3A_554 = arith.cmpi eq, %select_n3A_553, %select_n3A : i32
    %not3A_555 = arith.constant true
    %not3A_556 = arith.xori %eq3A_554, %not3A_555 : i1
    %convert_element_type3A_557 = arith.extui %not3A_556 : i1 to i32
    %cond3A_558 = arith.constant 0 : i32
    %cond3A_559 = arith.cmpi ne, %convert_element_type3A_557, %cond3A_558 : i32
    scf.if %cond3A_559 {
      %mul3A_980 = arith.constant 8 : i32
      %mul3A_981 = arith.muli %add3A, %mul3A_980 : i32
      %add3A_982 = arith.constant 5 : i32
      %add3A_983 = arith.addi %mul3A_981, %add3A_982 : i32
      %jit3A_984 = arith.constant 16 : i32
      %div3A_985 = arith.divsi %add3A_983, %jit3A_984 : i32
      %sign3A_986 = arith.constant 0 : i32
      %sign3A_987 = arith.cmpi sgt, %add3A_983, %sign3A_986 : i32
      %sign3A_988 = arith.extui %sign3A_987 : i1 to i32
      %sign3A_989 = arith.constant 0 : i32
      %sign3A_990 = arith.cmpi slt, %add3A_983, %sign3A_989 : i32
      %sign3A_991 = arith.extui %sign3A_990 : i1 to i32
      %sign3A_992 = arith.subi %sign3A_988, %sign3A_991 : i32
      %sign3A_993 = arith.constant 0 : i32
      %sign3A_994 = arith.cmpi sgt, %jit3A_984, %sign3A_993 : i32
      %sign3A_995 = arith.extui %sign3A_994 : i1 to i32
      %sign3A_996 = arith.constant 0 : i32
      %sign3A_997 = arith.cmpi slt, %jit3A_984, %sign3A_996 : i32
      %sign3A_998 = arith.extui %sign3A_997 : i1 to i32
      %sign3A_999 = arith.subi %sign3A_995, %sign3A_998 : i32
      %ne3A_1000 = arith.cmpi ne, %sign3A_992, %sign3A_999 : i32
      %rem3A_1001 = arith.remsi %add3A_983, %jit3A_984 : i32
      %ne3A_1002 = arith.constant 0 : i32
      %ne3A_1003 = arith.cmpi ne, %rem3A_1001, %ne3A_1002 : i32
      %and3A_1004 = arith.andi %ne3A_1000, %ne3A_1003 : i1
      %sub3A_1005 = arith.constant 1 : i32
      %sub3A_1006 = arith.subi %div3A_985, %sub3A_1005 : i32
      %select_n3A_1007 = arith.select %and3A_1004, %sub3A_1006, %div3A_985 : i32
      %mul3A_1008 = arith.constant 8 : i32
      %mul3A_1009 = arith.muli %select_n3A_1007, %mul3A_1008 : i32
      %jit3A_1010 = arith.constant 16 : i32
      %eq3A_1011 = arith.constant 0 : i32
      %eq3A_1012 = arith.cmpi eq, %jit3A_1010, %eq3A_1011 : i32
      %jit3A_1013 = arith.constant 1 : i32
      %select_n3A_1014 = arith.select %eq3A_1012, %jit3A_1013, %jit3A_1010 : i32
      %rem3A_1015 = arith.remsi %add3A_983, %select_n3A_1014 : i32
      %ne3A_1016 = arith.constant 0 : i32
      %ne3A_1017 = arith.cmpi ne, %rem3A_1015, %ne3A_1016 : i32
      %lt3A_1018 = arith.constant 0 : i32
      %lt3A_1019 = arith.cmpi slt, %rem3A_1015, %lt3A_1018 : i32
      %lt3A_1020 = arith.constant 0 : i32
      %lt3A_1021 = arith.cmpi slt, %select_n3A_1014, %lt3A_1020 : i32
      %ne3A_1022 = arith.xori %lt3A_1019, %lt3A_1021 : i1
      %and3A_1023 = arith.andi %ne3A_1022, %ne3A_1017 : i1
      %add3A_1024 = arith.addi %rem3A_1015, %select_n3A_1014 : i32
      %select_n3A_1025 = arith.select %and3A_1023, %add3A_1024, %rem3A_1015 : i32
      %mul3A_1026 = arith.constant 4096 : i32
      %mul3A_1027 = arith.muli %select_n3A_1025, %mul3A_1026 : i32
      %dma_start3A_1028 = arith.constant 1 : i32
      %dma_start3A_1029 = arith.constant 0 : i32
      %dma_start3A_1030 = arith.constant 0 : i32
      %dma_start3A_1031 = tpu.memref_slice %arg6[%dma_start3A_1028, %dma_start3A_1029, %dma_start3A_1030] : memref<2x8x4096xf32, #tpu.memory_space<vmem>> -> memref<1x8x4096xf32, #tpu.memory_space<vmem>>
      %dma_start3A_1032 = tpu.memref_squeeze %dma_start3A_1031 : memref<1x8x4096xf32, #tpu.memory_space<vmem>> -> memref<8x4096xf32, #tpu.memory_space<vmem>>
      %dma_start3A_1033 = tpu.memref_slice %arg2[%mul3A_1009, %mul3A_1027] : memref<128x65536xf32, #tpu.memory_space<hbm>> -> memref<8x4096xf32, #tpu.memory_space<hbm>>
      %dma_start3A_1034 = arith.constant 0 : i32
      %dma_start3A_1035 = arith.constant 0 : i32
      %dma_start3A_1036 = tpu.memref_slice %arg6[%dma_start3A_1028, %dma_start3A_1034, %dma_start3A_1035] : memref<2x8x4096xf32, #tpu.memory_space<vmem>> -> memref<1x8x4096xf32, #tpu.memory_space<vmem>>
      %dma_start3A_1037 = tpu.memref_squeeze %dma_start3A_1036 : memref<1x8x4096xf32, #tpu.memory_space<vmem>> -> memref<8x4096xf32, #tpu.memory_space<vmem>>
      %dma_start3A_1038 = tpu.memref_slice %arg2[%mul3A_1009, %mul3A_1027] : memref<128x65536xf32, #tpu.memory_space<hbm>> -> memref<8x4096xf32, #tpu.memory_space<hbm>>
      tpu.enqueue_dma source(%dma_start3A_1038 : memref<8x4096xf32, #tpu.memory_space<hbm>>) target(%dma_start3A_1037 : memref<8x4096xf32, #tpu.memory_space<vmem>>) target_semaphore(%arg11 : memref<!tpu.dma_semaphore, #tpu.memory_space<semaphore_mem>>)
    } else {
    }
    %mul3A_560 = arith.constant 8 : i32
    %mul3A_561 = arith.muli %add3A, %mul3A_560 : i32
    %add3A_562 = arith.constant 4 : i32
    %add3A_563 = arith.addi %mul3A_561, %add3A_562 : i32
    %jit3A_564 = arith.constant 16 : i32
    %eq3A_565 = arith.constant 0 : i32
    %eq3A_566 = arith.cmpi eq, %jit3A_564, %eq3A_565 : i32
    %jit3A_567 = arith.constant 1 : i32
    %select_n3A_568 = arith.select %eq3A_566, %jit3A_567, %jit3A_564 : i32
    %rem3A_569 = arith.remsi %add3A_563, %select_n3A_568 : i32
    %ne3A_570 = arith.constant 0 : i32
    %ne3A_571 = arith.cmpi ne, %rem3A_569, %ne3A_570 : i32
    %lt3A_572 = arith.constant 0 : i32
    %lt3A_573 = arith.cmpi slt, %rem3A_569, %lt3A_572 : i32
    %lt3A_574 = arith.constant 0 : i32
    %lt3A_575 = arith.cmpi slt, %select_n3A_568, %lt3A_574 : i32
    %ne3A_576 = arith.xori %lt3A_573, %lt3A_575 : i1
    %and3A_577 = arith.andi %ne3A_576, %ne3A_571 : i1
    %add3A_578 = arith.addi %rem3A_569, %select_n3A_568 : i32
    %select_n3A_579 = arith.select %and3A_577, %add3A_578, %rem3A_569 : i32
    %eq3A_580 = arith.cmpi eq, %select_n3A_579, %select_n3A : i32
    %not3A_581 = arith.constant true
    %not3A_582 = arith.xori %eq3A_580, %not3A_581 : i1
    %convert_element_type3A_583 = arith.extui %not3A_582 : i1 to i32
    %cond3A_584 = arith.constant 0 : i32
    %cond3A_585 = arith.cmpi ne, %convert_element_type3A_583, %cond3A_584 : i32
    scf.if %cond3A_585 {
      %mul3A_980 = arith.constant 8 : i32
      %mul3A_981 = arith.muli %add3A, %mul3A_980 : i32
      %add3A_982 = arith.constant 4 : i32
      %add3A_983 = arith.addi %mul3A_981, %add3A_982 : i32
      %jit3A_984 = arith.constant 16 : i32
      %div3A_985 = arith.divsi %add3A_983, %jit3A_984 : i32
      %sign3A_986 = arith.constant 0 : i32
      %sign3A_987 = arith.cmpi sgt, %add3A_983, %sign3A_986 : i32
      %sign3A_988 = arith.extui %sign3A_987 : i1 to i32
      %sign3A_989 = arith.constant 0 : i32
      %sign3A_990 = arith.cmpi slt, %add3A_983, %sign3A_989 : i32
      %sign3A_991 = arith.extui %sign3A_990 : i1 to i32
      %sign3A_992 = arith.subi %sign3A_988, %sign3A_991 : i32
      %sign3A_993 = arith.constant 0 : i32
      %sign3A_994 = arith.cmpi sgt, %jit3A_984, %sign3A_993 : i32
      %sign3A_995 = arith.extui %sign3A_994 : i1 to i32
      %sign3A_996 = arith.constant 0 : i32
      %sign3A_997 = arith.cmpi slt, %jit3A_984, %sign3A_996 : i32
      %sign3A_998 = arith.extui %sign3A_997 : i1 to i32
      %sign3A_999 = arith.subi %sign3A_995, %sign3A_998 : i32
      %ne3A_1000 = arith.cmpi ne, %sign3A_992, %sign3A_999 : i32
      %rem3A_1001 = arith.remsi %add3A_983, %jit3A_984 : i32
      %ne3A_1002 = arith.constant 0 : i32
      %ne3A_1003 = arith.cmpi ne, %rem3A_1001, %ne3A_1002 : i32
      %and3A_1004 = arith.andi %ne3A_1000, %ne3A_1003 : i1
      %sub3A_1005 = arith.constant 1 : i32
      %sub3A_1006 = arith.subi %div3A_985, %sub3A_1005 : i32
      %select_n3A_1007 = arith.select %and3A_1004, %sub3A_1006, %div3A_985 : i32
      %mul3A_1008 = arith.constant 8 : i32
      %mul3A_1009 = arith.muli %select_n3A_1007, %mul3A_1008 : i32
      %jit3A_1010 = arith.constant 16 : i32
      %eq3A_1011 = arith.constant 0 : i32
      %eq3A_1012 = arith.cmpi eq, %jit3A_1010, %eq3A_1011 : i32
      %jit3A_1013 = arith.constant 1 : i32
      %select_n3A_1014 = arith.select %eq3A_1012, %jit3A_1013, %jit3A_1010 : i32
      %rem3A_1015 = arith.remsi %add3A_983, %select_n3A_1014 : i32
      %ne3A_1016 = arith.constant 0 : i32
      %ne3A_1017 = arith.cmpi ne, %rem3A_1015, %ne3A_1016 : i32
      %lt3A_1018 = arith.constant 0 : i32
      %lt3A_1019 = arith.cmpi slt, %rem3A_1015, %lt3A_1018 : i32
      %lt3A_1020 = arith.constant 0 : i32
      %lt3A_1021 = arith.cmpi slt, %select_n3A_1014, %lt3A_1020 : i32
      %ne3A_1022 = arith.xori %lt3A_1019, %lt3A_1021 : i1
      %and3A_1023 = arith.andi %ne3A_1022, %ne3A_1017 : i1
      %add3A_1024 = arith.addi %rem3A_1015, %select_n3A_1014 : i32
      %select_n3A_1025 = arith.select %and3A_1023, %add3A_1024, %rem3A_1015 : i32
      %mul3A_1026 = arith.constant 4096 : i32
      %mul3A_1027 = arith.muli %select_n3A_1025, %mul3A_1026 : i32
      %dma_wait3A_1028 = arith.constant 0 : i32
      %dma_wait3A_1029 = arith.constant 0 : i32
      %dma_wait3A_1030 = arith.constant 0 : i32
      %dma_wait3A_1031 = tpu.memref_slice %arg6[%dma_wait3A_1028, %dma_wait3A_1029, %dma_wait3A_1030] : memref<2x8x4096xf32, #tpu.memory_space<vmem>> -> memref<1x8x4096xf32, #tpu.memory_space<vmem>>
      %dma_wait3A_1032 = tpu.memref_squeeze %dma_wait3A_1031 : memref<1x8x4096xf32, #tpu.memory_space<vmem>> -> memref<8x4096xf32, #tpu.memory_space<vmem>>
      %dma_wait3A_1033 = tpu.memref_slice %arg2[%mul3A_1009, %mul3A_1027] : memref<128x65536xf32, #tpu.memory_space<hbm>> -> memref<8x4096xf32, #tpu.memory_space<hbm>>
      %dma_wait3A_1034 = arith.constant 0 : i32
      %dma_wait3A_1035 = arith.constant 0 : i32
      %dma_wait3A_1036 = tpu.memref_slice %arg6[%dma_wait3A_1028, %dma_wait3A_1034, %dma_wait3A_1035] : memref<2x8x4096xf32, #tpu.memory_space<vmem>> -> memref<1x8x4096xf32, #tpu.memory_space<vmem>>
      %dma_wait3A_1037 = tpu.memref_squeeze %dma_wait3A_1036 : memref<1x8x4096xf32, #tpu.memory_space<vmem>> -> memref<8x4096xf32, #tpu.memory_space<vmem>>
      %dma_wait3A_1038 = tpu.memref_slice %arg2[%mul3A_1009, %mul3A_1027] : memref<128x65536xf32, #tpu.memory_space<hbm>> -> memref<8x4096xf32, #tpu.memory_space<hbm>>
      tpu.wait_dma2 semaphore(%arg10 : memref<!tpu.dma_semaphore, #tpu.memory_space<semaphore_mem>>) src(%dma_wait3A_1038 : memref<8x4096xf32, #tpu.memory_space<hbm>>) dst(%dma_wait3A_1037 : memref<8x4096xf32, #tpu.memory_space<vmem>>)
      %mul3A_1039 = arith.constant 8 : i32
      %mul3A_1040 = arith.muli %add3A, %mul3A_1039 : i32
      %add3A_1041 = arith.constant 4 : i32
      %add3A_1042 = arith.addi %mul3A_1040, %add3A_1041 : i32
      %jit3A_1043 = arith.constant 16 : i32
      %div3A_1044 = arith.divsi %add3A_1042, %jit3A_1043 : i32
      %sign3A_1045 = arith.constant 0 : i32
      %sign3A_1046 = arith.cmpi sgt, %add3A_1042, %sign3A_1045 : i32
      %sign3A_1047 = arith.extui %sign3A_1046 : i1 to i32
      %sign3A_1048 = arith.constant 0 : i32
      %sign3A_1049 = arith.cmpi slt, %add3A_1042, %sign3A_1048 : i32
      %sign3A_1050 = arith.extui %sign3A_1049 : i1 to i32
      %sign3A_1051 = arith.subi %sign3A_1047, %sign3A_1050 : i32
      %sign3A_1052 = arith.constant 0 : i32
      %sign3A_1053 = arith.cmpi sgt, %jit3A_1043, %sign3A_1052 : i32
      %sign3A_1054 = arith.extui %sign3A_1053 : i1 to i32
      %sign3A_1055 = arith.constant 0 : i32
      %sign3A_1056 = arith.cmpi slt, %jit3A_1043, %sign3A_1055 : i32
      %sign3A_1057 = arith.extui %sign3A_1056 : i1 to i32
      %sign3A_1058 = arith.subi %sign3A_1054, %sign3A_1057 : i32
      %ne3A_1059 = arith.cmpi ne, %sign3A_1051, %sign3A_1058 : i32
      %rem3A_1060 = arith.remsi %add3A_1042, %jit3A_1043 : i32
      %ne3A_1061 = arith.constant 0 : i32
      %ne3A_1062 = arith.cmpi ne, %rem3A_1060, %ne3A_1061 : i32
      %and3A_1063 = arith.andi %ne3A_1059, %ne3A_1062 : i1
      %sub3A_1064 = arith.constant 1 : i32
      %sub3A_1065 = arith.subi %div3A_1044, %sub3A_1064 : i32
      %select_n3A_1066 = arith.select %and3A_1063, %sub3A_1065, %div3A_1044 : i32
      %mul3A_1067 = arith.constant 8 : i32
      %mul3A_1068 = arith.muli %select_n3A_1066, %mul3A_1067 : i32
      %jit3A_1069 = arith.constant 16 : i32
      %eq3A_1070 = arith.constant 0 : i32
      %eq3A_1071 = arith.cmpi eq, %jit3A_1069, %eq3A_1070 : i32
      %jit3A_1072 = arith.constant 1 : i32
      %select_n3A_1073 = arith.select %eq3A_1071, %jit3A_1072, %jit3A_1069 : i32
      %rem3A_1074 = arith.remsi %add3A_1042, %select_n3A_1073 : i32
      %ne3A_1075 = arith.constant 0 : i32
      %ne3A_1076 = arith.cmpi ne, %rem3A_1074, %ne3A_1075 : i32
      %lt3A_1077 = arith.constant 0 : i32
      %lt3A_1078 = arith.cmpi slt, %rem3A_1074, %lt3A_1077 : i32
      %lt3A_1079 = arith.constant 0 : i32
      %lt3A_1080 = arith.cmpi slt, %select_n3A_1073, %lt3A_1079 : i32
      %ne3A_1081 = arith.xori %lt3A_1078, %lt3A_1080 : i1
      %and3A_1082 = arith.andi %ne3A_1081, %ne3A_1076 : i1
      %add3A_1083 = arith.addi %rem3A_1074, %select_n3A_1073 : i32
      %select_n3A_1084 = arith.select %and3A_1082, %add3A_1083, %rem3A_1074 : i32
      %mul3A_1085 = arith.constant 4096 : i32
      %mul3A_1086 = arith.muli %select_n3A_1084, %mul3A_1085 : i32
      %dma_start3A_1087 = arith.constant 0 : i32
      %dma_start3A_1088 = arith.constant 0 : i32
      %dma_start3A_1089 = arith.constant 0 : i32
      %dma_start3A_1090 = tpu.memref_slice %arg6[%dma_start3A_1087, %dma_start3A_1088, %dma_start3A_1089] : memref<2x8x4096xf32, #tpu.memory_space<vmem>> -> memref<1x8x4096xf32, #tpu.memory_space<vmem>>
      %dma_start3A_1091 = tpu.memref_squeeze %dma_start3A_1090 : memref<1x8x4096xf32, #tpu.memory_space<vmem>> -> memref<8x4096xf32, #tpu.memory_space<vmem>>
      %dma_start3A_1092 = tpu.memref_slice %arg5[%mul3A_1068, %mul3A_1086] : memref<128x65536xf32, #tpu.memory_space<hbm>> -> memref<8x4096xf32, #tpu.memory_space<hbm>>
      %dma_start3A_1093 = tpu.memref_slice %arg5[%mul3A_1068, %mul3A_1086] : memref<128x65536xf32, #tpu.memory_space<hbm>> -> memref<8x4096xf32, #tpu.memory_space<hbm>>
      %dma_start3A_1094 = arith.constant 0 : i32
      %dma_start3A_1095 = arith.constant 0 : i32
      %dma_start3A_1096 = tpu.memref_slice %arg6[%dma_start3A_1087, %dma_start3A_1094, %dma_start3A_1095] : memref<2x8x4096xf32, #tpu.memory_space<vmem>> -> memref<1x8x4096xf32, #tpu.memory_space<vmem>>
      %dma_start3A_1097 = tpu.memref_squeeze %dma_start3A_1096 : memref<1x8x4096xf32, #tpu.memory_space<vmem>> -> memref<8x4096xf32, #tpu.memory_space<vmem>>
      tpu.enqueue_dma source(%dma_start3A_1097 : memref<8x4096xf32, #tpu.memory_space<vmem>>) target(%dma_start3A_1093 : memref<8x4096xf32, #tpu.memory_space<hbm>>) target_semaphore(%arg13 : memref<!tpu.dma_semaphore, #tpu.memory_space<semaphore_mem>>)
    } else {
    }
    %mul3A_586 = arith.constant 8 : i32
    %mul3A_587 = arith.muli %add3A, %mul3A_586 : i32
    %add3A_588 = arith.constant 4 : i32
    %add3A_589 = arith.addi %mul3A_587, %add3A_588 : i32
    %jit3A_590 = arith.constant 16 : i32
    %eq3A_591 = arith.constant 0 : i32
    %eq3A_592 = arith.cmpi eq, %jit3A_590, %eq3A_591 : i32
    %jit3A_593 = arith.constant 1 : i32
    %select_n3A_594 = arith.select %eq3A_592, %jit3A_593, %jit3A_590 : i32
    %rem3A_595 = arith.remsi %add3A_589, %select_n3A_594 : i32
    %ne3A_596 = arith.constant 0 : i32
    %ne3A_597 = arith.cmpi ne, %rem3A_595, %ne3A_596 : i32
    %lt3A_598 = arith.constant 0 : i32
    %lt3A_599 = arith.cmpi slt, %rem3A_595, %lt3A_598 : i32
    %lt3A_600 = arith.constant 0 : i32
    %lt3A_601 = arith.cmpi slt, %select_n3A_594, %lt3A_600 : i32
    %ne3A_602 = arith.xori %lt3A_599, %lt3A_601 : i1
    %and3A_603 = arith.andi %ne3A_602, %ne3A_597 : i1
    %add3A_604 = arith.addi %rem3A_595, %select_n3A_594 : i32
    %select_n3A_605 = arith.select %and3A_603, %add3A_604, %rem3A_595 : i32
    %eq3A_606 = arith.cmpi eq, %select_n3A_605, %select_n3A : i32
    %not3A_607 = arith.constant true
    %not3A_608 = arith.xori %eq3A_606, %not3A_607 : i1
    %convert_element_type3A_609 = arith.extui %not3A_608 : i1 to i32
    %cond3A_610 = arith.constant 0 : i32
    %cond3A_611 = arith.cmpi ne, %convert_element_type3A_609, %cond3A_610 : i32
    scf.if %cond3A_611 {
      %mul3A_980 = arith.constant 8 : i32
      %mul3A_981 = arith.muli %add3A, %mul3A_980 : i32
      %add3A_982 = arith.constant 4 : i32
      %add3A_983 = arith.addi %mul3A_981, %add3A_982 : i32
      %jit3A_984 = arith.constant 16 : i32
      %div3A_985 = arith.divsi %add3A_983, %jit3A_984 : i32
      %sign3A_986 = arith.constant 0 : i32
      %sign3A_987 = arith.cmpi sgt, %add3A_983, %sign3A_986 : i32
      %sign3A_988 = arith.extui %sign3A_987 : i1 to i32
      %sign3A_989 = arith.constant 0 : i32
      %sign3A_990 = arith.cmpi slt, %add3A_983, %sign3A_989 : i32
      %sign3A_991 = arith.extui %sign3A_990 : i1 to i32
      %sign3A_992 = arith.subi %sign3A_988, %sign3A_991 : i32
      %sign3A_993 = arith.constant 0 : i32
      %sign3A_994 = arith.cmpi sgt, %jit3A_984, %sign3A_993 : i32
      %sign3A_995 = arith.extui %sign3A_994 : i1 to i32
      %sign3A_996 = arith.constant 0 : i32
      %sign3A_997 = arith.cmpi slt, %jit3A_984, %sign3A_996 : i32
      %sign3A_998 = arith.extui %sign3A_997 : i1 to i32
      %sign3A_999 = arith.subi %sign3A_995, %sign3A_998 : i32
      %ne3A_1000 = arith.cmpi ne, %sign3A_992, %sign3A_999 : i32
      %rem3A_1001 = arith.remsi %add3A_983, %jit3A_984 : i32
      %ne3A_1002 = arith.constant 0 : i32
      %ne3A_1003 = arith.cmpi ne, %rem3A_1001, %ne3A_1002 : i32
      %and3A_1004 = arith.andi %ne3A_1000, %ne3A_1003 : i1
      %sub3A_1005 = arith.constant 1 : i32
      %sub3A_1006 = arith.subi %div3A_985, %sub3A_1005 : i32
      %select_n3A_1007 = arith.select %and3A_1004, %sub3A_1006, %div3A_985 : i32
      %mul3A_1008 = arith.constant 8 : i32
      %mul3A_1009 = arith.muli %select_n3A_1007, %mul3A_1008 : i32
      %jit3A_1010 = arith.constant 16 : i32
      %eq3A_1011 = arith.constant 0 : i32
      %eq3A_1012 = arith.cmpi eq, %jit3A_1010, %eq3A_1011 : i32
      %jit3A_1013 = arith.constant 1 : i32
      %select_n3A_1014 = arith.select %eq3A_1012, %jit3A_1013, %jit3A_1010 : i32
      %rem3A_1015 = arith.remsi %add3A_983, %select_n3A_1014 : i32
      %ne3A_1016 = arith.constant 0 : i32
      %ne3A_1017 = arith.cmpi ne, %rem3A_1015, %ne3A_1016 : i32
      %lt3A_1018 = arith.constant 0 : i32
      %lt3A_1019 = arith.cmpi slt, %rem3A_1015, %lt3A_1018 : i32
      %lt3A_1020 = arith.constant 0 : i32
      %lt3A_1021 = arith.cmpi slt, %select_n3A_1014, %lt3A_1020 : i32
      %ne3A_1022 = arith.xori %lt3A_1019, %lt3A_1021 : i1
      %and3A_1023 = arith.andi %ne3A_1022, %ne3A_1017 : i1
      %add3A_1024 = arith.addi %rem3A_1015, %select_n3A_1014 : i32
      %select_n3A_1025 = arith.select %and3A_1023, %add3A_1024, %rem3A_1015 : i32
      %mul3A_1026 = arith.constant 4096 : i32
      %mul3A_1027 = arith.muli %select_n3A_1025, %mul3A_1026 : i32
      %dma_wait3A_1028 = arith.constant 0 : i32
      %dma_wait3A_1029 = arith.constant 0 : i32
      %dma_wait3A_1030 = arith.constant 0 : i32
      %dma_wait3A_1031 = tpu.memref_slice %arg6[%dma_wait3A_1028, %dma_wait3A_1029, %dma_wait3A_1030] : memref<2x8x4096xf32, #tpu.memory_space<vmem>> -> memref<1x8x4096xf32, #tpu.memory_space<vmem>>
      %dma_wait3A_1032 = tpu.memref_squeeze %dma_wait3A_1031 : memref<1x8x4096xf32, #tpu.memory_space<vmem>> -> memref<8x4096xf32, #tpu.memory_space<vmem>>
      %dma_wait3A_1033 = tpu.memref_slice %arg5[%mul3A_1009, %mul3A_1027] : memref<128x65536xf32, #tpu.memory_space<hbm>> -> memref<8x4096xf32, #tpu.memory_space<hbm>>
      %dma_wait3A_1034 = tpu.memref_slice %arg5[%mul3A_1009, %mul3A_1027] : memref<128x65536xf32, #tpu.memory_space<hbm>> -> memref<8x4096xf32, #tpu.memory_space<hbm>>
      %dma_wait3A_1035 = arith.constant 0 : i32
      %dma_wait3A_1036 = arith.constant 0 : i32
      %dma_wait3A_1037 = tpu.memref_slice %arg6[%dma_wait3A_1028, %dma_wait3A_1035, %dma_wait3A_1036] : memref<2x8x4096xf32, #tpu.memory_space<vmem>> -> memref<1x8x4096xf32, #tpu.memory_space<vmem>>
      %dma_wait3A_1038 = tpu.memref_squeeze %dma_wait3A_1037 : memref<1x8x4096xf32, #tpu.memory_space<vmem>> -> memref<8x4096xf32, #tpu.memory_space<vmem>>
      tpu.wait_dma2 semaphore(%arg13 : memref<!tpu.dma_semaphore, #tpu.memory_space<semaphore_mem>>) src(%dma_wait3A_1038 : memref<8x4096xf32, #tpu.memory_space<vmem>>) dst(%dma_wait3A_1034 : memref<8x4096xf32, #tpu.memory_space<hbm>>)
    } else {
    }
    %mul3A_612 = arith.constant 8 : i32
    %mul3A_613 = arith.muli %add3A, %mul3A_612 : i32
    %add3A_614 = arith.constant 6 : i32
    %add3A_615 = arith.addi %mul3A_613, %add3A_614 : i32
    %jit3A_616 = arith.constant 16 : i32
    %eq3A_617 = arith.constant 0 : i32
    %eq3A_618 = arith.cmpi eq, %jit3A_616, %eq3A_617 : i32
    %jit3A_619 = arith.constant 1 : i32
    %select_n3A_620 = arith.select %eq3A_618, %jit3A_619, %jit3A_616 : i32
    %rem3A_621 = arith.remsi %add3A_615, %select_n3A_620 : i32
    %ne3A_622 = arith.constant 0 : i32
    %ne3A_623 = arith.cmpi ne, %rem3A_621, %ne3A_622 : i32
    %lt3A_624 = arith.constant 0 : i32
    %lt3A_625 = arith.cmpi slt, %rem3A_621, %lt3A_624 : i32
    %lt3A_626 = arith.constant 0 : i32
    %lt3A_627 = arith.cmpi slt, %select_n3A_620, %lt3A_626 : i32
    %ne3A_628 = arith.xori %lt3A_625, %lt3A_627 : i1
    %and3A_629 = arith.andi %ne3A_628, %ne3A_623 : i1
    %add3A_630 = arith.addi %rem3A_621, %select_n3A_620 : i32
    %select_n3A_631 = arith.select %and3A_629, %add3A_630, %rem3A_621 : i32
    %eq3A_632 = arith.cmpi eq, %select_n3A_631, %select_n3A : i32
    %not3A_633 = arith.constant true
    %not3A_634 = arith.xori %eq3A_632, %not3A_633 : i1
    %convert_element_type3A_635 = arith.extui %not3A_634 : i1 to i32
    %cond3A_636 = arith.constant 0 : i32
    %cond3A_637 = arith.cmpi ne, %convert_element_type3A_635, %cond3A_636 : i32
    scf.if %cond3A_637 {
      %mul3A_980 = arith.constant 8 : i32
      %mul3A_981 = arith.muli %add3A, %mul3A_980 : i32
      %add3A_982 = arith.constant 6 : i32
      %add3A_983 = arith.addi %mul3A_981, %add3A_982 : i32
      %jit3A_984 = arith.constant 16 : i32
      %div3A_985 = arith.divsi %add3A_983, %jit3A_984 : i32
      %sign3A_986 = arith.constant 0 : i32
      %sign3A_987 = arith.cmpi sgt, %add3A_983, %sign3A_986 : i32
      %sign3A_988 = arith.extui %sign3A_987 : i1 to i32
      %sign3A_989 = arith.constant 0 : i32
      %sign3A_990 = arith.cmpi slt, %add3A_983, %sign3A_989 : i32
      %sign3A_991 = arith.extui %sign3A_990 : i1 to i32
      %sign3A_992 = arith.subi %sign3A_988, %sign3A_991 : i32
      %sign3A_993 = arith.constant 0 : i32
      %sign3A_994 = arith.cmpi sgt, %jit3A_984, %sign3A_993 : i32
      %sign3A_995 = arith.extui %sign3A_994 : i1 to i32
      %sign3A_996 = arith.constant 0 : i32
      %sign3A_997 = arith.cmpi slt, %jit3A_984, %sign3A_996 : i32
      %sign3A_998 = arith.extui %sign3A_997 : i1 to i32
      %sign3A_999 = arith.subi %sign3A_995, %sign3A_998 : i32
      %ne3A_1000 = arith.cmpi ne, %sign3A_992, %sign3A_999 : i32
      %rem3A_1001 = arith.remsi %add3A_983, %jit3A_984 : i32
      %ne3A_1002 = arith.constant 0 : i32
      %ne3A_1003 = arith.cmpi ne, %rem3A_1001, %ne3A_1002 : i32
      %and3A_1004 = arith.andi %ne3A_1000, %ne3A_1003 : i1
      %sub3A_1005 = arith.constant 1 : i32
      %sub3A_1006 = arith.subi %div3A_985, %sub3A_1005 : i32
      %select_n3A_1007 = arith.select %and3A_1004, %sub3A_1006, %div3A_985 : i32
      %mul3A_1008 = arith.constant 8 : i32
      %mul3A_1009 = arith.muli %select_n3A_1007, %mul3A_1008 : i32
      %jit3A_1010 = arith.constant 16 : i32
      %eq3A_1011 = arith.constant 0 : i32
      %eq3A_1012 = arith.cmpi eq, %jit3A_1010, %eq3A_1011 : i32
      %jit3A_1013 = arith.constant 1 : i32
      %select_n3A_1014 = arith.select %eq3A_1012, %jit3A_1013, %jit3A_1010 : i32
      %rem3A_1015 = arith.remsi %add3A_983, %select_n3A_1014 : i32
      %ne3A_1016 = arith.constant 0 : i32
      %ne3A_1017 = arith.cmpi ne, %rem3A_1015, %ne3A_1016 : i32
      %lt3A_1018 = arith.constant 0 : i32
      %lt3A_1019 = arith.cmpi slt, %rem3A_1015, %lt3A_1018 : i32
      %lt3A_1020 = arith.constant 0 : i32
      %lt3A_1021 = arith.cmpi slt, %select_n3A_1014, %lt3A_1020 : i32
      %ne3A_1022 = arith.xori %lt3A_1019, %lt3A_1021 : i1
      %and3A_1023 = arith.andi %ne3A_1022, %ne3A_1017 : i1
      %add3A_1024 = arith.addi %rem3A_1015, %select_n3A_1014 : i32
      %select_n3A_1025 = arith.select %and3A_1023, %add3A_1024, %rem3A_1015 : i32
      %mul3A_1026 = arith.constant 4096 : i32
      %mul3A_1027 = arith.muli %select_n3A_1025, %mul3A_1026 : i32
      %dma_start3A_1028 = arith.constant 0 : i32
      %dma_start3A_1029 = arith.constant 0 : i32
      %dma_start3A_1030 = arith.constant 0 : i32
      %dma_start3A_1031 = tpu.memref_slice %arg6[%dma_start3A_1028, %dma_start3A_1029, %dma_start3A_1030] : memref<2x8x4096xf32, #tpu.memory_space<vmem>> -> memref<1x8x4096xf32, #tpu.memory_space<vmem>>
      %dma_start3A_1032 = tpu.memref_squeeze %dma_start3A_1031 : memref<1x8x4096xf32, #tpu.memory_space<vmem>> -> memref<8x4096xf32, #tpu.memory_space<vmem>>
      %dma_start3A_1033 = tpu.memref_slice %arg2[%mul3A_1009, %mul3A_1027] : memref<128x65536xf32, #tpu.memory_space<hbm>> -> memref<8x4096xf32, #tpu.memory_space<hbm>>
      %dma_start3A_1034 = arith.constant 0 : i32
      %dma_start3A_1035 = arith.constant 0 : i32
      %dma_start3A_1036 = tpu.memref_slice %arg6[%dma_start3A_1028, %dma_start3A_1034, %dma_start3A_1035] : memref<2x8x4096xf32, #tpu.memory_space<vmem>> -> memref<1x8x4096xf32, #tpu.memory_space<vmem>>
      %dma_start3A_1037 = tpu.memref_squeeze %dma_start3A_1036 : memref<1x8x4096xf32, #tpu.memory_space<vmem>> -> memref<8x4096xf32, #tpu.memory_space<vmem>>
      %dma_start3A_1038 = tpu.memref_slice %arg2[%mul3A_1009, %mul3A_1027] : memref<128x65536xf32, #tpu.memory_space<hbm>> -> memref<8x4096xf32, #tpu.memory_space<hbm>>
      tpu.enqueue_dma source(%dma_start3A_1038 : memref<8x4096xf32, #tpu.memory_space<hbm>>) target(%dma_start3A_1037 : memref<8x4096xf32, #tpu.memory_space<vmem>>) target_semaphore(%arg10 : memref<!tpu.dma_semaphore, #tpu.memory_space<semaphore_mem>>)
    } else {
    }
    %mul3A_638 = arith.constant 8 : i32
    %mul3A_639 = arith.muli %add3A, %mul3A_638 : i32
    %add3A_640 = arith.constant 5 : i32
    %add3A_641 = arith.addi %mul3A_639, %add3A_640 : i32
    %jit3A_642 = arith.constant 16 : i32
    %eq3A_643 = arith.constant 0 : i32
    %eq3A_644 = arith.cmpi eq, %jit3A_642, %eq3A_643 : i32
    %jit3A_645 = arith.constant 1 : i32
    %select_n3A_646 = arith.select %eq3A_644, %jit3A_645, %jit3A_642 : i32
    %rem3A_647 = arith.remsi %add3A_641, %select_n3A_646 : i32
    %ne3A_648 = arith.constant 0 : i32
    %ne3A_649 = arith.cmpi ne, %rem3A_647, %ne3A_648 : i32
    %lt3A_650 = arith.constant 0 : i32
    %lt3A_651 = arith.cmpi slt, %rem3A_647, %lt3A_650 : i32
    %lt3A_652 = arith.constant 0 : i32
    %lt3A_653 = arith.cmpi slt, %select_n3A_646, %lt3A_652 : i32
    %ne3A_654 = arith.xori %lt3A_651, %lt3A_653 : i1
    %and3A_655 = arith.andi %ne3A_654, %ne3A_649 : i1
    %add3A_656 = arith.addi %rem3A_647, %select_n3A_646 : i32
    %select_n3A_657 = arith.select %and3A_655, %add3A_656, %rem3A_647 : i32
    %eq3A_658 = arith.cmpi eq, %select_n3A_657, %select_n3A : i32
    %not3A_659 = arith.constant true
    %not3A_660 = arith.xori %eq3A_658, %not3A_659 : i1
    %convert_element_type3A_661 = arith.extui %not3A_660 : i1 to i32
    %cond3A_662 = arith.constant 0 : i32
    %cond3A_663 = arith.cmpi ne, %convert_element_type3A_661, %cond3A_662 : i32
    scf.if %cond3A_663 {
      %mul3A_980 = arith.constant 8 : i32
      %mul3A_981 = arith.muli %add3A, %mul3A_980 : i32
      %add3A_982 = arith.constant 5 : i32
      %add3A_983 = arith.addi %mul3A_981, %add3A_982 : i32
      %jit3A_984 = arith.constant 16 : i32
      %div3A_985 = arith.divsi %add3A_983, %jit3A_984 : i32
      %sign3A_986 = arith.constant 0 : i32
      %sign3A_987 = arith.cmpi sgt, %add3A_983, %sign3A_986 : i32
      %sign3A_988 = arith.extui %sign3A_987 : i1 to i32
      %sign3A_989 = arith.constant 0 : i32
      %sign3A_990 = arith.cmpi slt, %add3A_983, %sign3A_989 : i32
      %sign3A_991 = arith.extui %sign3A_990 : i1 to i32
      %sign3A_992 = arith.subi %sign3A_988, %sign3A_991 : i32
      %sign3A_993 = arith.constant 0 : i32
      %sign3A_994 = arith.cmpi sgt, %jit3A_984, %sign3A_993 : i32
      %sign3A_995 = arith.extui %sign3A_994 : i1 to i32
      %sign3A_996 = arith.constant 0 : i32
      %sign3A_997 = arith.cmpi slt, %jit3A_984, %sign3A_996 : i32
      %sign3A_998 = arith.extui %sign3A_997 : i1 to i32
      %sign3A_999 = arith.subi %sign3A_995, %sign3A_998 : i32
      %ne3A_1000 = arith.cmpi ne, %sign3A_992, %sign3A_999 : i32
      %rem3A_1001 = arith.remsi %add3A_983, %jit3A_984 : i32
      %ne3A_1002 = arith.constant 0 : i32
      %ne3A_1003 = arith.cmpi ne, %rem3A_1001, %ne3A_1002 : i32
      %and3A_1004 = arith.andi %ne3A_1000, %ne3A_1003 : i1
      %sub3A_1005 = arith.constant 1 : i32
      %sub3A_1006 = arith.subi %div3A_985, %sub3A_1005 : i32
      %select_n3A_1007 = arith.select %and3A_1004, %sub3A_1006, %div3A_985 : i32
      %mul3A_1008 = arith.constant 8 : i32
      %mul3A_1009 = arith.muli %select_n3A_1007, %mul3A_1008 : i32
      %jit3A_1010 = arith.constant 16 : i32
      %eq3A_1011 = arith.constant 0 : i32
      %eq3A_1012 = arith.cmpi eq, %jit3A_1010, %eq3A_1011 : i32
      %jit3A_1013 = arith.constant 1 : i32
      %select_n3A_1014 = arith.select %eq3A_1012, %jit3A_1013, %jit3A_1010 : i32
      %rem3A_1015 = arith.remsi %add3A_983, %select_n3A_1014 : i32
      %ne3A_1016 = arith.constant 0 : i32
      %ne3A_1017 = arith.cmpi ne, %rem3A_1015, %ne3A_1016 : i32
      %lt3A_1018 = arith.constant 0 : i32
      %lt3A_1019 = arith.cmpi slt, %rem3A_1015, %lt3A_1018 : i32
      %lt3A_1020 = arith.constant 0 : i32
      %lt3A_1021 = arith.cmpi slt, %select_n3A_1014, %lt3A_1020 : i32
      %ne3A_1022 = arith.xori %lt3A_1019, %lt3A_1021 : i1
      %and3A_1023 = arith.andi %ne3A_1022, %ne3A_1017 : i1
      %add3A_1024 = arith.addi %rem3A_1015, %select_n3A_1014 : i32
      %select_n3A_1025 = arith.select %and3A_1023, %add3A_1024, %rem3A_1015 : i32
      %mul3A_1026 = arith.constant 4096 : i32
      %mul3A_1027 = arith.muli %select_n3A_1025, %mul3A_1026 : i32
      %dma_wait3A_1028 = arith.constant 1 : i32
      %dma_wait3A_1029 = arith.constant 0 : i32
      %dma_wait3A_1030 = arith.constant 0 : i32
      %dma_wait3A_1031 = tpu.memref_slice %arg6[%dma_wait3A_1028, %dma_wait3A_1029, %dma_wait3A_1030] : memref<2x8x4096xf32, #tpu.memory_space<vmem>> -> memref<1x8x4096xf32, #tpu.memory_space<vmem>>
      %dma_wait3A_1032 = tpu.memref_squeeze %dma_wait3A_1031 : memref<1x8x4096xf32, #tpu.memory_space<vmem>> -> memref<8x4096xf32, #tpu.memory_space<vmem>>
      %dma_wait3A_1033 = tpu.memref_slice %arg2[%mul3A_1009, %mul3A_1027] : memref<128x65536xf32, #tpu.memory_space<hbm>> -> memref<8x4096xf32, #tpu.memory_space<hbm>>
      %dma_wait3A_1034 = arith.constant 0 : i32
      %dma_wait3A_1035 = arith.constant 0 : i32
      %dma_wait3A_1036 = tpu.memref_slice %arg6[%dma_wait3A_1028, %dma_wait3A_1034, %dma_wait3A_1035] : memref<2x8x4096xf32, #tpu.memory_space<vmem>> -> memref<1x8x4096xf32, #tpu.memory_space<vmem>>
      %dma_wait3A_1037 = tpu.memref_squeeze %dma_wait3A_1036 : memref<1x8x4096xf32, #tpu.memory_space<vmem>> -> memref<8x4096xf32, #tpu.memory_space<vmem>>
      %dma_wait3A_1038 = tpu.memref_slice %arg2[%mul3A_1009, %mul3A_1027] : memref<128x65536xf32, #tpu.memory_space<hbm>> -> memref<8x4096xf32, #tpu.memory_space<hbm>>
      tpu.wait_dma2 semaphore(%arg11 : memref<!tpu.dma_semaphore, #tpu.memory_space<semaphore_mem>>) src(%dma_wait3A_1038 : memref<8x4096xf32, #tpu.memory_space<hbm>>) dst(%dma_wait3A_1037 : memref<8x4096xf32, #tpu.memory_space<vmem>>)
      %mul3A_1039 = arith.constant 8 : i32
      %mul3A_1040 = arith.muli %add3A, %mul3A_1039 : i32
      %add3A_1041 = arith.constant 5 : i32
      %add3A_1042 = arith.addi %mul3A_1040, %add3A_1041 : i32
      %jit3A_1043 = arith.constant 16 : i32
      %div3A_1044 = arith.divsi %add3A_1042, %jit3A_1043 : i32
      %sign3A_1045 = arith.constant 0 : i32
      %sign3A_1046 = arith.cmpi sgt, %add3A_1042, %sign3A_1045 : i32
      %sign3A_1047 = arith.extui %sign3A_1046 : i1 to i32
      %sign3A_1048 = arith.constant 0 : i32
      %sign3A_1049 = arith.cmpi slt, %add3A_1042, %sign3A_1048 : i32
      %sign3A_1050 = arith.extui %sign3A_1049 : i1 to i32
      %sign3A_1051 = arith.subi %sign3A_1047, %sign3A_1050 : i32
      %sign3A_1052 = arith.constant 0 : i32
      %sign3A_1053 = arith.cmpi sgt, %jit3A_1043, %sign3A_1052 : i32
      %sign3A_1054 = arith.extui %sign3A_1053 : i1 to i32
      %sign3A_1055 = arith.constant 0 : i32
      %sign3A_1056 = arith.cmpi slt, %jit3A_1043, %sign3A_1055 : i32
      %sign3A_1057 = arith.extui %sign3A_1056 : i1 to i32
      %sign3A_1058 = arith.subi %sign3A_1054, %sign3A_1057 : i32
      %ne3A_1059 = arith.cmpi ne, %sign3A_1051, %sign3A_1058 : i32
      %rem3A_1060 = arith.remsi %add3A_1042, %jit3A_1043 : i32
      %ne3A_1061 = arith.constant 0 : i32
      %ne3A_1062 = arith.cmpi ne, %rem3A_1060, %ne3A_1061 : i32
      %and3A_1063 = arith.andi %ne3A_1059, %ne3A_1062 : i1
      %sub3A_1064 = arith.constant 1 : i32
      %sub3A_1065 = arith.subi %div3A_1044, %sub3A_1064 : i32
      %select_n3A_1066 = arith.select %and3A_1063, %sub3A_1065, %div3A_1044 : i32
      %mul3A_1067 = arith.constant 8 : i32
      %mul3A_1068 = arith.muli %select_n3A_1066, %mul3A_1067 : i32
      %jit3A_1069 = arith.constant 16 : i32
      %eq3A_1070 = arith.constant 0 : i32
      %eq3A_1071 = arith.cmpi eq, %jit3A_1069, %eq3A_1070 : i32
      %jit3A_1072 = arith.constant 1 : i32
      %select_n3A_1073 = arith.select %eq3A_1071, %jit3A_1072, %jit3A_1069 : i32
      %rem3A_1074 = arith.remsi %add3A_1042, %select_n3A_1073 : i32
      %ne3A_1075 = arith.constant 0 : i32
      %ne3A_1076 = arith.cmpi ne, %rem3A_1074, %ne3A_1075 : i32
      %lt3A_1077 = arith.constant 0 : i32
      %lt3A_1078 = arith.cmpi slt, %rem3A_1074, %lt3A_1077 : i32
      %lt3A_1079 = arith.constant 0 : i32
      %lt3A_1080 = arith.cmpi slt, %select_n3A_1073, %lt3A_1079 : i32
      %ne3A_1081 = arith.xori %lt3A_1078, %lt3A_1080 : i1
      %and3A_1082 = arith.andi %ne3A_1081, %ne3A_1076 : i1
      %add3A_1083 = arith.addi %rem3A_1074, %select_n3A_1073 : i32
      %select_n3A_1084 = arith.select %and3A_1082, %add3A_1083, %rem3A_1074 : i32
      %mul3A_1085 = arith.constant 4096 : i32
      %mul3A_1086 = arith.muli %select_n3A_1084, %mul3A_1085 : i32
      %dma_start3A_1087 = arith.constant 1 : i32
      %dma_start3A_1088 = arith.constant 0 : i32
      %dma_start3A_1089 = arith.constant 0 : i32
      %dma_start3A_1090 = tpu.memref_slice %arg6[%dma_start3A_1087, %dma_start3A_1088, %dma_start3A_1089] : memref<2x8x4096xf32, #tpu.memory_space<vmem>> -> memref<1x8x4096xf32, #tpu.memory_space<vmem>>
      %dma_start3A_1091 = tpu.memref_squeeze %dma_start3A_1090 : memref<1x8x4096xf32, #tpu.memory_space<vmem>> -> memref<8x4096xf32, #tpu.memory_space<vmem>>
      %dma_start3A_1092 = tpu.memref_slice %arg5[%mul3A_1068, %mul3A_1086] : memref<128x65536xf32, #tpu.memory_space<hbm>> -> memref<8x4096xf32, #tpu.memory_space<hbm>>
      %dma_start3A_1093 = tpu.memref_slice %arg5[%mul3A_1068, %mul3A_1086] : memref<128x65536xf32, #tpu.memory_space<hbm>> -> memref<8x4096xf32, #tpu.memory_space<hbm>>
      %dma_start3A_1094 = arith.constant 0 : i32
      %dma_start3A_1095 = arith.constant 0 : i32
      %dma_start3A_1096 = tpu.memref_slice %arg6[%dma_start3A_1087, %dma_start3A_1094, %dma_start3A_1095] : memref<2x8x4096xf32, #tpu.memory_space<vmem>> -> memref<1x8x4096xf32, #tpu.memory_space<vmem>>
      %dma_start3A_1097 = tpu.memref_squeeze %dma_start3A_1096 : memref<1x8x4096xf32, #tpu.memory_space<vmem>> -> memref<8x4096xf32, #tpu.memory_space<vmem>>
      tpu.enqueue_dma source(%dma_start3A_1097 : memref<8x4096xf32, #tpu.memory_space<vmem>>) target(%dma_start3A_1093 : memref<8x4096xf32, #tpu.memory_space<hbm>>) target_semaphore(%arg14 : memref<!tpu.dma_semaphore, #tpu.memory_space<semaphore_mem>>)
    } else {
    }
    %mul3A_664 = arith.constant 8 : i32
    %mul3A_665 = arith.muli %add3A, %mul3A_664 : i32
    %add3A_666 = arith.constant 5 : i32
    %add3A_667 = arith.addi %mul3A_665, %add3A_666 : i32
    %jit3A_668 = arith.constant 16 : i32
    %eq3A_669 = arith.constant 0 : i32
    %eq3A_670 = arith.cmpi eq, %jit3A_668, %eq3A_669 : i32
    %jit3A_671 = arith.constant 1 : i32
    %select_n3A_672 = arith.select %eq3A_670, %jit3A_671, %jit3A_668 : i32
    %rem3A_673 = arith.remsi %add3A_667, %select_n3A_672 : i32
    %ne3A_674 = arith.constant 0 : i32
    %ne3A_675 = arith.cmpi ne, %rem3A_673, %ne3A_674 : i32
    %lt3A_676 = arith.constant 0 : i32
    %lt3A_677 = arith.cmpi slt, %rem3A_673, %lt3A_676 : i32
    %lt3A_678 = arith.constant 0 : i32
    %lt3A_679 = arith.cmpi slt, %select_n3A_672, %lt3A_678 : i32
    %ne3A_680 = arith.xori %lt3A_677, %lt3A_679 : i1
    %and3A_681 = arith.andi %ne3A_680, %ne3A_675 : i1
    %add3A_682 = arith.addi %rem3A_673, %select_n3A_672 : i32
    %select_n3A_683 = arith.select %and3A_681, %add3A_682, %rem3A_673 : i32
    %eq3A_684 = arith.cmpi eq, %select_n3A_683, %select_n3A : i32
    %not3A_685 = arith.constant true
    %not3A_686 = arith.xori %eq3A_684, %not3A_685 : i1
    %convert_element_type3A_687 = arith.extui %not3A_686 : i1 to i32
    %cond3A_688 = arith.constant 0 : i32
    %cond3A_689 = arith.cmpi ne, %convert_element_type3A_687, %cond3A_688 : i32
    scf.if %cond3A_689 {
      %mul3A_980 = arith.constant 8 : i32
      %mul3A_981 = arith.muli %add3A, %mul3A_980 : i32
      %add3A_982 = arith.constant 5 : i32
      %add3A_983 = arith.addi %mul3A_981, %add3A_982 : i32
      %jit3A_984 = arith.constant 16 : i32
      %div3A_985 = arith.divsi %add3A_983, %jit3A_984 : i32
      %sign3A_986 = arith.constant 0 : i32
      %sign3A_987 = arith.cmpi sgt, %add3A_983, %sign3A_986 : i32
      %sign3A_988 = arith.extui %sign3A_987 : i1 to i32
      %sign3A_989 = arith.constant 0 : i32
      %sign3A_990 = arith.cmpi slt, %add3A_983, %sign3A_989 : i32
      %sign3A_991 = arith.extui %sign3A_990 : i1 to i32
      %sign3A_992 = arith.subi %sign3A_988, %sign3A_991 : i32
      %sign3A_993 = arith.constant 0 : i32
      %sign3A_994 = arith.cmpi sgt, %jit3A_984, %sign3A_993 : i32
      %sign3A_995 = arith.extui %sign3A_994 : i1 to i32
      %sign3A_996 = arith.constant 0 : i32
      %sign3A_997 = arith.cmpi slt, %jit3A_984, %sign3A_996 : i32
      %sign3A_998 = arith.extui %sign3A_997 : i1 to i32
      %sign3A_999 = arith.subi %sign3A_995, %sign3A_998 : i32
      %ne3A_1000 = arith.cmpi ne, %sign3A_992, %sign3A_999 : i32
      %rem3A_1001 = arith.remsi %add3A_983, %jit3A_984 : i32
      %ne3A_1002 = arith.constant 0 : i32
      %ne3A_1003 = arith.cmpi ne, %rem3A_1001, %ne3A_1002 : i32
      %and3A_1004 = arith.andi %ne3A_1000, %ne3A_1003 : i1
      %sub3A_1005 = arith.constant 1 : i32
      %sub3A_1006 = arith.subi %div3A_985, %sub3A_1005 : i32
      %select_n3A_1007 = arith.select %and3A_1004, %sub3A_1006, %div3A_985 : i32
      %mul3A_1008 = arith.constant 8 : i32
      %mul3A_1009 = arith.muli %select_n3A_1007, %mul3A_1008 : i32
      %jit3A_1010 = arith.constant 16 : i32
      %eq3A_1011 = arith.constant 0 : i32
      %eq3A_1012 = arith.cmpi eq, %jit3A_1010, %eq3A_1011 : i32
      %jit3A_1013 = arith.constant 1 : i32
      %select_n3A_1014 = arith.select %eq3A_1012, %jit3A_1013, %jit3A_1010 : i32
      %rem3A_1015 = arith.remsi %add3A_983, %select_n3A_1014 : i32
      %ne3A_1016 = arith.constant 0 : i32
      %ne3A_1017 = arith.cmpi ne, %rem3A_1015, %ne3A_1016 : i32
      %lt3A_1018 = arith.constant 0 : i32
      %lt3A_1019 = arith.cmpi slt, %rem3A_1015, %lt3A_1018 : i32
      %lt3A_1020 = arith.constant 0 : i32
      %lt3A_1021 = arith.cmpi slt, %select_n3A_1014, %lt3A_1020 : i32
      %ne3A_1022 = arith.xori %lt3A_1019, %lt3A_1021 : i1
      %and3A_1023 = arith.andi %ne3A_1022, %ne3A_1017 : i1
      %add3A_1024 = arith.addi %rem3A_1015, %select_n3A_1014 : i32
      %select_n3A_1025 = arith.select %and3A_1023, %add3A_1024, %rem3A_1015 : i32
      %mul3A_1026 = arith.constant 4096 : i32
      %mul3A_1027 = arith.muli %select_n3A_1025, %mul3A_1026 : i32
      %dma_wait3A_1028 = arith.constant 1 : i32
      %dma_wait3A_1029 = arith.constant 0 : i32
      %dma_wait3A_1030 = arith.constant 0 : i32
      %dma_wait3A_1031 = tpu.memref_slice %arg6[%dma_wait3A_1028, %dma_wait3A_1029, %dma_wait3A_1030] : memref<2x8x4096xf32, #tpu.memory_space<vmem>> -> memref<1x8x4096xf32, #tpu.memory_space<vmem>>
      %dma_wait3A_1032 = tpu.memref_squeeze %dma_wait3A_1031 : memref<1x8x4096xf32, #tpu.memory_space<vmem>> -> memref<8x4096xf32, #tpu.memory_space<vmem>>
      %dma_wait3A_1033 = tpu.memref_slice %arg5[%mul3A_1009, %mul3A_1027] : memref<128x65536xf32, #tpu.memory_space<hbm>> -> memref<8x4096xf32, #tpu.memory_space<hbm>>
      %dma_wait3A_1034 = tpu.memref_slice %arg5[%mul3A_1009, %mul3A_1027] : memref<128x65536xf32, #tpu.memory_space<hbm>> -> memref<8x4096xf32, #tpu.memory_space<hbm>>
      %dma_wait3A_1035 = arith.constant 0 : i32
      %dma_wait3A_1036 = arith.constant 0 : i32
      %dma_wait3A_1037 = tpu.memref_slice %arg6[%dma_wait3A_1028, %dma_wait3A_1035, %dma_wait3A_1036] : memref<2x8x4096xf32, #tpu.memory_space<vmem>> -> memref<1x8x4096xf32, #tpu.memory_space<vmem>>
      %dma_wait3A_1038 = tpu.memref_squeeze %dma_wait3A_1037 : memref<1x8x4096xf32, #tpu.memory_space<vmem>> -> memref<8x4096xf32, #tpu.memory_space<vmem>>
      tpu.wait_dma2 semaphore(%arg14 : memref<!tpu.dma_semaphore, #tpu.memory_space<semaphore_mem>>) src(%dma_wait3A_1038 : memref<8x4096xf32, #tpu.memory_space<vmem>>) dst(%dma_wait3A_1034 : memref<8x4096xf32, #tpu.memory_space<hbm>>)
    } else {
    }
    %mul3A_690 = arith.constant 8 : i32
    %mul3A_691 = arith.muli %add3A, %mul3A_690 : i32
    %add3A_692 = arith.constant 7 : i32
    %add3A_693 = arith.addi %mul3A_691, %add3A_692 : i32
    %jit3A_694 = arith.constant 16 : i32
    %eq3A_695 = arith.constant 0 : i32
    %eq3A_696 = arith.cmpi eq, %jit3A_694, %eq3A_695 : i32
    %jit3A_697 = arith.constant 1 : i32
    %select_n3A_698 = arith.select %eq3A_696, %jit3A_697, %jit3A_694 : i32
    %rem3A_699 = arith.remsi %add3A_693, %select_n3A_698 : i32
    %ne3A_700 = arith.constant 0 : i32
    %ne3A_701 = arith.cmpi ne, %rem3A_699, %ne3A_700 : i32
    %lt3A_702 = arith.constant 0 : i32
    %lt3A_703 = arith.cmpi slt, %rem3A_699, %lt3A_702 : i32
    %lt3A_704 = arith.constant 0 : i32
    %lt3A_705 = arith.cmpi slt, %select_n3A_698, %lt3A_704 : i32
    %ne3A_706 = arith.xori %lt3A_703, %lt3A_705 : i1
    %and3A_707 = arith.andi %ne3A_706, %ne3A_701 : i1
    %add3A_708 = arith.addi %rem3A_699, %select_n3A_698 : i32
    %select_n3A_709 = arith.select %and3A_707, %add3A_708, %rem3A_699 : i32
    %eq3A_710 = arith.cmpi eq, %select_n3A_709, %select_n3A : i32
    %not3A_711 = arith.constant true
    %not3A_712 = arith.xori %eq3A_710, %not3A_711 : i1
    %convert_element_type3A_713 = arith.extui %not3A_712 : i1 to i32
    %cond3A_714 = arith.constant 0 : i32
    %cond3A_715 = arith.cmpi ne, %convert_element_type3A_713, %cond3A_714 : i32
    scf.if %cond3A_715 {
      %mul3A_980 = arith.constant 8 : i32
      %mul3A_981 = arith.muli %add3A, %mul3A_980 : i32
      %add3A_982 = arith.constant 7 : i32
      %add3A_983 = arith.addi %mul3A_981, %add3A_982 : i32
      %jit3A_984 = arith.constant 16 : i32
      %div3A_985 = arith.divsi %add3A_983, %jit3A_984 : i32
      %sign3A_986 = arith.constant 0 : i32
      %sign3A_987 = arith.cmpi sgt, %add3A_983, %sign3A_986 : i32
      %sign3A_988 = arith.extui %sign3A_987 : i1 to i32
      %sign3A_989 = arith.constant 0 : i32
      %sign3A_990 = arith.cmpi slt, %add3A_983, %sign3A_989 : i32
      %sign3A_991 = arith.extui %sign3A_990 : i1 to i32
      %sign3A_992 = arith.subi %sign3A_988, %sign3A_991 : i32
      %sign3A_993 = arith.constant 0 : i32
      %sign3A_994 = arith.cmpi sgt, %jit3A_984, %sign3A_993 : i32
      %sign3A_995 = arith.extui %sign3A_994 : i1 to i32
      %sign3A_996 = arith.constant 0 : i32
      %sign3A_997 = arith.cmpi slt, %jit3A_984, %sign3A_996 : i32
      %sign3A_998 = arith.extui %sign3A_997 : i1 to i32
      %sign3A_999 = arith.subi %sign3A_995, %sign3A_998 : i32
      %ne3A_1000 = arith.cmpi ne, %sign3A_992, %sign3A_999 : i32
      %rem3A_1001 = arith.remsi %add3A_983, %jit3A_984 : i32
      %ne3A_1002 = arith.constant 0 : i32
      %ne3A_1003 = arith.cmpi ne, %rem3A_1001, %ne3A_1002 : i32
      %and3A_1004 = arith.andi %ne3A_1000, %ne3A_1003 : i1
      %sub3A_1005 = arith.constant 1 : i32
      %sub3A_1006 = arith.subi %div3A_985, %sub3A_1005 : i32
      %select_n3A_1007 = arith.select %and3A_1004, %sub3A_1006, %div3A_985 : i32
      %mul3A_1008 = arith.constant 8 : i32
      %mul3A_1009 = arith.muli %select_n3A_1007, %mul3A_1008 : i32
      %jit3A_1010 = arith.constant 16 : i32
      %eq3A_1011 = arith.constant 0 : i32
      %eq3A_1012 = arith.cmpi eq, %jit3A_1010, %eq3A_1011 : i32
      %jit3A_1013 = arith.constant 1 : i32
      %select_n3A_1014 = arith.select %eq3A_1012, %jit3A_1013, %jit3A_1010 : i32
      %rem3A_1015 = arith.remsi %add3A_983, %select_n3A_1014 : i32
      %ne3A_1016 = arith.constant 0 : i32
      %ne3A_1017 = arith.cmpi ne, %rem3A_1015, %ne3A_1016 : i32
      %lt3A_1018 = arith.constant 0 : i32
      %lt3A_1019 = arith.cmpi slt, %rem3A_1015, %lt3A_1018 : i32
      %lt3A_1020 = arith.constant 0 : i32
      %lt3A_1021 = arith.cmpi slt, %select_n3A_1014, %lt3A_1020 : i32
      %ne3A_1022 = arith.xori %lt3A_1019, %lt3A_1021 : i1
      %and3A_1023 = arith.andi %ne3A_1022, %ne3A_1017 : i1
      %add3A_1024 = arith.addi %rem3A_1015, %select_n3A_1014 : i32
      %select_n3A_1025 = arith.select %and3A_1023, %add3A_1024, %rem3A_1015 : i32
      %mul3A_1026 = arith.constant 4096 : i32
      %mul3A_1027 = arith.muli %select_n3A_1025, %mul3A_1026 : i32
      %dma_start3A_1028 = arith.constant 1 : i32
      %dma_start3A_1029 = arith.constant 0 : i32
      %dma_start3A_1030 = arith.constant 0 : i32
      %dma_start3A_1031 = tpu.memref_slice %arg6[%dma_start3A_1028, %dma_start3A_1029, %dma_start3A_1030] : memref<2x8x4096xf32, #tpu.memory_space<vmem>> -> memref<1x8x4096xf32, #tpu.memory_space<vmem>>
      %dma_start3A_1032 = tpu.memref_squeeze %dma_start3A_1031 : memref<1x8x4096xf32, #tpu.memory_space<vmem>> -> memref<8x4096xf32, #tpu.memory_space<vmem>>
      %dma_start3A_1033 = tpu.memref_slice %arg2[%mul3A_1009, %mul3A_1027] : memref<128x65536xf32, #tpu.memory_space<hbm>> -> memref<8x4096xf32, #tpu.memory_space<hbm>>
      %dma_start3A_1034 = arith.constant 0 : i32
      %dma_start3A_1035 = arith.constant 0 : i32
      %dma_start3A_1036 = tpu.memref_slice %arg6[%dma_start3A_1028, %dma_start3A_1034, %dma_start3A_1035] : memref<2x8x4096xf32, #tpu.memory_space<vmem>> -> memref<1x8x4096xf32, #tpu.memory_space<vmem>>
      %dma_start3A_1037 = tpu.memref_squeeze %dma_start3A_1036 : memref<1x8x4096xf32, #tpu.memory_space<vmem>> -> memref<8x4096xf32, #tpu.memory_space<vmem>>
      %dma_start3A_1038 = tpu.memref_slice %arg2[%mul3A_1009, %mul3A_1027] : memref<128x65536xf32, #tpu.memory_space<hbm>> -> memref<8x4096xf32, #tpu.memory_space<hbm>>
      tpu.enqueue_dma source(%dma_start3A_1038 : memref<8x4096xf32, #tpu.memory_space<hbm>>) target(%dma_start3A_1037 : memref<8x4096xf32, #tpu.memory_space<vmem>>) target_semaphore(%arg11 : memref<!tpu.dma_semaphore, #tpu.memory_space<semaphore_mem>>)
    } else {
    }
    %mul3A_716 = arith.constant 8 : i32
    %mul3A_717 = arith.muli %add3A, %mul3A_716 : i32
    %add3A_718 = arith.constant 6 : i32
    %add3A_719 = arith.addi %mul3A_717, %add3A_718 : i32
    %jit3A_720 = arith.constant 16 : i32
    %eq3A_721 = arith.constant 0 : i32
    %eq3A_722 = arith.cmpi eq, %jit3A_720, %eq3A_721 : i32
    %jit3A_723 = arith.constant 1 : i32
    %select_n3A_724 = arith.select %eq3A_722, %jit3A_723, %jit3A_720 : i32
    %rem3A_725 = arith.remsi %add3A_719, %select_n3A_724 : i32
    %ne3A_726 = arith.constant 0 : i32
    %ne3A_727 = arith.cmpi ne, %rem3A_725, %ne3A_726 : i32
    %lt3A_728 = arith.constant 0 : i32
    %lt3A_729 = arith.cmpi slt, %rem3A_725, %lt3A_728 : i32
    %lt3A_730 = arith.constant 0 : i32
    %lt3A_731 = arith.cmpi slt, %select_n3A_724, %lt3A_730 : i32
    %ne3A_732 = arith.xori %lt3A_729, %lt3A_731 : i1
    %and3A_733 = arith.andi %ne3A_732, %ne3A_727 : i1
    %add3A_734 = arith.addi %rem3A_725, %select_n3A_724 : i32
    %select_n3A_735 = arith.select %and3A_733, %add3A_734, %rem3A_725 : i32
    %eq3A_736 = arith.cmpi eq, %select_n3A_735, %select_n3A : i32
    %not3A_737 = arith.constant true
    %not3A_738 = arith.xori %eq3A_736, %not3A_737 : i1
    %convert_element_type3A_739 = arith.extui %not3A_738 : i1 to i32
    %cond3A_740 = arith.constant 0 : i32
    %cond3A_741 = arith.cmpi ne, %convert_element_type3A_739, %cond3A_740 : i32
    scf.if %cond3A_741 {
      %mul3A_980 = arith.constant 8 : i32
      %mul3A_981 = arith.muli %add3A, %mul3A_980 : i32
      %add3A_982 = arith.constant 6 : i32
      %add3A_983 = arith.addi %mul3A_981, %add3A_982 : i32
      %jit3A_984 = arith.constant 16 : i32
      %div3A_985 = arith.divsi %add3A_983, %jit3A_984 : i32
      %sign3A_986 = arith.constant 0 : i32
      %sign3A_987 = arith.cmpi sgt, %add3A_983, %sign3A_986 : i32
      %sign3A_988 = arith.extui %sign3A_987 : i1 to i32
      %sign3A_989 = arith.constant 0 : i32
      %sign3A_990 = arith.cmpi slt, %add3A_983, %sign3A_989 : i32
      %sign3A_991 = arith.extui %sign3A_990 : i1 to i32
      %sign3A_992 = arith.subi %sign3A_988, %sign3A_991 : i32
      %sign3A_993 = arith.constant 0 : i32
      %sign3A_994 = arith.cmpi sgt, %jit3A_984, %sign3A_993 : i32
      %sign3A_995 = arith.extui %sign3A_994 : i1 to i32
      %sign3A_996 = arith.constant 0 : i32
      %sign3A_997 = arith.cmpi slt, %jit3A_984, %sign3A_996 : i32
      %sign3A_998 = arith.extui %sign3A_997 : i1 to i32
      %sign3A_999 = arith.subi %sign3A_995, %sign3A_998 : i32
      %ne3A_1000 = arith.cmpi ne, %sign3A_992, %sign3A_999 : i32
      %rem3A_1001 = arith.remsi %add3A_983, %jit3A_984 : i32
      %ne3A_1002 = arith.constant 0 : i32
      %ne3A_1003 = arith.cmpi ne, %rem3A_1001, %ne3A_1002 : i32
      %and3A_1004 = arith.andi %ne3A_1000, %ne3A_1003 : i1
      %sub3A_1005 = arith.constant 1 : i32
      %sub3A_1006 = arith.subi %div3A_985, %sub3A_1005 : i32
      %select_n3A_1007 = arith.select %and3A_1004, %sub3A_1006, %div3A_985 : i32
      %mul3A_1008 = arith.constant 8 : i32
      %mul3A_1009 = arith.muli %select_n3A_1007, %mul3A_1008 : i32
      %jit3A_1010 = arith.constant 16 : i32
      %eq3A_1011 = arith.constant 0 : i32
      %eq3A_1012 = arith.cmpi eq, %jit3A_1010, %eq3A_1011 : i32
      %jit3A_1013 = arith.constant 1 : i32
      %select_n3A_1014 = arith.select %eq3A_1012, %jit3A_1013, %jit3A_1010 : i32
      %rem3A_1015 = arith.remsi %add3A_983, %select_n3A_1014 : i32
      %ne3A_1016 = arith.constant 0 : i32
      %ne3A_1017 = arith.cmpi ne, %rem3A_1015, %ne3A_1016 : i32
      %lt3A_1018 = arith.constant 0 : i32
      %lt3A_1019 = arith.cmpi slt, %rem3A_1015, %lt3A_1018 : i32
      %lt3A_1020 = arith.constant 0 : i32
      %lt3A_1021 = arith.cmpi slt, %select_n3A_1014, %lt3A_1020 : i32
      %ne3A_1022 = arith.xori %lt3A_1019, %lt3A_1021 : i1
      %and3A_1023 = arith.andi %ne3A_1022, %ne3A_1017 : i1
      %add3A_1024 = arith.addi %rem3A_1015, %select_n3A_1014 : i32
      %select_n3A_1025 = arith.select %and3A_1023, %add3A_1024, %rem3A_1015 : i32
      %mul3A_1026 = arith.constant 4096 : i32
      %mul3A_1027 = arith.muli %select_n3A_1025, %mul3A_1026 : i32
      %dma_wait3A_1028 = arith.constant 0 : i32
      %dma_wait3A_1029 = arith.constant 0 : i32
      %dma_wait3A_1030 = arith.constant 0 : i32
      %dma_wait3A_1031 = tpu.memref_slice %arg6[%dma_wait3A_1028, %dma_wait3A_1029, %dma_wait3A_1030] : memref<2x8x4096xf32, #tpu.memory_space<vmem>> -> memref<1x8x4096xf32, #tpu.memory_space<vmem>>
      %dma_wait3A_1032 = tpu.memref_squeeze %dma_wait3A_1031 : memref<1x8x4096xf32, #tpu.memory_space<vmem>> -> memref<8x4096xf32, #tpu.memory_space<vmem>>
      %dma_wait3A_1033 = tpu.memref_slice %arg2[%mul3A_1009, %mul3A_1027] : memref<128x65536xf32, #tpu.memory_space<hbm>> -> memref<8x4096xf32, #tpu.memory_space<hbm>>
      %dma_wait3A_1034 = arith.constant 0 : i32
      %dma_wait3A_1035 = arith.constant 0 : i32
      %dma_wait3A_1036 = tpu.memref_slice %arg6[%dma_wait3A_1028, %dma_wait3A_1034, %dma_wait3A_1035] : memref<2x8x4096xf32, #tpu.memory_space<vmem>> -> memref<1x8x4096xf32, #tpu.memory_space<vmem>>
      %dma_wait3A_1037 = tpu.memref_squeeze %dma_wait3A_1036 : memref<1x8x4096xf32, #tpu.memory_space<vmem>> -> memref<8x4096xf32, #tpu.memory_space<vmem>>
      %dma_wait3A_1038 = tpu.memref_slice %arg2[%mul3A_1009, %mul3A_1027] : memref<128x65536xf32, #tpu.memory_space<hbm>> -> memref<8x4096xf32, #tpu.memory_space<hbm>>
      tpu.wait_dma2 semaphore(%arg10 : memref<!tpu.dma_semaphore, #tpu.memory_space<semaphore_mem>>) src(%dma_wait3A_1038 : memref<8x4096xf32, #tpu.memory_space<hbm>>) dst(%dma_wait3A_1037 : memref<8x4096xf32, #tpu.memory_space<vmem>>)
      %mul3A_1039 = arith.constant 8 : i32
      %mul3A_1040 = arith.muli %add3A, %mul3A_1039 : i32
      %add3A_1041 = arith.constant 6 : i32
      %add3A_1042 = arith.addi %mul3A_1040, %add3A_1041 : i32
      %jit3A_1043 = arith.constant 16 : i32
      %div3A_1044 = arith.divsi %add3A_1042, %jit3A_1043 : i32
      %sign3A_1045 = arith.constant 0 : i32
      %sign3A_1046 = arith.cmpi sgt, %add3A_1042, %sign3A_1045 : i32
      %sign3A_1047 = arith.extui %sign3A_1046 : i1 to i32
      %sign3A_1048 = arith.constant 0 : i32
      %sign3A_1049 = arith.cmpi slt, %add3A_1042, %sign3A_1048 : i32
      %sign3A_1050 = arith.extui %sign3A_1049 : i1 to i32
      %sign3A_1051 = arith.subi %sign3A_1047, %sign3A_1050 : i32
      %sign3A_1052 = arith.constant 0 : i32
      %sign3A_1053 = arith.cmpi sgt, %jit3A_1043, %sign3A_1052 : i32
      %sign3A_1054 = arith.extui %sign3A_1053 : i1 to i32
      %sign3A_1055 = arith.constant 0 : i32
      %sign3A_1056 = arith.cmpi slt, %jit3A_1043, %sign3A_1055 : i32
      %sign3A_1057 = arith.extui %sign3A_1056 : i1 to i32
      %sign3A_1058 = arith.subi %sign3A_1054, %sign3A_1057 : i32
      %ne3A_1059 = arith.cmpi ne, %sign3A_1051, %sign3A_1058 : i32
      %rem3A_1060 = arith.remsi %add3A_1042, %jit3A_1043 : i32
      %ne3A_1061 = arith.constant 0 : i32
      %ne3A_1062 = arith.cmpi ne, %rem3A_1060, %ne3A_1061 : i32
      %and3A_1063 = arith.andi %ne3A_1059, %ne3A_1062 : i1
      %sub3A_1064 = arith.constant 1 : i32
      %sub3A_1065 = arith.subi %div3A_1044, %sub3A_1064 : i32
      %select_n3A_1066 = arith.select %and3A_1063, %sub3A_1065, %div3A_1044 : i32
      %mul3A_1067 = arith.constant 8 : i32
      %mul3A_1068 = arith.muli %select_n3A_1066, %mul3A_1067 : i32
      %jit3A_1069 = arith.constant 16 : i32
      %eq3A_1070 = arith.constant 0 : i32
      %eq3A_1071 = arith.cmpi eq, %jit3A_1069, %eq3A_1070 : i32
      %jit3A_1072 = arith.constant 1 : i32
      %select_n3A_1073 = arith.select %eq3A_1071, %jit3A_1072, %jit3A_1069 : i32
      %rem3A_1074 = arith.remsi %add3A_1042, %select_n3A_1073 : i32
      %ne3A_1075 = arith.constant 0 : i32
      %ne3A_1076 = arith.cmpi ne, %rem3A_1074, %ne3A_1075 : i32
      %lt3A_1077 = arith.constant 0 : i32
      %lt3A_1078 = arith.cmpi slt, %rem3A_1074, %lt3A_1077 : i32
      %lt3A_1079 = arith.constant 0 : i32
      %lt3A_1080 = arith.cmpi slt, %select_n3A_1073, %lt3A_1079 : i32
      %ne3A_1081 = arith.xori %lt3A_1078, %lt3A_1080 : i1
      %and3A_1082 = arith.andi %ne3A_1081, %ne3A_1076 : i1
      %add3A_1083 = arith.addi %rem3A_1074, %select_n3A_1073 : i32
      %select_n3A_1084 = arith.select %and3A_1082, %add3A_1083, %rem3A_1074 : i32
      %mul3A_1085 = arith.constant 4096 : i32
      %mul3A_1086 = arith.muli %select_n3A_1084, %mul3A_1085 : i32
      %dma_start3A_1087 = arith.constant 0 : i32
      %dma_start3A_1088 = arith.constant 0 : i32
      %dma_start3A_1089 = arith.constant 0 : i32
      %dma_start3A_1090 = tpu.memref_slice %arg6[%dma_start3A_1087, %dma_start3A_1088, %dma_start3A_1089] : memref<2x8x4096xf32, #tpu.memory_space<vmem>> -> memref<1x8x4096xf32, #tpu.memory_space<vmem>>
      %dma_start3A_1091 = tpu.memref_squeeze %dma_start3A_1090 : memref<1x8x4096xf32, #tpu.memory_space<vmem>> -> memref<8x4096xf32, #tpu.memory_space<vmem>>
      %dma_start3A_1092 = tpu.memref_slice %arg5[%mul3A_1068, %mul3A_1086] : memref<128x65536xf32, #tpu.memory_space<hbm>> -> memref<8x4096xf32, #tpu.memory_space<hbm>>
      %dma_start3A_1093 = tpu.memref_slice %arg5[%mul3A_1068, %mul3A_1086] : memref<128x65536xf32, #tpu.memory_space<hbm>> -> memref<8x4096xf32, #tpu.memory_space<hbm>>
      %dma_start3A_1094 = arith.constant 0 : i32
      %dma_start3A_1095 = arith.constant 0 : i32
      %dma_start3A_1096 = tpu.memref_slice %arg6[%dma_start3A_1087, %dma_start3A_1094, %dma_start3A_1095] : memref<2x8x4096xf32, #tpu.memory_space<vmem>> -> memref<1x8x4096xf32, #tpu.memory_space<vmem>>
      %dma_start3A_1097 = tpu.memref_squeeze %dma_start3A_1096 : memref<1x8x4096xf32, #tpu.memory_space<vmem>> -> memref<8x4096xf32, #tpu.memory_space<vmem>>
      tpu.enqueue_dma source(%dma_start3A_1097 : memref<8x4096xf32, #tpu.memory_space<vmem>>) target(%dma_start3A_1093 : memref<8x4096xf32, #tpu.memory_space<hbm>>) target_semaphore(%arg13 : memref<!tpu.dma_semaphore, #tpu.memory_space<semaphore_mem>>)
    } else {
    }
    %mul3A_742 = arith.constant 8 : i32
    %mul3A_743 = arith.muli %add3A, %mul3A_742 : i32
    %add3A_744 = arith.constant 7 : i32
    %add3A_745 = arith.addi %mul3A_743, %add3A_744 : i32
    %jit3A_746 = arith.constant 16 : i32
    %eq3A_747 = arith.constant 0 : i32
    %eq3A_748 = arith.cmpi eq, %jit3A_746, %eq3A_747 : i32
    %jit3A_749 = arith.constant 1 : i32
    %select_n3A_750 = arith.select %eq3A_748, %jit3A_749, %jit3A_746 : i32
    %rem3A_751 = arith.remsi %add3A_745, %select_n3A_750 : i32
    %ne3A_752 = arith.constant 0 : i32
    %ne3A_753 = arith.cmpi ne, %rem3A_751, %ne3A_752 : i32
    %lt3A_754 = arith.constant 0 : i32
    %lt3A_755 = arith.cmpi slt, %rem3A_751, %lt3A_754 : i32
    %lt3A_756 = arith.constant 0 : i32
    %lt3A_757 = arith.cmpi slt, %select_n3A_750, %lt3A_756 : i32
    %ne3A_758 = arith.xori %lt3A_755, %lt3A_757 : i1
    %and3A_759 = arith.andi %ne3A_758, %ne3A_753 : i1
    %add3A_760 = arith.addi %rem3A_751, %select_n3A_750 : i32
    %select_n3A_761 = arith.select %and3A_759, %add3A_760, %rem3A_751 : i32
    %eq3A_762 = arith.cmpi eq, %select_n3A_761, %select_n3A : i32
    %not3A_763 = arith.constant true
    %not3A_764 = arith.xori %eq3A_762, %not3A_763 : i1
    %convert_element_type3A_765 = arith.extui %not3A_764 : i1 to i32
    %cond3A_766 = arith.constant 0 : i32
    %cond3A_767 = arith.cmpi ne, %convert_element_type3A_765, %cond3A_766 : i32
    scf.if %cond3A_767 {
      %mul3A_980 = arith.constant 8 : i32
      %mul3A_981 = arith.muli %add3A, %mul3A_980 : i32
      %add3A_982 = arith.constant 7 : i32
      %add3A_983 = arith.addi %mul3A_981, %add3A_982 : i32
      %jit3A_984 = arith.constant 16 : i32
      %div3A_985 = arith.divsi %add3A_983, %jit3A_984 : i32
      %sign3A_986 = arith.constant 0 : i32
      %sign3A_987 = arith.cmpi sgt, %add3A_983, %sign3A_986 : i32
      %sign3A_988 = arith.extui %sign3A_987 : i1 to i32
      %sign3A_989 = arith.constant 0 : i32
      %sign3A_990 = arith.cmpi slt, %add3A_983, %sign3A_989 : i32
      %sign3A_991 = arith.extui %sign3A_990 : i1 to i32
      %sign3A_992 = arith.subi %sign3A_988, %sign3A_991 : i32
      %sign3A_993 = arith.constant 0 : i32
      %sign3A_994 = arith.cmpi sgt, %jit3A_984, %sign3A_993 : i32
      %sign3A_995 = arith.extui %sign3A_994 : i1 to i32
      %sign3A_996 = arith.constant 0 : i32
      %sign3A_997 = arith.cmpi slt, %jit3A_984, %sign3A_996 : i32
      %sign3A_998 = arith.extui %sign3A_997 : i1 to i32
      %sign3A_999 = arith.subi %sign3A_995, %sign3A_998 : i32
      %ne3A_1000 = arith.cmpi ne, %sign3A_992, %sign3A_999 : i32
      %rem3A_1001 = arith.remsi %add3A_983, %jit3A_984 : i32
      %ne3A_1002 = arith.constant 0 : i32
      %ne3A_1003 = arith.cmpi ne, %rem3A_1001, %ne3A_1002 : i32
      %and3A_1004 = arith.andi %ne3A_1000, %ne3A_1003 : i1
      %sub3A_1005 = arith.constant 1 : i32
      %sub3A_1006 = arith.subi %div3A_985, %sub3A_1005 : i32
      %select_n3A_1007 = arith.select %and3A_1004, %sub3A_1006, %div3A_985 : i32
      %mul3A_1008 = arith.constant 8 : i32
      %mul3A_1009 = arith.muli %select_n3A_1007, %mul3A_1008 : i32
      %jit3A_1010 = arith.constant 16 : i32
      %eq3A_1011 = arith.constant 0 : i32
      %eq3A_1012 = arith.cmpi eq, %jit3A_1010, %eq3A_1011 : i32
      %jit3A_1013 = arith.constant 1 : i32
      %select_n3A_1014 = arith.select %eq3A_1012, %jit3A_1013, %jit3A_1010 : i32
      %rem3A_1015 = arith.remsi %add3A_983, %select_n3A_1014 : i32
      %ne3A_1016 = arith.constant 0 : i32
      %ne3A_1017 = arith.cmpi ne, %rem3A_1015, %ne3A_1016 : i32
      %lt3A_1018 = arith.constant 0 : i32
      %lt3A_1019 = arith.cmpi slt, %rem3A_1015, %lt3A_1018 : i32
      %lt3A_1020 = arith.constant 0 : i32
      %lt3A_1021 = arith.cmpi slt, %select_n3A_1014, %lt3A_1020 : i32
      %ne3A_1022 = arith.xori %lt3A_1019, %lt3A_1021 : i1
      %and3A_1023 = arith.andi %ne3A_1022, %ne3A_1017 : i1
      %add3A_1024 = arith.addi %rem3A_1015, %select_n3A_1014 : i32
      %select_n3A_1025 = arith.select %and3A_1023, %add3A_1024, %rem3A_1015 : i32
      %mul3A_1026 = arith.constant 4096 : i32
      %mul3A_1027 = arith.muli %select_n3A_1025, %mul3A_1026 : i32
      %dma_wait3A_1028 = arith.constant 1 : i32
      %dma_wait3A_1029 = arith.constant 0 : i32
      %dma_wait3A_1030 = arith.constant 0 : i32
      %dma_wait3A_1031 = tpu.memref_slice %arg6[%dma_wait3A_1028, %dma_wait3A_1029, %dma_wait3A_1030] : memref<2x8x4096xf32, #tpu.memory_space<vmem>> -> memref<1x8x4096xf32, #tpu.memory_space<vmem>>
      %dma_wait3A_1032 = tpu.memref_squeeze %dma_wait3A_1031 : memref<1x8x4096xf32, #tpu.memory_space<vmem>> -> memref<8x4096xf32, #tpu.memory_space<vmem>>
      %dma_wait3A_1033 = tpu.memref_slice %arg2[%mul3A_1009, %mul3A_1027] : memref<128x65536xf32, #tpu.memory_space<hbm>> -> memref<8x4096xf32, #tpu.memory_space<hbm>>
      %dma_wait3A_1034 = arith.constant 0 : i32
      %dma_wait3A_1035 = arith.constant 0 : i32
      %dma_wait3A_1036 = tpu.memref_slice %arg6[%dma_wait3A_1028, %dma_wait3A_1034, %dma_wait3A_1035] : memref<2x8x4096xf32, #tpu.memory_space<vmem>> -> memref<1x8x4096xf32, #tpu.memory_space<vmem>>
      %dma_wait3A_1037 = tpu.memref_squeeze %dma_wait3A_1036 : memref<1x8x4096xf32, #tpu.memory_space<vmem>> -> memref<8x4096xf32, #tpu.memory_space<vmem>>
      %dma_wait3A_1038 = tpu.memref_slice %arg2[%mul3A_1009, %mul3A_1027] : memref<128x65536xf32, #tpu.memory_space<hbm>> -> memref<8x4096xf32, #tpu.memory_space<hbm>>
      tpu.wait_dma2 semaphore(%arg11 : memref<!tpu.dma_semaphore, #tpu.memory_space<semaphore_mem>>) src(%dma_wait3A_1038 : memref<8x4096xf32, #tpu.memory_space<hbm>>) dst(%dma_wait3A_1037 : memref<8x4096xf32, #tpu.memory_space<vmem>>)
      %mul3A_1039 = arith.constant 8 : i32
      %mul3A_1040 = arith.muli %add3A, %mul3A_1039 : i32
      %add3A_1041 = arith.constant 7 : i32
      %add3A_1042 = arith.addi %mul3A_1040, %add3A_1041 : i32
      %jit3A_1043 = arith.constant 16 : i32
      %div3A_1044 = arith.divsi %add3A_1042, %jit3A_1043 : i32
      %sign3A_1045 = arith.constant 0 : i32
      %sign3A_1046 = arith.cmpi sgt, %add3A_1042, %sign3A_1045 : i32
      %sign3A_1047 = arith.extui %sign3A_1046 : i1 to i32
      %sign3A_1048 = arith.constant 0 : i32
      %sign3A_1049 = arith.cmpi slt, %add3A_1042, %sign3A_1048 : i32
      %sign3A_1050 = arith.extui %sign3A_1049 : i1 to i32
      %sign3A_1051 = arith.subi %sign3A_1047, %sign3A_1050 : i32
      %sign3A_1052 = arith.constant 0 : i32
      %sign3A_1053 = arith.cmpi sgt, %jit3A_1043, %sign3A_1052 : i32
      %sign3A_1054 = arith.extui %sign3A_1053 : i1 to i32
      %sign3A_1055 = arith.constant 0 : i32
      %sign3A_1056 = arith.cmpi slt, %jit3A_1043, %sign3A_1055 : i32
      %sign3A_1057 = arith.extui %sign3A_1056 : i1 to i32
      %sign3A_1058 = arith.subi %sign3A_1054, %sign3A_1057 : i32
      %ne3A_1059 = arith.cmpi ne, %sign3A_1051, %sign3A_1058 : i32
      %rem3A_1060 = arith.remsi %add3A_1042, %jit3A_1043 : i32
      %ne3A_1061 = arith.constant 0 : i32
      %ne3A_1062 = arith.cmpi ne, %rem3A_1060, %ne3A_1061 : i32
      %and3A_1063 = arith.andi %ne3A_1059, %ne3A_1062 : i1
      %sub3A_1064 = arith.constant 1 : i32
      %sub3A_1065 = arith.subi %div3A_1044, %sub3A_1064 : i32
      %select_n3A_1066 = arith.select %and3A_1063, %sub3A_1065, %div3A_1044 : i32
      %mul3A_1067 = arith.constant 8 : i32
      %mul3A_1068 = arith.muli %select_n3A_1066, %mul3A_1067 : i32
      %jit3A_1069 = arith.constant 16 : i32
      %eq3A_1070 = arith.constant 0 : i32
      %eq3A_1071 = arith.cmpi eq, %jit3A_1069, %eq3A_1070 : i32
      %jit3A_1072 = arith.constant 1 : i32
      %select_n3A_1073 = arith.select %eq3A_1071, %jit3A_1072, %jit3A_1069 : i32
      %rem3A_1074 = arith.remsi %add3A_1042, %select_n3A_1073 : i32
      %ne3A_1075 = arith.constant 0 : i32
      %ne3A_1076 = arith.cmpi ne, %rem3A_1074, %ne3A_1075 : i32
      %lt3A_1077 = arith.constant 0 : i32
      %lt3A_1078 = arith.cmpi slt, %rem3A_1074, %lt3A_1077 : i32
      %lt3A_1079 = arith.constant 0 : i32
      %lt3A_1080 = arith.cmpi slt, %select_n3A_1073, %lt3A_1079 : i32
      %ne3A_1081 = arith.xori %lt3A_1078, %lt3A_1080 : i1
      %and3A_1082 = arith.andi %ne3A_1081, %ne3A_1076 : i1
      %add3A_1083 = arith.addi %rem3A_1074, %select_n3A_1073 : i32
      %select_n3A_1084 = arith.select %and3A_1082, %add3A_1083, %rem3A_1074 : i32
      %mul3A_1085 = arith.constant 4096 : i32
      %mul3A_1086 = arith.muli %select_n3A_1084, %mul3A_1085 : i32
      %dma_start3A_1087 = arith.constant 1 : i32
      %dma_start3A_1088 = arith.constant 0 : i32
      %dma_start3A_1089 = arith.constant 0 : i32
      %dma_start3A_1090 = tpu.memref_slice %arg6[%dma_start3A_1087, %dma_start3A_1088, %dma_start3A_1089] : memref<2x8x4096xf32, #tpu.memory_space<vmem>> -> memref<1x8x4096xf32, #tpu.memory_space<vmem>>
      %dma_start3A_1091 = tpu.memref_squeeze %dma_start3A_1090 : memref<1x8x4096xf32, #tpu.memory_space<vmem>> -> memref<8x4096xf32, #tpu.memory_space<vmem>>
      %dma_start3A_1092 = tpu.memref_slice %arg5[%mul3A_1068, %mul3A_1086] : memref<128x65536xf32, #tpu.memory_space<hbm>> -> memref<8x4096xf32, #tpu.memory_space<hbm>>
      %dma_start3A_1093 = tpu.memref_slice %arg5[%mul3A_1068, %mul3A_1086] : memref<128x65536xf32, #tpu.memory_space<hbm>> -> memref<8x4096xf32, #tpu.memory_space<hbm>>
      %dma_start3A_1094 = arith.constant 0 : i32
      %dma_start3A_1095 = arith.constant 0 : i32
      %dma_start3A_1096 = tpu.memref_slice %arg6[%dma_start3A_1087, %dma_start3A_1094, %dma_start3A_1095] : memref<2x8x4096xf32, #tpu.memory_space<vmem>> -> memref<1x8x4096xf32, #tpu.memory_space<vmem>>
      %dma_start3A_1097 = tpu.memref_squeeze %dma_start3A_1096 : memref<1x8x4096xf32, #tpu.memory_space<vmem>> -> memref<8x4096xf32, #tpu.memory_space<vmem>>
      tpu.enqueue_dma source(%dma_start3A_1097 : memref<8x4096xf32, #tpu.memory_space<vmem>>) target(%dma_start3A_1093 : memref<8x4096xf32, #tpu.memory_space<hbm>>) target_semaphore(%arg14 : memref<!tpu.dma_semaphore, #tpu.memory_space<semaphore_mem>>)
    } else {
    }
    %mul3A_768 = arith.constant 8 : i32
    %mul3A_769 = arith.muli %add3A, %mul3A_768 : i32
    %add3A_770 = arith.constant 6 : i32
    %add3A_771 = arith.addi %mul3A_769, %add3A_770 : i32
    %jit3A_772 = arith.constant 16 : i32
    %eq3A_773 = arith.constant 0 : i32
    %eq3A_774 = arith.cmpi eq, %jit3A_772, %eq3A_773 : i32
    %jit3A_775 = arith.constant 1 : i32
    %select_n3A_776 = arith.select %eq3A_774, %jit3A_775, %jit3A_772 : i32
    %rem3A_777 = arith.remsi %add3A_771, %select_n3A_776 : i32
    %ne3A_778 = arith.constant 0 : i32
    %ne3A_779 = arith.cmpi ne, %rem3A_777, %ne3A_778 : i32
    %lt3A_780 = arith.constant 0 : i32
    %lt3A_781 = arith.cmpi slt, %rem3A_777, %lt3A_780 : i32
    %lt3A_782 = arith.constant 0 : i32
    %lt3A_783 = arith.cmpi slt, %select_n3A_776, %lt3A_782 : i32
    %ne3A_784 = arith.xori %lt3A_781, %lt3A_783 : i1
    %and3A_785 = arith.andi %ne3A_784, %ne3A_779 : i1
    %add3A_786 = arith.addi %rem3A_777, %select_n3A_776 : i32
    %select_n3A_787 = arith.select %and3A_785, %add3A_786, %rem3A_777 : i32
    %eq3A_788 = arith.cmpi eq, %select_n3A_787, %select_n3A : i32
    %not3A_789 = arith.constant true
    %not3A_790 = arith.xori %eq3A_788, %not3A_789 : i1
    %convert_element_type3A_791 = arith.extui %not3A_790 : i1 to i32
    %cond3A_792 = arith.constant 0 : i32
    %cond3A_793 = arith.cmpi ne, %convert_element_type3A_791, %cond3A_792 : i32
    scf.if %cond3A_793 {
      %mul3A_980 = arith.constant 8 : i32
      %mul3A_981 = arith.muli %add3A, %mul3A_980 : i32
      %add3A_982 = arith.constant 6 : i32
      %add3A_983 = arith.addi %mul3A_981, %add3A_982 : i32
      %jit3A_984 = arith.constant 16 : i32
      %div3A_985 = arith.divsi %add3A_983, %jit3A_984 : i32
      %sign3A_986 = arith.constant 0 : i32
      %sign3A_987 = arith.cmpi sgt, %add3A_983, %sign3A_986 : i32
      %sign3A_988 = arith.extui %sign3A_987 : i1 to i32
      %sign3A_989 = arith.constant 0 : i32
      %sign3A_990 = arith.cmpi slt, %add3A_983, %sign3A_989 : i32
      %sign3A_991 = arith.extui %sign3A_990 : i1 to i32
      %sign3A_992 = arith.subi %sign3A_988, %sign3A_991 : i32
      %sign3A_993 = arith.constant 0 : i32
      %sign3A_994 = arith.cmpi sgt, %jit3A_984, %sign3A_993 : i32
      %sign3A_995 = arith.extui %sign3A_994 : i1 to i32
      %sign3A_996 = arith.constant 0 : i32
      %sign3A_997 = arith.cmpi slt, %jit3A_984, %sign3A_996 : i32
      %sign3A_998 = arith.extui %sign3A_997 : i1 to i32
      %sign3A_999 = arith.subi %sign3A_995, %sign3A_998 : i32
      %ne3A_1000 = arith.cmpi ne, %sign3A_992, %sign3A_999 : i32
      %rem3A_1001 = arith.remsi %add3A_983, %jit3A_984 : i32
      %ne3A_1002 = arith.constant 0 : i32
      %ne3A_1003 = arith.cmpi ne, %rem3A_1001, %ne3A_1002 : i32
      %and3A_1004 = arith.andi %ne3A_1000, %ne3A_1003 : i1
      %sub3A_1005 = arith.constant 1 : i32
      %sub3A_1006 = arith.subi %div3A_985, %sub3A_1005 : i32
      %select_n3A_1007 = arith.select %and3A_1004, %sub3A_1006, %div3A_985 : i32
      %mul3A_1008 = arith.constant 8 : i32
      %mul3A_1009 = arith.muli %select_n3A_1007, %mul3A_1008 : i32
      %jit3A_1010 = arith.constant 16 : i32
      %eq3A_1011 = arith.constant 0 : i32
      %eq3A_1012 = arith.cmpi eq, %jit3A_1010, %eq3A_1011 : i32
      %jit3A_1013 = arith.constant 1 : i32
      %select_n3A_1014 = arith.select %eq3A_1012, %jit3A_1013, %jit3A_1010 : i32
      %rem3A_1015 = arith.remsi %add3A_983, %select_n3A_1014 : i32
      %ne3A_1016 = arith.constant 0 : i32
      %ne3A_1017 = arith.cmpi ne, %rem3A_1015, %ne3A_1016 : i32
      %lt3A_1018 = arith.constant 0 : i32
      %lt3A_1019 = arith.cmpi slt, %rem3A_1015, %lt3A_1018 : i32
      %lt3A_1020 = arith.constant 0 : i32
      %lt3A_1021 = arith.cmpi slt, %select_n3A_1014, %lt3A_1020 : i32
      %ne3A_1022 = arith.xori %lt3A_1019, %lt3A_1021 : i1
      %and3A_1023 = arith.andi %ne3A_1022, %ne3A_1017 : i1
      %add3A_1024 = arith.addi %rem3A_1015, %select_n3A_1014 : i32
      %select_n3A_1025 = arith.select %and3A_1023, %add3A_1024, %rem3A_1015 : i32
      %mul3A_1026 = arith.constant 4096 : i32
      %mul3A_1027 = arith.muli %select_n3A_1025, %mul3A_1026 : i32
      %dma_wait3A_1028 = arith.constant 0 : i32
      %dma_wait3A_1029 = arith.constant 0 : i32
      %dma_wait3A_1030 = arith.constant 0 : i32
      %dma_wait3A_1031 = tpu.memref_slice %arg6[%dma_wait3A_1028, %dma_wait3A_1029, %dma_wait3A_1030] : memref<2x8x4096xf32, #tpu.memory_space<vmem>> -> memref<1x8x4096xf32, #tpu.memory_space<vmem>>
      %dma_wait3A_1032 = tpu.memref_squeeze %dma_wait3A_1031 : memref<1x8x4096xf32, #tpu.memory_space<vmem>> -> memref<8x4096xf32, #tpu.memory_space<vmem>>
      %dma_wait3A_1033 = tpu.memref_slice %arg5[%mul3A_1009, %mul3A_1027] : memref<128x65536xf32, #tpu.memory_space<hbm>> -> memref<8x4096xf32, #tpu.memory_space<hbm>>
      %dma_wait3A_1034 = tpu.memref_slice %arg5[%mul3A_1009, %mul3A_1027] : memref<128x65536xf32, #tpu.memory_space<hbm>> -> memref<8x4096xf32, #tpu.memory_space<hbm>>
      %dma_wait3A_1035 = arith.constant 0 : i32
      %dma_wait3A_1036 = arith.constant 0 : i32
      %dma_wait3A_1037 = tpu.memref_slice %arg6[%dma_wait3A_1028, %dma_wait3A_1035, %dma_wait3A_1036] : memref<2x8x4096xf32, #tpu.memory_space<vmem>> -> memref<1x8x4096xf32, #tpu.memory_space<vmem>>
      %dma_wait3A_1038 = tpu.memref_squeeze %dma_wait3A_1037 : memref<1x8x4096xf32, #tpu.memory_space<vmem>> -> memref<8x4096xf32, #tpu.memory_space<vmem>>
      tpu.wait_dma2 semaphore(%arg13 : memref<!tpu.dma_semaphore, #tpu.memory_space<semaphore_mem>>) src(%dma_wait3A_1038 : memref<8x4096xf32, #tpu.memory_space<vmem>>) dst(%dma_wait3A_1034 : memref<8x4096xf32, #tpu.memory_space<hbm>>)
    } else {
    }
    %mul3A_794 = arith.constant 8 : i32
    %mul3A_795 = arith.muli %add3A, %mul3A_794 : i32
    %add3A_796 = arith.constant 7 : i32
    %add3A_797 = arith.addi %mul3A_795, %add3A_796 : i32
    %jit3A_798 = arith.constant 16 : i32
    %eq3A_799 = arith.constant 0 : i32
    %eq3A_800 = arith.cmpi eq, %jit3A_798, %eq3A_799 : i32
    %jit3A_801 = arith.constant 1 : i32
    %select_n3A_802 = arith.select %eq3A_800, %jit3A_801, %jit3A_798 : i32
    %rem3A_803 = arith.remsi %add3A_797, %select_n3A_802 : i32
    %ne3A_804 = arith.constant 0 : i32
    %ne3A_805 = arith.cmpi ne, %rem3A_803, %ne3A_804 : i32
    %lt3A_806 = arith.constant 0 : i32
    %lt3A_807 = arith.cmpi slt, %rem3A_803, %lt3A_806 : i32
    %lt3A_808 = arith.constant 0 : i32
    %lt3A_809 = arith.cmpi slt, %select_n3A_802, %lt3A_808 : i32
    %ne3A_810 = arith.xori %lt3A_807, %lt3A_809 : i1
    %and3A_811 = arith.andi %ne3A_810, %ne3A_805 : i1
    %add3A_812 = arith.addi %rem3A_803, %select_n3A_802 : i32
    %select_n3A_813 = arith.select %and3A_811, %add3A_812, %rem3A_803 : i32
    %eq3A_814 = arith.cmpi eq, %select_n3A_813, %select_n3A : i32
    %not3A_815 = arith.constant true
    %not3A_816 = arith.xori %eq3A_814, %not3A_815 : i1
    %convert_element_type3A_817 = arith.extui %not3A_816 : i1 to i32
    %cond3A_818 = arith.constant 0 : i32
    %cond3A_819 = arith.cmpi ne, %convert_element_type3A_817, %cond3A_818 : i32
    scf.if %cond3A_819 {
      %mul3A_980 = arith.constant 8 : i32
      %mul3A_981 = arith.muli %add3A, %mul3A_980 : i32
      %add3A_982 = arith.constant 7 : i32
      %add3A_983 = arith.addi %mul3A_981, %add3A_982 : i32
      %jit3A_984 = arith.constant 16 : i32
      %div3A_985 = arith.divsi %add3A_983, %jit3A_984 : i32
      %sign3A_986 = arith.constant 0 : i32
      %sign3A_987 = arith.cmpi sgt, %add3A_983, %sign3A_986 : i32
      %sign3A_988 = arith.extui %sign3A_987 : i1 to i32
      %sign3A_989 = arith.constant 0 : i32
      %sign3A_990 = arith.cmpi slt, %add3A_983, %sign3A_989 : i32
      %sign3A_991 = arith.extui %sign3A_990 : i1 to i32
      %sign3A_992 = arith.subi %sign3A_988, %sign3A_991 : i32
      %sign3A_993 = arith.constant 0 : i32
      %sign3A_994 = arith.cmpi sgt, %jit3A_984, %sign3A_993 : i32
      %sign3A_995 = arith.extui %sign3A_994 : i1 to i32
      %sign3A_996 = arith.constant 0 : i32
      %sign3A_997 = arith.cmpi slt, %jit3A_984, %sign3A_996 : i32
      %sign3A_998 = arith.extui %sign3A_997 : i1 to i32
      %sign3A_999 = arith.subi %sign3A_995, %sign3A_998 : i32
      %ne3A_1000 = arith.cmpi ne, %sign3A_992, %sign3A_999 : i32
      %rem3A_1001 = arith.remsi %add3A_983, %jit3A_984 : i32
      %ne3A_1002 = arith.constant 0 : i32
      %ne3A_1003 = arith.cmpi ne, %rem3A_1001, %ne3A_1002 : i32
      %and3A_1004 = arith.andi %ne3A_1000, %ne3A_1003 : i1
      %sub3A_1005 = arith.constant 1 : i32
      %sub3A_1006 = arith.subi %div3A_985, %sub3A_1005 : i32
      %select_n3A_1007 = arith.select %and3A_1004, %sub3A_1006, %div3A_985 : i32
      %mul3A_1008 = arith.constant 8 : i32
      %mul3A_1009 = arith.muli %select_n3A_1007, %mul3A_1008 : i32
      %jit3A_1010 = arith.constant 16 : i32
      %eq3A_1011 = arith.constant 0 : i32
      %eq3A_1012 = arith.cmpi eq, %jit3A_1010, %eq3A_1011 : i32
      %jit3A_1013 = arith.constant 1 : i32
      %select_n3A_1014 = arith.select %eq3A_1012, %jit3A_1013, %jit3A_1010 : i32
      %rem3A_1015 = arith.remsi %add3A_983, %select_n3A_1014 : i32
      %ne3A_1016 = arith.constant 0 : i32
      %ne3A_1017 = arith.cmpi ne, %rem3A_1015, %ne3A_1016 : i32
      %lt3A_1018 = arith.constant 0 : i32
      %lt3A_1019 = arith.cmpi slt, %rem3A_1015, %lt3A_1018 : i32
      %lt3A_1020 = arith.constant 0 : i32
      %lt3A_1021 = arith.cmpi slt, %select_n3A_1014, %lt3A_1020 : i32
      %ne3A_1022 = arith.xori %lt3A_1019, %lt3A_1021 : i1
      %and3A_1023 = arith.andi %ne3A_1022, %ne3A_1017 : i1
      %add3A_1024 = arith.addi %rem3A_1015, %select_n3A_1014 : i32
      %select_n3A_1025 = arith.select %and3A_1023, %add3A_1024, %rem3A_1015 : i32
      %mul3A_1026 = arith.constant 4096 : i32
      %mul3A_1027 = arith.muli %select_n3A_1025, %mul3A_1026 : i32
      %dma_wait3A_1028 = arith.constant 1 : i32
      %dma_wait3A_1029 = arith.constant 0 : i32
      %dma_wait3A_1030 = arith.constant 0 : i32
      %dma_wait3A_1031 = tpu.memref_slice %arg6[%dma_wait3A_1028, %dma_wait3A_1029, %dma_wait3A_1030] : memref<2x8x4096xf32, #tpu.memory_space<vmem>> -> memref<1x8x4096xf32, #tpu.memory_space<vmem>>
      %dma_wait3A_1032 = tpu.memref_squeeze %dma_wait3A_1031 : memref<1x8x4096xf32, #tpu.memory_space<vmem>> -> memref<8x4096xf32, #tpu.memory_space<vmem>>
      %dma_wait3A_1033 = tpu.memref_slice %arg5[%mul3A_1009, %mul3A_1027] : memref<128x65536xf32, #tpu.memory_space<hbm>> -> memref<8x4096xf32, #tpu.memory_space<hbm>>
      %dma_wait3A_1034 = tpu.memref_slice %arg5[%mul3A_1009, %mul3A_1027] : memref<128x65536xf32, #tpu.memory_space<hbm>> -> memref<8x4096xf32, #tpu.memory_space<hbm>>
      %dma_wait3A_1035 = arith.constant 0 : i32
      %dma_wait3A_1036 = arith.constant 0 : i32
      %dma_wait3A_1037 = tpu.memref_slice %arg6[%dma_wait3A_1028, %dma_wait3A_1035, %dma_wait3A_1036] : memref<2x8x4096xf32, #tpu.memory_space<vmem>> -> memref<1x8x4096xf32, #tpu.memory_space<vmem>>
      %dma_wait3A_1038 = tpu.memref_squeeze %dma_wait3A_1037 : memref<1x8x4096xf32, #tpu.memory_space<vmem>> -> memref<8x4096xf32, #tpu.memory_space<vmem>>
      tpu.wait_dma2 semaphore(%arg14 : memref<!tpu.dma_semaphore, #tpu.memory_space<semaphore_mem>>) src(%dma_wait3A_1038 : memref<8x4096xf32, #tpu.memory_space<vmem>>) dst(%dma_wait3A_1034 : memref<8x4096xf32, #tpu.memory_space<hbm>>)
    } else {
    }
    %dma_wait3A_820 = arith.constant 0 : i32
    %dma_wait3A_821 = arith.constant 0 : i32
    %dma_wait3A_822 = tpu.memref_slice %arg8[%dma_wait3A_820, %dma_wait3A_821] : memref<128x128xf32, #tpu.memory_space<vmem>> -> memref<8x128xf32, #tpu.memory_space<vmem>>
    %dma_wait3A_823 = arith.constant 0 : i32
    %dma_wait3A_824 = tpu.memref_slice %arg5[%dma_wait3A_823, %mul3A_87] : memref<128x65536xf32, #tpu.memory_space<hbm>> -> memref<8x128xf32, #tpu.memory_space<hbm>>
    %dma_wait3A_825 = arith.constant 0 : i32
    %dma_wait3A_826 = tpu.memref_slice %arg5[%dma_wait3A_825, %mul3A_87] : memref<128x65536xf32, #tpu.memory_space<hbm>> -> memref<8x128xf32, #tpu.memory_space<hbm>>
    %dma_wait3A_827 = arith.constant 0 : i32
    %dma_wait3A_828 = arith.constant 0 : i32
    %dma_wait3A_829 = tpu.memref_slice %arg8[%dma_wait3A_827, %dma_wait3A_828] : memref<128x128xf32, #tpu.memory_space<vmem>> -> memref<8x128xf32, #tpu.memory_space<vmem>>
    tpu.wait_dma2 semaphore(%arg17 : memref<!tpu.dma_semaphore, #tpu.memory_space<semaphore_mem>>) src(%dma_wait3A_829 : memref<8x128xf32, #tpu.memory_space<vmem>>) dst(%dma_wait3A_826 : memref<8x128xf32, #tpu.memory_space<hbm>>)
    %dma_wait3A_830 = arith.constant 8 : i32
    %dma_wait3A_831 = arith.constant 0 : i32
    %dma_wait3A_832 = tpu.memref_slice %arg8[%dma_wait3A_830, %dma_wait3A_831] : memref<128x128xf32, #tpu.memory_space<vmem>> -> memref<8x128xf32, #tpu.memory_space<vmem>>
    %dma_wait3A_833 = arith.constant 8 : i32
    %dma_wait3A_834 = tpu.memref_slice %arg5[%dma_wait3A_833, %mul3A_87] : memref<128x65536xf32, #tpu.memory_space<hbm>> -> memref<8x128xf32, #tpu.memory_space<hbm>>
    %dma_wait3A_835 = arith.constant 8 : i32
    %dma_wait3A_836 = tpu.memref_slice %arg5[%dma_wait3A_835, %mul3A_87] : memref<128x65536xf32, #tpu.memory_space<hbm>> -> memref<8x128xf32, #tpu.memory_space<hbm>>
    %dma_wait3A_837 = arith.constant 8 : i32
    %dma_wait3A_838 = arith.constant 0 : i32
    %dma_wait3A_839 = tpu.memref_slice %arg8[%dma_wait3A_837, %dma_wait3A_838] : memref<128x128xf32, #tpu.memory_space<vmem>> -> memref<8x128xf32, #tpu.memory_space<vmem>>
    tpu.wait_dma2 semaphore(%arg17 : memref<!tpu.dma_semaphore, #tpu.memory_space<semaphore_mem>>) src(%dma_wait3A_839 : memref<8x128xf32, #tpu.memory_space<vmem>>) dst(%dma_wait3A_836 : memref<8x128xf32, #tpu.memory_space<hbm>>)
    %dma_wait3A_840 = arith.constant 16 : i32
    %dma_wait3A_841 = arith.constant 0 : i32
    %dma_wait3A_842 = tpu.memref_slice %arg8[%dma_wait3A_840, %dma_wait3A_841] : memref<128x128xf32, #tpu.memory_space<vmem>> -> memref<8x128xf32, #tpu.memory_space<vmem>>
    %dma_wait3A_843 = arith.constant 16 : i32
    %dma_wait3A_844 = tpu.memref_slice %arg5[%dma_wait3A_843, %mul3A_87] : memref<128x65536xf32, #tpu.memory_space<hbm>> -> memref<8x128xf32, #tpu.memory_space<hbm>>
    %dma_wait3A_845 = arith.constant 16 : i32
    %dma_wait3A_846 = tpu.memref_slice %arg5[%dma_wait3A_845, %mul3A_87] : memref<128x65536xf32, #tpu.memory_space<hbm>> -> memref<8x128xf32, #tpu.memory_space<hbm>>
    %dma_wait3A_847 = arith.constant 16 : i32
    %dma_wait3A_848 = arith.constant 0 : i32
    %dma_wait3A_849 = tpu.memref_slice %arg8[%dma_wait3A_847, %dma_wait3A_848] : memref<128x128xf32, #tpu.memory_space<vmem>> -> memref<8x128xf32, #tpu.memory_space<vmem>>
    tpu.wait_dma2 semaphore(%arg17 : memref<!tpu.dma_semaphore, #tpu.memory_space<semaphore_mem>>) src(%dma_wait3A_849 : memref<8x128xf32, #tpu.memory_space<vmem>>) dst(%dma_wait3A_846 : memref<8x128xf32, #tpu.memory_space<hbm>>)
    %dma_wait3A_850 = arith.constant 24 : i32
    %dma_wait3A_851 = arith.constant 0 : i32
    %dma_wait3A_852 = tpu.memref_slice %arg8[%dma_wait3A_850, %dma_wait3A_851] : memref<128x128xf32, #tpu.memory_space<vmem>> -> memref<8x128xf32, #tpu.memory_space<vmem>>
    %dma_wait3A_853 = arith.constant 24 : i32
    %dma_wait3A_854 = tpu.memref_slice %arg5[%dma_wait3A_853, %mul3A_87] : memref<128x65536xf32, #tpu.memory_space<hbm>> -> memref<8x128xf32, #tpu.memory_space<hbm>>
    %dma_wait3A_855 = arith.constant 24 : i32
    %dma_wait3A_856 = tpu.memref_slice %arg5[%dma_wait3A_855, %mul3A_87] : memref<128x65536xf32, #tpu.memory_space<hbm>> -> memref<8x128xf32, #tpu.memory_space<hbm>>
    %dma_wait3A_857 = arith.constant 24 : i32
    %dma_wait3A_858 = arith.constant 0 : i32
    %dma_wait3A_859 = tpu.memref_slice %arg8[%dma_wait3A_857, %dma_wait3A_858] : memref<128x128xf32, #tpu.memory_space<vmem>> -> memref<8x128xf32, #tpu.memory_space<vmem>>
    tpu.wait_dma2 semaphore(%arg17 : memref<!tpu.dma_semaphore, #tpu.memory_space<semaphore_mem>>) src(%dma_wait3A_859 : memref<8x128xf32, #tpu.memory_space<vmem>>) dst(%dma_wait3A_856 : memref<8x128xf32, #tpu.memory_space<hbm>>)
    %dma_wait3A_860 = arith.constant 32 : i32
    %dma_wait3A_861 = arith.constant 0 : i32
    %dma_wait3A_862 = tpu.memref_slice %arg8[%dma_wait3A_860, %dma_wait3A_861] : memref<128x128xf32, #tpu.memory_space<vmem>> -> memref<8x128xf32, #tpu.memory_space<vmem>>
    %dma_wait3A_863 = arith.constant 32 : i32
    %dma_wait3A_864 = tpu.memref_slice %arg5[%dma_wait3A_863, %mul3A_87] : memref<128x65536xf32, #tpu.memory_space<hbm>> -> memref<8x128xf32, #tpu.memory_space<hbm>>
    %dma_wait3A_865 = arith.constant 32 : i32
    %dma_wait3A_866 = tpu.memref_slice %arg5[%dma_wait3A_865, %mul3A_87] : memref<128x65536xf32, #tpu.memory_space<hbm>> -> memref<8x128xf32, #tpu.memory_space<hbm>>
    %dma_wait3A_867 = arith.constant 32 : i32
    %dma_wait3A_868 = arith.constant 0 : i32
    %dma_wait3A_869 = tpu.memref_slice %arg8[%dma_wait3A_867, %dma_wait3A_868] : memref<128x128xf32, #tpu.memory_space<vmem>> -> memref<8x128xf32, #tpu.memory_space<vmem>>
    tpu.wait_dma2 semaphore(%arg17 : memref<!tpu.dma_semaphore, #tpu.memory_space<semaphore_mem>>) src(%dma_wait3A_869 : memref<8x128xf32, #tpu.memory_space<vmem>>) dst(%dma_wait3A_866 : memref<8x128xf32, #tpu.memory_space<hbm>>)
    %dma_wait3A_870 = arith.constant 40 : i32
    %dma_wait3A_871 = arith.constant 0 : i32
    %dma_wait3A_872 = tpu.memref_slice %arg8[%dma_wait3A_870, %dma_wait3A_871] : memref<128x128xf32, #tpu.memory_space<vmem>> -> memref<8x128xf32, #tpu.memory_space<vmem>>
    %dma_wait3A_873 = arith.constant 40 : i32
    %dma_wait3A_874 = tpu.memref_slice %arg5[%dma_wait3A_873, %mul3A_87] : memref<128x65536xf32, #tpu.memory_space<hbm>> -> memref<8x128xf32, #tpu.memory_space<hbm>>
    %dma_wait3A_875 = arith.constant 40 : i32
    %dma_wait3A_876 = tpu.memref_slice %arg5[%dma_wait3A_875, %mul3A_87] : memref<128x65536xf32, #tpu.memory_space<hbm>> -> memref<8x128xf32, #tpu.memory_space<hbm>>
    %dma_wait3A_877 = arith.constant 40 : i32
    %dma_wait3A_878 = arith.constant 0 : i32
    %dma_wait3A_879 = tpu.memref_slice %arg8[%dma_wait3A_877, %dma_wait3A_878] : memref<128x128xf32, #tpu.memory_space<vmem>> -> memref<8x128xf32, #tpu.memory_space<vmem>>
    tpu.wait_dma2 semaphore(%arg17 : memref<!tpu.dma_semaphore, #tpu.memory_space<semaphore_mem>>) src(%dma_wait3A_879 : memref<8x128xf32, #tpu.memory_space<vmem>>) dst(%dma_wait3A_876 : memref<8x128xf32, #tpu.memory_space<hbm>>)
    %dma_wait3A_880 = arith.constant 48 : i32
    %dma_wait3A_881 = arith.constant 0 : i32
    %dma_wait3A_882 = tpu.memref_slice %arg8[%dma_wait3A_880, %dma_wait3A_881] : memref<128x128xf32, #tpu.memory_space<vmem>> -> memref<8x128xf32, #tpu.memory_space<vmem>>
    %dma_wait3A_883 = arith.constant 48 : i32
    %dma_wait3A_884 = tpu.memref_slice %arg5[%dma_wait3A_883, %mul3A_87] : memref<128x65536xf32, #tpu.memory_space<hbm>> -> memref<8x128xf32, #tpu.memory_space<hbm>>
    %dma_wait3A_885 = arith.constant 48 : i32
    %dma_wait3A_886 = tpu.memref_slice %arg5[%dma_wait3A_885, %mul3A_87] : memref<128x65536xf32, #tpu.memory_space<hbm>> -> memref<8x128xf32, #tpu.memory_space<hbm>>
    %dma_wait3A_887 = arith.constant 48 : i32
    %dma_wait3A_888 = arith.constant 0 : i32
    %dma_wait3A_889 = tpu.memref_slice %arg8[%dma_wait3A_887, %dma_wait3A_888] : memref<128x128xf32, #tpu.memory_space<vmem>> -> memref<8x128xf32, #tpu.memory_space<vmem>>
    tpu.wait_dma2 semaphore(%arg17 : memref<!tpu.dma_semaphore, #tpu.memory_space<semaphore_mem>>) src(%dma_wait3A_889 : memref<8x128xf32, #tpu.memory_space<vmem>>) dst(%dma_wait3A_886 : memref<8x128xf32, #tpu.memory_space<hbm>>)
    %dma_wait3A_890 = arith.constant 56 : i32
    %dma_wait3A_891 = arith.constant 0 : i32
    %dma_wait3A_892 = tpu.memref_slice %arg8[%dma_wait3A_890, %dma_wait3A_891] : memref<128x128xf32, #tpu.memory_space<vmem>> -> memref<8x128xf32, #tpu.memory_space<vmem>>
    %dma_wait3A_893 = arith.constant 56 : i32
    %dma_wait3A_894 = tpu.memref_slice %arg5[%dma_wait3A_893, %mul3A_87] : memref<128x65536xf32, #tpu.memory_space<hbm>> -> memref<8x128xf32, #tpu.memory_space<hbm>>
    %dma_wait3A_895 = arith.constant 56 : i32
    %dma_wait3A_896 = tpu.memref_slice %arg5[%dma_wait3A_895, %mul3A_87] : memref<128x65536xf32, #tpu.memory_space<hbm>> -> memref<8x128xf32, #tpu.memory_space<hbm>>
    %dma_wait3A_897 = arith.constant 56 : i32
    %dma_wait3A_898 = arith.constant 0 : i32
    %dma_wait3A_899 = tpu.memref_slice %arg8[%dma_wait3A_897, %dma_wait3A_898] : memref<128x128xf32, #tpu.memory_space<vmem>> -> memref<8x128xf32, #tpu.memory_space<vmem>>
    tpu.wait_dma2 semaphore(%arg17 : memref<!tpu.dma_semaphore, #tpu.memory_space<semaphore_mem>>) src(%dma_wait3A_899 : memref<8x128xf32, #tpu.memory_space<vmem>>) dst(%dma_wait3A_896 : memref<8x128xf32, #tpu.memory_space<hbm>>)
    %dma_wait3A_900 = arith.constant 64 : i32
    %dma_wait3A_901 = arith.constant 0 : i32
    %dma_wait3A_902 = tpu.memref_slice %arg8[%dma_wait3A_900, %dma_wait3A_901] : memref<128x128xf32, #tpu.memory_space<vmem>> -> memref<8x128xf32, #tpu.memory_space<vmem>>
    %dma_wait3A_903 = arith.constant 64 : i32
    %dma_wait3A_904 = tpu.memref_slice %arg5[%dma_wait3A_903, %mul3A_87] : memref<128x65536xf32, #tpu.memory_space<hbm>> -> memref<8x128xf32, #tpu.memory_space<hbm>>
    %dma_wait3A_905 = arith.constant 64 : i32
    %dma_wait3A_906 = tpu.memref_slice %arg5[%dma_wait3A_905, %mul3A_87] : memref<128x65536xf32, #tpu.memory_space<hbm>> -> memref<8x128xf32, #tpu.memory_space<hbm>>
    %dma_wait3A_907 = arith.constant 64 : i32
    %dma_wait3A_908 = arith.constant 0 : i32
    %dma_wait3A_909 = tpu.memref_slice %arg8[%dma_wait3A_907, %dma_wait3A_908] : memref<128x128xf32, #tpu.memory_space<vmem>> -> memref<8x128xf32, #tpu.memory_space<vmem>>
    tpu.wait_dma2 semaphore(%arg17 : memref<!tpu.dma_semaphore, #tpu.memory_space<semaphore_mem>>) src(%dma_wait3A_909 : memref<8x128xf32, #tpu.memory_space<vmem>>) dst(%dma_wait3A_906 : memref<8x128xf32, #tpu.memory_space<hbm>>)
    %dma_wait3A_910 = arith.constant 72 : i32
    %dma_wait3A_911 = arith.constant 0 : i32
    %dma_wait3A_912 = tpu.memref_slice %arg8[%dma_wait3A_910, %dma_wait3A_911] : memref<128x128xf32, #tpu.memory_space<vmem>> -> memref<8x128xf32, #tpu.memory_space<vmem>>
    %dma_wait3A_913 = arith.constant 72 : i32
    %dma_wait3A_914 = tpu.memref_slice %arg5[%dma_wait3A_913, %mul3A_87] : memref<128x65536xf32, #tpu.memory_space<hbm>> -> memref<8x128xf32, #tpu.memory_space<hbm>>
    %dma_wait3A_915 = arith.constant 72 : i32
    %dma_wait3A_916 = tpu.memref_slice %arg5[%dma_wait3A_915, %mul3A_87] : memref<128x65536xf32, #tpu.memory_space<hbm>> -> memref<8x128xf32, #tpu.memory_space<hbm>>
    %dma_wait3A_917 = arith.constant 72 : i32
    %dma_wait3A_918 = arith.constant 0 : i32
    %dma_wait3A_919 = tpu.memref_slice %arg8[%dma_wait3A_917, %dma_wait3A_918] : memref<128x128xf32, #tpu.memory_space<vmem>> -> memref<8x128xf32, #tpu.memory_space<vmem>>
    tpu.wait_dma2 semaphore(%arg17 : memref<!tpu.dma_semaphore, #tpu.memory_space<semaphore_mem>>) src(%dma_wait3A_919 : memref<8x128xf32, #tpu.memory_space<vmem>>) dst(%dma_wait3A_916 : memref<8x128xf32, #tpu.memory_space<hbm>>)
    %dma_wait3A_920 = arith.constant 80 : i32
    %dma_wait3A_921 = arith.constant 0 : i32
    %dma_wait3A_922 = tpu.memref_slice %arg8[%dma_wait3A_920, %dma_wait3A_921] : memref<128x128xf32, #tpu.memory_space<vmem>> -> memref<8x128xf32, #tpu.memory_space<vmem>>
    %dma_wait3A_923 = arith.constant 80 : i32
    %dma_wait3A_924 = tpu.memref_slice %arg5[%dma_wait3A_923, %mul3A_87] : memref<128x65536xf32, #tpu.memory_space<hbm>> -> memref<8x128xf32, #tpu.memory_space<hbm>>
    %dma_wait3A_925 = arith.constant 80 : i32
    %dma_wait3A_926 = tpu.memref_slice %arg5[%dma_wait3A_925, %mul3A_87] : memref<128x65536xf32, #tpu.memory_space<hbm>> -> memref<8x128xf32, #tpu.memory_space<hbm>>
    %dma_wait3A_927 = arith.constant 80 : i32
    %dma_wait3A_928 = arith.constant 0 : i32
    %dma_wait3A_929 = tpu.memref_slice %arg8[%dma_wait3A_927, %dma_wait3A_928] : memref<128x128xf32, #tpu.memory_space<vmem>> -> memref<8x128xf32, #tpu.memory_space<vmem>>
    tpu.wait_dma2 semaphore(%arg17 : memref<!tpu.dma_semaphore, #tpu.memory_space<semaphore_mem>>) src(%dma_wait3A_929 : memref<8x128xf32, #tpu.memory_space<vmem>>) dst(%dma_wait3A_926 : memref<8x128xf32, #tpu.memory_space<hbm>>)
    %dma_wait3A_930 = arith.constant 88 : i32
    %dma_wait3A_931 = arith.constant 0 : i32
    %dma_wait3A_932 = tpu.memref_slice %arg8[%dma_wait3A_930, %dma_wait3A_931] : memref<128x128xf32, #tpu.memory_space<vmem>> -> memref<8x128xf32, #tpu.memory_space<vmem>>
    %dma_wait3A_933 = arith.constant 88 : i32
    %dma_wait3A_934 = tpu.memref_slice %arg5[%dma_wait3A_933, %mul3A_87] : memref<128x65536xf32, #tpu.memory_space<hbm>> -> memref<8x128xf32, #tpu.memory_space<hbm>>
    %dma_wait3A_935 = arith.constant 88 : i32
    %dma_wait3A_936 = tpu.memref_slice %arg5[%dma_wait3A_935, %mul3A_87] : memref<128x65536xf32, #tpu.memory_space<hbm>> -> memref<8x128xf32, #tpu.memory_space<hbm>>
    %dma_wait3A_937 = arith.constant 88 : i32
    %dma_wait3A_938 = arith.constant 0 : i32
    %dma_wait3A_939 = tpu.memref_slice %arg8[%dma_wait3A_937, %dma_wait3A_938] : memref<128x128xf32, #tpu.memory_space<vmem>> -> memref<8x128xf32, #tpu.memory_space<vmem>>
    tpu.wait_dma2 semaphore(%arg17 : memref<!tpu.dma_semaphore, #tpu.memory_space<semaphore_mem>>) src(%dma_wait3A_939 : memref<8x128xf32, #tpu.memory_space<vmem>>) dst(%dma_wait3A_936 : memref<8x128xf32, #tpu.memory_space<hbm>>)
    %dma_wait3A_940 = arith.constant 96 : i32
    %dma_wait3A_941 = arith.constant 0 : i32
    %dma_wait3A_942 = tpu.memref_slice %arg8[%dma_wait3A_940, %dma_wait3A_941] : memref<128x128xf32, #tpu.memory_space<vmem>> -> memref<8x128xf32, #tpu.memory_space<vmem>>
    %dma_wait3A_943 = arith.constant 96 : i32
    %dma_wait3A_944 = tpu.memref_slice %arg5[%dma_wait3A_943, %mul3A_87] : memref<128x65536xf32, #tpu.memory_space<hbm>> -> memref<8x128xf32, #tpu.memory_space<hbm>>
    %dma_wait3A_945 = arith.constant 96 : i32
    %dma_wait3A_946 = tpu.memref_slice %arg5[%dma_wait3A_945, %mul3A_87] : memref<128x65536xf32, #tpu.memory_space<hbm>> -> memref<8x128xf32, #tpu.memory_space<hbm>>
    %dma_wait3A_947 = arith.constant 96 : i32
    %dma_wait3A_948 = arith.constant 0 : i32
    %dma_wait3A_949 = tpu.memref_slice %arg8[%dma_wait3A_947, %dma_wait3A_948] : memref<128x128xf32, #tpu.memory_space<vmem>> -> memref<8x128xf32, #tpu.memory_space<vmem>>
    tpu.wait_dma2 semaphore(%arg17 : memref<!tpu.dma_semaphore, #tpu.memory_space<semaphore_mem>>) src(%dma_wait3A_949 : memref<8x128xf32, #tpu.memory_space<vmem>>) dst(%dma_wait3A_946 : memref<8x128xf32, #tpu.memory_space<hbm>>)
    %dma_wait3A_950 = arith.constant 104 : i32
    %dma_wait3A_951 = arith.constant 0 : i32
    %dma_wait3A_952 = tpu.memref_slice %arg8[%dma_wait3A_950, %dma_wait3A_951] : memref<128x128xf32, #tpu.memory_space<vmem>> -> memref<8x128xf32, #tpu.memory_space<vmem>>
    %dma_wait3A_953 = arith.constant 104 : i32
    %dma_wait3A_954 = tpu.memref_slice %arg5[%dma_wait3A_953, %mul3A_87] : memref<128x65536xf32, #tpu.memory_space<hbm>> -> memref<8x128xf32, #tpu.memory_space<hbm>>
    %dma_wait3A_955 = arith.constant 104 : i32
    %dma_wait3A_956 = tpu.memref_slice %arg5[%dma_wait3A_955, %mul3A_87] : memref<128x65536xf32, #tpu.memory_space<hbm>> -> memref<8x128xf32, #tpu.memory_space<hbm>>
    %dma_wait3A_957 = arith.constant 104 : i32
    %dma_wait3A_958 = arith.constant 0 : i32
    %dma_wait3A_959 = tpu.memref_slice %arg8[%dma_wait3A_957, %dma_wait3A_958] : memref<128x128xf32, #tpu.memory_space<vmem>> -> memref<8x128xf32, #tpu.memory_space<vmem>>
    tpu.wait_dma2 semaphore(%arg17 : memref<!tpu.dma_semaphore, #tpu.memory_space<semaphore_mem>>) src(%dma_wait3A_959 : memref<8x128xf32, #tpu.memory_space<vmem>>) dst(%dma_wait3A_956 : memref<8x128xf32, #tpu.memory_space<hbm>>)
    %dma_wait3A_960 = arith.constant 112 : i32
    %dma_wait3A_961 = arith.constant 0 : i32
    %dma_wait3A_962 = tpu.memref_slice %arg8[%dma_wait3A_960, %dma_wait3A_961] : memref<128x128xf32, #tpu.memory_space<vmem>> -> memref<8x128xf32, #tpu.memory_space<vmem>>
    %dma_wait3A_963 = arith.constant 112 : i32
    %dma_wait3A_964 = tpu.memref_slice %arg5[%dma_wait3A_963, %mul3A_87] : memref<128x65536xf32, #tpu.memory_space<hbm>> -> memref<8x128xf32, #tpu.memory_space<hbm>>
    %dma_wait3A_965 = arith.constant 112 : i32
    %dma_wait3A_966 = tpu.memref_slice %arg5[%dma_wait3A_965, %mul3A_87] : memref<128x65536xf32, #tpu.memory_space<hbm>> -> memref<8x128xf32, #tpu.memory_space<hbm>>
    %dma_wait3A_967 = arith.constant 112 : i32
    %dma_wait3A_968 = arith.constant 0 : i32
    %dma_wait3A_969 = tpu.memref_slice %arg8[%dma_wait3A_967, %dma_wait3A_968] : memref<128x128xf32, #tpu.memory_space<vmem>> -> memref<8x128xf32, #tpu.memory_space<vmem>>
    tpu.wait_dma2 semaphore(%arg17 : memref<!tpu.dma_semaphore, #tpu.memory_space<semaphore_mem>>) src(%dma_wait3A_969 : memref<8x128xf32, #tpu.memory_space<vmem>>) dst(%dma_wait3A_966 : memref<8x128xf32, #tpu.memory_space<hbm>>)
    %dma_wait3A_970 = arith.constant 120 : i32
    %dma_wait3A_971 = arith.constant 0 : i32
    %dma_wait3A_972 = tpu.memref_slice %arg8[%dma_wait3A_970, %dma_wait3A_971] : memref<128x128xf32, #tpu.memory_space<vmem>> -> memref<8x128xf32, #tpu.memory_space<vmem>>
    %dma_wait3A_973 = arith.constant 120 : i32
    %dma_wait3A_974 = tpu.memref_slice %arg5[%dma_wait3A_973, %mul3A_87] : memref<128x65536xf32, #tpu.memory_space<hbm>> -> memref<8x128xf32, #tpu.memory_space<hbm>>
    %dma_wait3A_975 = arith.constant 120 : i32
    %dma_wait3A_976 = tpu.memref_slice %arg5[%dma_wait3A_975, %mul3A_87] : memref<128x65536xf32, #tpu.memory_space<hbm>> -> memref<8x128xf32, #tpu.memory_space<hbm>>
    %dma_wait3A_977 = arith.constant 120 : i32
    %dma_wait3A_978 = arith.constant 0 : i32
    %dma_wait3A_979 = tpu.memref_slice %arg8[%dma_wait3A_977, %dma_wait3A_978] : memref<128x128xf32, #tpu.memory_space<vmem>> -> memref<8x128xf32, #tpu.memory_space<vmem>>
    tpu.wait_dma2 semaphore(%arg17 : memref<!tpu.dma_semaphore, #tpu.memory_space<semaphore_mem>>) src(%dma_wait3A_979 : memref<8x128xf32, #tpu.memory_space<vmem>>) dst(%dma_wait3A_976 : memref<8x128xf32, #tpu.memory_space<hbm>>)
    return
  }
}

</mosaic_0001>

<sc_bundles>
// kernel: kernel.3.cloned.1.call-start
scs
__scs_entry_jumppad:
0x0: {  	(pc) =	sbr.rel $0x88, $3  }
0x1: {  	(tag) =	ssettag $0x0;
	lr =	simm.s32 $0x1  }
0x2: {  	[smem:$0x3F9E] =	sst lr;
	_ =	strace $0xD0000000  }
0x3: {  	_ = 	snop  }
0x4: {  	_ = 	snop  }
0x5: {  	_ = 	snop  }
0x6: {  	_ = 	snop  }
0x7: {  	_ = 	snop  }
__scs_overlays_trampoline_lowered:
0x8: {  	[smem:$0x3FAD] =	sst s0  }
0x9: {  	[smem:$0x3FAE] =	sst s1  }
0xa: {  	[smem:$0x3FAF] =	sst s2  }
0xb: {  	[smem:$0x3FB0] =	sst s3  }
0xc: {  	[smem:$0x3FB1] =	sst s4  }
0xd: {  	[smem:$0x3FB2] =	sst s5  }
0xe: {  	[smem:$0x3FB3] =	sst s6  }
0xf: {  	[smem:$0x3FB4] =	sst s7  }
0x10: {  	[smem:$0x3FB5] =	sst s8  }
0x11: {  	[smem:$0x3FB6] =	sst s9;
	s0 =	simm.s32 @!p0 $0x0  }
0x12: {  	s1 =	sld [smem:$0x3F9C];
	s0 =	simm.s32 @p0 $0x1  }
0x13: {  	[smem:$0x3FB7] =	sst s0;
	s0 =	simm.s32 @!p1 $0x0  }
0x14: {  	s2 =	sld [smem:$0x3F9B];
	s0 =	simm.s32 @p1 $0x1  }
0x15: {  	[smem:$0x3FB8] =	sst s0;
	s0 =	simm.s32 @!p2 $0x0  }
0x16: {  	s3 =	sld [smem:$0x3FDB];
	s0 =	simm.s32 @p2 $0x1  }
0x17: {  	s4 =	simm.s32 $0x1BF5;
	[smem:$0x3FBA] =	sst s0  }
0x18: {  	s0 =	sld [smem:$0x3F9D];
	_ =	swait.ge [sflag:s4], $0x0  }
0x19: {  	s7 =	sld [smem:$0x3F9E]  }
0x1a: {  	s8 =	sadd.s32 $0xFFFFE003, lr  }
0x1b: {  	s9 =	sadd.s32 $0xFFFFFEF7, lr;
	s5 =	simm.s32 $0xFFFFFFFF;
	p2 =	slt.u32 s8, $0xFFFFF086  }
0x1c: {  	p1 =	slt.u32 s9, $0xF7A;
	s5 =	simm.s32 @!p2 $0x0  }
0x1d: {  	s5 =	simm.s32 @p1 $0x1;
	p0 =	seq.s32 s7, s2  }
0x1e: {  	s7 =	smul.u32 @!p0 $0xF7A, s2;
	p2 =	seq.s32 @!p0 s5, $0x0  }
0x1f: {  	s9 =	smul.u32 $0xF7A, s1;
	s8 =	simm.s32 @!p0 $0x1BF5;
	p2 =	por !p2, p0  }
0x20: {  	[sflag:s8] =	ssyncset.s32 @!p0 $0xFFFFF086;
	s6 =	sadd.s32 @!p0 s3, s7;
	s7 =	simm.s32 @!p0 $0x108  }
0x21: {  	s3 =	sadd.s32 s3, s9;
	s6 =	sadd.s32 @!p0 $0x88, s6;
	s7 =	simm.s32 @p2 $0x1082  }
0x22: {  	[simem:s7], [sflag:s8] =	dma.local @!p0 [hbm:s6], $0xF7A  }
0x23: {  	s9 =	sor.u32 $0xD0000000, s2;
	s6 =	simm.s32 $0x108;
	_ =	swait.ge @!p0 [sflag:s8], $0x0  }
0x24: {  	s3 =	sadd.s32 $0x88, s3;
	s6 =	simm.s32 @!p1 $0x1082;
	[sflag:s4] =	ssyncset.s32 $0xFFFFF086  }
0x25: {  	[simem:s6], [sflag:s4] =	dma.local [hbm:s3], $0xF7A  }
0x26: {  	[smem:$0x3F9E] =	sst s1;
	(tag) =	ssettag s2;
	_ =	strace s9  }
0x27: {  	s1 =	sld [smem:$0x3FAE]  }
0x28: {  	s2 =	sld [smem:$0x3FAF]  }
0x29: {  	s4 =	sld [smem:$0x3FB1]  }
0x2a: {  	p0 =	seq.s32 s5, $0x0;
	s5 =	sld [smem:$0x3FB2]  }
0x2b: {  	s6 =	sld [smem:$0x3FB3]  }
0x2c: {  	s7 =	sld [smem:$0x3FB4]  }
0x2d: {  	s3 =	simm.s32 $0x108;
	s8 =	sld [smem:$0x3FB5]  }
0x2e: {  	s3 =	simm.s32 @!p0 $0x1082;
	s9 =	sld [smem:$0x3FB6]  }
0x2f: {  	lr =	sadd.s32 s0, s3;
	s0 =	sld [smem:$0x3FAD]  }
0x30: {  	s3 =	sld [smem:$0x3FB0]  }
0x31: {  	[smem:$0x3FB9] =	sst s10  }
0x32: {  	s10 =	sld [smem:$0x3FB7];
	_ =	sdelay $0x3  }
0x33: {  	p0 =	seq.s32 s10, $0x1;
	s10 =	sld [smem:$0x3FB9];
	_ =	sdelay $0x3  }
0x34: {  	[smem:$0x3FB9] =	sst s10  }
0x35: {  	s10 =	sld [smem:$0x3FB8];
	_ =	sdelay $0x3  }
0x36: {  	p1 =	seq.s32 s10, $0x1;
	s10 =	sld [smem:$0x3FB9];
	_ =	sdelay $0x3  }
0x37: {  	[smem:$0x3FB9] =	sst s10  }
0x38: {  	s10 =	sld [smem:$0x3FBA]  }
0x39: {  	_ = 	snop;
	(pc) =	sbr.ind lr, $3  }
0x3a: {  	_ = 	snop  }
0x3b: {  	_ = 	snop  }
0x3c: {  	p2 =	seq.s32 s10, $0x1;
	s10 =	sld [smem:$0x3FB9]  }
0x3d: {  	_ =	shalt  }
0x3e: {  	_ =	shalt  }
0x3f: {  	_ =	shalt  }
0x40: {  	_ =	shalt  }
0x41: {  	_ =	shalt  }
0x42: {  	_ =	shalt  }
0x43: {  	_ =	shalt  }
0x44: {  	_ =	shalt  }
0x45: {  	_ =	shalt  }
0x46: {  	_ =	shalt  }
0x47: {  	_ =	shalt  }
0x48: {  	_ =	shalt  }
0x49: {  	_ =	shalt  }
0x4a: {  	_ =	shalt  }
0x4b: {  	_ =	shalt  }
0x4c: {  	_ =	shalt  }
0x4d: {  	_ =	shalt  }
0x4e: {  	_ =	shalt  }
0x4f: {  	_ =	shalt  }
0x50: {  	_ =	shalt  }
0x51: {  	_ =	shalt  }
0x52: {  	_ =	shalt  }
0x53: {  	_ =	shalt  }
0x54: {  	_ =	shalt  }
0x55: {  	_ =	shalt  }
0x56: {  	_ =	shalt  }
0x57: {  	_ =	shalt  }
0x58: {  	_ =	shalt  }
0x59: {  	_ =	shalt  }
0x5a: {  	_ =	shalt  }
0x5b: {  	_ =	shalt  }
0x5c: {  	_ =	shalt  }
0x5d: {  	_ =	shalt  }
0x5e: {  	_ =	shalt  }
0x5f: {  	_ =	shalt  }
0x60: {  	_ =	shalt  }
0x61: {  	_ =	shalt  }
0x62: {  	_ =	shalt  }
0x63: {  	_ =	shalt  }
0x64: {  	_ =	shalt  }
0x65: {  	_ =	shalt  }
0x66: {  	_ =	shalt  }
0x67: {  	_ =	shalt  }
0x68: {  	_ =	shalt  }
0x69: {  	_ =	shalt  }
0x6a: {  	_ =	shalt  }
0x6b: {  	_ =	shalt  }
0x6c: {  	_ =	shalt  }
0x6d: {  	_ =	shalt  }
0x6e: {  	_ =	shalt  }
0x6f: {  	_ =	shalt  }
0x70: {  	_ =	shalt  }
0x71: {  	_ =	shalt  }
0x72: {  	_ =	shalt  }
0x73: {  	_ =	shalt  }
0x74: {  	_ =	shalt  }
0x75: {  	_ =	shalt  }
0x76: {  	_ =	shalt  }
0x77: {  	_ =	shalt  }
0x78: {  	_ =	shalt  }
0x79: {  	_ =	shalt  }
0x7a: {  	_ =	shalt  }
0x7b: {  	_ =	shalt  }
0x7c: {  	_ =	shalt  }
0x7d: {  	_ =	shalt  }
0x7e: {  	_ =	shalt  }
0x7f: {  	_ =	shalt  }
0x80: {  	_ =	shalt  }
0x81: {  	_ =	shalt  }
0x82: {  	_ =	shalt  }
0x83: {  	_ =	shalt  }
0x84: {  	_ =	shalt  }
0x85: {  	_ =	shalt  }
0x86: {  	_ =	shalt  }
0x87: {  	_ =	shalt  }
.Lfunc_end0:
.L_simem_size_0:
called_computation_lowered:
.L_overlay_start_0:
0x88: {  	s2 =	sld [smem:$0x3FD9]  }
0x89: {  	s3 =	sld [smem:$0x3FFE];
	_ =	sdelay $0x1  }
0x8a: {  	s1 =	srdreg.scid  }
0x8b: {  	s0 =	sand.u32 $0x1, s1  }
0x8c: {  	s14 =	sshll.u32 s0, $0xA;
	s2 =	sadd.s32 s3, s2  }
0x8d: {  	s2 =	sadd.s32 s2, s14  }
0x8e: {  	[smem:$0x3FC5] =	sst s2  }
0x8f: {  	_ = 	snop  }
0x90: {  	s2 =	sld [smem:$0x3FD0];
	_ =	sdelay $0x1  }
0x91: {  	s15 =	sld [smem:$0x3FC9]  }
0x92: {  	s5 =	simm.s32 $0xA;
	s6 =	simm.s32 $0x10;
	s4 =	sld [smem:$0x3FC8]  }
0x93: {  	[smem:s6], [sflag:s5] =	dma.local [hbm:s2], $0x1  }
0x94: {  	_ =	swait.eq [sflag:s5], $0x1  }
0x95: {  	[sflag:s5] =	ssyncset.done $0x0  }
0x96: {  	[sflag:s5] =	ssyncadd.s32 $0xFFFFFFFF  }
0x97: {  	s16 =	sld [smem:$0x10];
	(tm) =	ssettm $0x1  }
0x98: {  	s17 =	sld [smem:$0x3FFB];
	_ =	sdelay $0x3  }
0x99: {  	_ =	strace s17  }
0x9a: {  	s5 =	sld [smem:$0x3FFC];
	_ =	sdelay $0x3  }
0x9b: {  	_ =	strace s5  }
0x9c: {  	s5 =	sld [smem:$0x3FFD];
	_ =	sdelay $0x3  }
0x9d: {  	_ =	strace s5  }
0x9e: {  	_ =	strace $0x8FFFFFFF  }
0x9f: {  	s18 =	sld [smem:$0x3FDB];
	_ =	sdelay $0x1  }
0xa0: {  	s19 =	simm.s32 $_scs_section_size  }
0xa1: {  	s7 =	simm.s32 $_size__tile_overlayer_lowered;
	s8 =	simm.s32 $_tile_overlayer_lowered  }
0xa2: {  	s22 =	simm.s32 $0x1BFF;
	s21 =	sshll.u32 s8, $0x1;
	s5 =	sadd.s32 s19, s18  }
0xa3: {  	s9 =	simm.s32 $0x0;
	s20 =	sshll.u32 s7, $0x1;
	s7 =	sadd.s32 s21, s5  }
0xa4: {  	[timem:s9], [sflag:s22] =	dma.local [hbm:s7], s20  }
0xa5: {  	_ =	swait.ge [sflag:s22], s20  }
0xa6: {  	s6 =	ssub.s32 $0x0, s20;
	[sflag:s22] =	ssyncset.done $0x0  }
0xa7: {  	[sflag:s22] =	ssyncadd.s32 s6;
	_ =	sdelay $0x1  }
0xa8: {  	s23 =	simm.s32 $0x1B8B  }
0xa9: {  	_ =	swait.ge [sflag:s23], $0x1  }
0xaa: {  	[sflag:s23] =	ssyncset.done $0x0  }
0xab: {  	s25 =	simm.s32 $0x1B8E;
	s24 =	sld [smem:$0x3FFE];
	[sflag:s23] =	ssyncadd.s32 $0xFFFFFFFF  }
0xac: {  	s26 =	simm.s32 $execute0_lowered;
	[smem:$0x3FD2] =	sst s25  }
0xad: {  	s7 =	sshll.u32 s26, $0x1;
	_ =	strace $0x80000046;
	[dreg:$0x1] =	wrdreg $0xFFFFFFFF  }
0xae: {  	s28 =	simm.s32 $_size_execute0_lowered;
	s5 =	sadd.s32 s5, s7;
	[dreg:$0x0] =	wrdreg $0x0  }
0xaf: {  	s7 =	sshll.u32 s28, $0x1;
	[dreg:$0x2] =	wrdreg s5  }
0xb0: {  	[dreg:$0x3] =	wrdreg s7  }
0xb1: {  	[dreg:$0x4] =	wrdreg $0xC0  }
0xb2: {  	_ =	task [dreg:s9], $0x5FFFF  }
0xb3: {  	[dreg:$0x1] =	wrdreg $0xFFFFFFFF  }
0xb4: {  	[dreg:$0x0] =	wrdreg $0x60  }
0xb5: {  	[dreg:$0x2] =	wrdreg s4  }
0xb6: {  	[dreg:$0x3] =	wrdreg s15  }
0xb7: {  	[dreg:$0x4] =	wrdreg s24  }
0xb8: {  	[dreg:$0x5] =	wrdreg s16  }
0xb9: {  	[dreg:$0x6] =	wrdreg $0x9  }
0xba: {  	_ =	task.clear_ibuf [dreg:s9], $0x7FFFF;
	_ =	strace $0x90000046  }
0xbb: {  	s29 =	simm.s32 $0x9;
	_ =	strace $0x80000048  }
0xbc: {  	_ =	swait.ge [sflag:s29], $0x1  }
0xbd: {  	[sflag:s29] =	ssyncadd.s32 $0xFFFFFFFF  }
0xbe: {  	_ =	strace $0x90000048  }
0xbf: {  	_ =	sfence  }
0xc0: {  	s30 =	sld [smem:$0x0];
	_ =	sdelay $0x2  }
0xc1: {  	s31 =	sshll.u32 s1, $0xD;
	s1 =	sshrl.u32 s1, $0x2  }
0xc2: {  	s3 =	sand.u32 $0x4000, s31;
	s1 =	sadd.s32 s1, s30  }
0xc3: {  	s0 =	sor.u32 s3, s0;
	s1 =	sshll.u32 s1, $0x11  }
0xc4: {  	s0 =	sor.u32 s1, s0  }
0xc5: {  	s0 =	sadd.s32 $0x8F2B, s0  }
0xc6: {  	[sflag:s0] =	ssyncadd.remote.s32 $0x1  }
0xc7: {  	_ =	sfence.sel $0xFFFF  }
0xc8: {  	[dreg:$0x0] =	wrdreg $0xFFFFFFFF;
	(pc) =	sbr.abs _section_cstart, $3  }
0xc9: {  	[dreg:$0x1] =	wrdreg $0xFFFFFFFF  }
0xca: {  	_ =	task.clear_ibuf [dreg:s9], $0x2FFFF;
	_ =	strace $0x9FFFFFFF  }
0xcb: {  	(tm) =	ssettm $0x7FFFFFFF  }
tec
execute0_lowered:
.L_overlay_start_1:
0x0: {  	(tag) =	ssettag $0x1  }
0x1: {  	s0 =	rddreg [dreg:$0x0]  }
0x2: {  	s1 =	srdreg.scid;
	s3 =	rddreg [dreg:$0x1]  }
0x3: {  	s9 =	stileid.u32;
	s2 =	simm.s32 $0x0;
	s15 =	rddreg [dreg:$0x2]  }
0x4: {  	s5 =	sand.u32 $0x1, s1;
	s1 =	rddreg [dreg:$0x3];
	s7 =	sshll.u32 s9, $0x1  }
0x5: {  	[smem:$0x7FF] =	sst s2;
	s9 =	sshll.u32 s9, $0x10;
	s31 =	sadd.s32 $0x400, s15  }
0x6: {  	s4 =	ssub.s32 $0x2, s5;
	s18 =	sor.u32 s5, s7;
	s8 =	sshll.u32 s5, $0xF  }
0x7: {  	s6 =	sshrl.u32 s4, $0x1;
	[dreg:$0x5] =	wrdreg s18;
	s7 =	sshll.u32 s18, $0xB  }
0x8: {  	s10 =	sadd.s32 s0, s8;
	s0 =	sadd.s32 s0, s9;
	s21 =	sadd.s32 s1, s8  }
0x9: {  	s6 =	ssub.s32 s4, s6;
	s4 =	sshll.u32 s5, $0x3;
	s3 =	sadd.s32 s3, s7  }
0xa: {  	s19 =	sadd.s32 s9, s10;
	s7 =	sadd.s32 s9, s21;
	[dreg:$0x7] =	wrdreg s3  }
0xb: {  	s9 =	sadd.s32 s1, s9;
	s10 =	simm.s32 $0x6;
	[dreg:$0x8] =	wrdreg s19  }
0xc: {  	s11 =	sor.u32 $0x1, s4;
	s8 =	sor.u32 $0x2, s4;
	[dreg:$0xa] =	wrdreg s7  }
0xd: {  	s12 =	sor.u32 $0x3, s4;
	s14 =	sor.u32 $0x4, s4;
	s16 =	sor.u32 $0x5, s4  }
0xe: {  	[dreg:$0x6] =	wrdreg s11;
	s20 =	sshll.u32 s11, $0xC;
	s23 =	sshll.u32 s8, $0xC  }
0xf: {  	s25 =	sshll.u32 s12, $0xC;
	s11 =	sshll.u32 s14, $0xC;
	s13 =	sshll.u32 s16, $0xC  }
0x10: {  	s22 =	sadd.s32 s20, s0;
	s24 =	sadd.s32 s23, s0;
	s3 =	sadd.s32 s20, s9  }
0x11: {  	s26 =	sadd.s32 s25, s0;
	s7 =	sadd.s32 s23, s9;
	[dreg:$0x9] =	wrdreg s22  }
0x12: {  	s18 =	sadd.s32 s11, s0;
	s19 =	sadd.s32 s25, s9;
	[dreg:$0xb] =	wrdreg s24  }
0x13: {  	s20 =	sadd.s32 s11, s9;
	s21 =	sadd.s32 s13, s0;
	[dreg:$0xc] =	wrdreg s3  }
0x14: {  	v0 =	vlaneseq.u32;
	s23 =	sshllo.u32 s5, $0x3;
	s25 =	sor.u32 $0x6, s4;
	[dreg:$0xd] =	wrdreg s26  }
0x15: {  	v1 =	vmul.u32 $0x80, v0;
	v3 =	vor.u32 $0x10, v0;
	v5 =	vor.u32 $0x20, v0;
	[dreg:$0xe] =	wrdreg s7;
	s22 =	sadd.s32 s13, s9;
	s17 =	sshll.u32 s25, $0xC  }
0x16: {  	v7 =	vor.u32 $0x30, v0;
	v9 =	vor.u32 $0x40, v0;
	v11 =	vor.u32 $0x50, v0;
	s24 =	sshll.u32 s23, $0xC;
	s7 =	simm.s32 $0x5;
	s3 =	simm.s32 $0x0  }
0x17: {  	v13 =	vor.u32 $0x60, v0;
	v15 =	vor.u32 $0x70, v0;
	v2 =	vor.u32 $0x800, v1;
	s26 =	sadd.s32 s17, s0;
	s28 =	sadd.s32 s24, s0;
	s29 =	sadd.s32 s17, s9  }
0x18: {  	v4 =	vor.u32 $0x1000, v1;
	v6 =	vor.u32 $0x1800, v1;
	v8 =	vor.u32 $0x2000, v1;
	s30 =	sadd.s32 s24, s9;
	_ =	strace $0x80000047;
	s24 =	smax.u32 s6, $0x1  }
0x19: {  	v10 =	vor.u32 $0x2800, v1;
	v12 =	vor.u32 $0x3000, v1;
	v14 =	vor.u32 $0x3800, v1;
	s0 =	simm.s32 $0x10000;
	s6 =	simm.s32 $0x7;
	s9 =	simm.s32 $0x14000  }
.LBB2_1:
0x1a: {  	s5 =	rddreg [dreg:$0x7]  }
0x1b: {  	[tilespmem:s0], [sflag:$0x5] =	stream.linear.gather [hbm4b:s5+s2], $0x4000, $0x38;
	[tilespmem:$0x18080] =	vst v63  }
0x1c: {  	s15 =	simm.s32 $0x18000  }
0x1d: {  	[tilespmem:s15], [sflag:$0x7] =	stream.linear.gather [hbm4b:s31+s2], $0x80, $0x38;
	[tilespmem:$0x18080] =	vst v63  }
0x1e: {  	_ =	swait.ge [sflag:s6], $0x80  }
0x1f: {  	[sflag:s6] =	ssyncset.done $0x0  }
0x20: {  	[sflag:s6] =	ssyncadd.s32 $0xFFFFFF80  }
0x21: {  	v16 =	vld [tilespmem:$0x18000];
	_ =	sdelay $0x4  }
0x22: {  	v16 =	vxor.u32 $0x80000000, v16  }
0x23: {  	(xrf0) =	vmax.scan.msk.u32 $0xffff, v16;
	_ =	sdelay $0x5  }
0x24: {  	v16, _, _ =	vpop (xrf0)  }
0x25: {  	(v2sf) =	vpush v16, $0xF;
	_ =	sdelay $0xe  }
0x26: {  	s13 =	spop (v2sf)  }
0x27: {  	s17 =	sxor.u32 $0x80000000, s13  }
0x28: {  	p1 =	sgt.s32 s13, $0xFFFFFFFF;
	s11 =	sand.u32 $0x1F, s13;
	p0 =	slt.s32 s17, $0x1  }
0x29: {  	s15 =	sshra.s32 s17, $0x1F;
	p6 =	sne.s32 s11, $0x0;
	p0 =	por p1, p0  }
0x2a: {  	s15 =	sshrl.u32 s15, $0x1B;
	p0 =	por !p6, !p0  }
0x2b: {  	s11 =	simm.s32 $0x1;
	s5 =	sadd.s32 s15, s17;
	p0 =	por !p0, !p0  }
0x2c: {  	s5 =	sshra.s32 s5, $0x5;
	s11 =	simm.s32 @!p0 $0x0  }
0x2d: {  	s11 =	ssub.s32 s5, s11  }
0x2e: {  	s17 =	rddreg [dreg:$0x6];
	p1 =	seq.s32 s4, s11  }
0x2f: {  	s15 =	rddreg [dreg:$0x8];
	p0 =	seq.s32 s17, s11;
	s5 =	simm.s32 @!p1 $0x0  }
0x30: {  	[tilespmem:s5], [sflag:$0x1] =	stream.linear.gather @!p1 [hbm4b:s15+s5], $0x8000, $0x38;
	[tilespmem:$0x18080] =	vst v63  }
0x31: {  	v16 =	vor.u32 s2, v1;
	s17 =	rddreg [dreg:$0x9];
	s5 =	simm.s32 @!p0 $0x0;
	s15 =	simm.s32 @!p0 $0x8000  }
0x32: {  	[tilespmem:s15], [sflag:$0x2] =	stream.linear.gather @!p0 [hbm4b:s17+s5], $0x8000, $0x38;
	[tilespmem:$0x18080] =	vst v63  }
0x33: {  	_ =	swait.ge [sflag:s7], $0x4000  }
0x34: {  	v17 =	vmov s2;
	[sflag:s7] =	ssyncset.done $0x0  }
0x35: {  	v17 =	vshll.u32 v17, $0x7;
	[sflag:s7] =	ssyncadd.s32 $0xFFFFC000  }
0x36: {  	v18 =	vor.u32 v0, v17;
	v16 =	vld.idx.msk [tilespmem:v16+s0+$0x0], $0xffff  }
0x37: {  	v19 =	vor.u32 s2, v2;
	_ =	sdelay $0x3  }
0x38: {  	[tilespmem:v18+s9+$0x0] =	vst.idx.msk $0xffff, v16  }
0x39: {  	v18 =	vor.u32 v3, v17;
	v16 =	vld.idx.msk [tilespmem:v19+s0+$0x0], $0xffff  }
0x3a: {  	v19 =	vor.u32 s2, v4;
	_ =	sdelay $0x3  }
0x3b: {  	[tilespmem:v18+s9+$0x0] =	vst.idx.msk $0xffff, v16  }
0x3c: {  	v18 =	vor.u32 v5, v17;
	v16 =	vld.idx.msk [tilespmem:v19+s0+$0x0], $0xffff  }
0x3d: {  	v19 =	vor.u32 s2, v6;
	_ =	sdelay $0x3  }
0x3e: {  	[tilespmem:v18+s9+$0x0] =	vst.idx.msk $0xffff, v16  }
0x3f: {  	v18 =	vor.u32 v7, v17;
	v16 =	vld.idx.msk [tilespmem:v19+s0+$0x0], $0xffff  }
0x40: {  	v19 =	vor.u32 s2, v8;
	_ =	sdelay $0x3  }
0x41: {  	[tilespmem:v18+s9+$0x0] =	vst.idx.msk $0xffff, v16  }
0x42: {  	v18 =	vor.u32 v9, v17;
	v16 =	vld.idx.msk [tilespmem:v19+s0+$0x0], $0xffff  }
0x43: {  	v19 =	vor.u32 s2, v10;
	_ =	sdelay $0x3  }
0x44: {  	[tilespmem:v18+s9+$0x0] =	vst.idx.msk $0xffff, v16  }
0x45: {  	v18 =	vor.u32 v11, v17;
	v16 =	vld.idx.msk [tilespmem:v19+s0+$0x0], $0xffff  }
0x46: {  	v19 =	vor.u32 s2, v12;
	_ =	sdelay $0x3  }
0x47: {  	[tilespmem:v18+s9+$0x0] =	vst.idx.msk $0xffff, v16  }
0x48: {  	v18 =	vor.u32 v13, v17;
	v16 =	vld.idx.msk [tilespmem:v19+s0+$0x0], $0xffff  }
0x49: {  	v19 =	vor.u32 s2, v14;
	_ =	sdelay $0x3  }
0x4a: {  	[tilespmem:v18+s9+$0x0] =	vst.idx.msk $0xffff, v16  }
0x4b: {  	s5 =	simm.s32 $0x1;
	v18 =	vor.u32 v15, v17;
	v16 =	vld.idx.msk [tilespmem:v19+s0+$0x0], $0xffff  }
0x4c: {  	s15 =	simm.s32 $0x2;
	v17 =	vor.u32 s5, v1  }
.LBB2_2:
0x4d: {  	p2 =	sne.s32 s15, $0x7F;
	_ =	sdelay $0x2  }
0x4e: {  	v19 =	vmov s5;
	[tilespmem:v18+s9+$0x0] =	vst.idx.msk $0xffff, v16  }
0x4f: {  	v16 =	vld.idx.msk [tilespmem:v17+s0+$0x0], $0xffff;
	v17 =	vshll.u32 v19, $0x7  }
0x50: {  	v18 =	vor.u32 v0, v17  }
0x51: {  	v19 =	vor.u32 s5, v2;
	_ =	sdelay $0x3  }
0x52: {  	[tilespmem:v18+s9+$0x0] =	vst.idx.msk $0xffff, v16  }
0x53: {  	v16 =	vld.idx.msk [tilespmem:v19+s0+$0x0], $0xffff  }
0x54: {  	v18 =	vor.u32 v3, v17  }
0x55: {  	v19 =	vor.u32 s5, v4;
	_ =	sdelay $0x3  }
0x56: {  	[tilespmem:v18+s9+$0x0] =	vst.idx.msk $0xffff, v16  }
0x57: {  	v16 =	vld.idx.msk [tilespmem:v19+s0+$0x0], $0xffff  }
0x58: {  	v18 =	vor.u32 v5, v17  }
0x59: {  	v19 =	vor.u32 s5, v6;
	_ =	sdelay $0x3  }
0x5a: {  	[tilespmem:v18+s9+$0x0] =	vst.idx.msk $0xffff, v16  }
0x5b: {  	v16 =	vld.idx.msk [tilespmem:v19+s0+$0x0], $0xffff  }
0x5c: {  	v18 =	vor.u32 v7, v17  }
0x5d: {  	v19 =	vor.u32 s5, v8;
	_ =	sdelay $0x3  }
0x5e: {  	[tilespmem:v18+s9+$0x0] =	vst.idx.msk $0xffff, v16  }
0x5f: {  	v16 =	vld.idx.msk [tilespmem:v19+s0+$0x0], $0xffff  }
0x60: {  	v18 =	vor.u32 v9, v17  }
0x61: {  	v19 =	vor.u32 s5, v10;
	_ =	sdelay $0x3  }
0x62: {  	[tilespmem:v18+s9+$0x0] =	vst.idx.msk $0xffff, v16  }
0x63: {  	v16 =	vld.idx.msk [tilespmem:v19+s0+$0x0], $0xffff  }
0x64: {  	v18 =	vor.u32 v11, v17  }
0x65: {  	v19 =	vor.u32 s5, v12;
	_ =	sdelay $0x3  }
0x66: {  	[tilespmem:v18+s9+$0x0] =	vst.idx.msk $0xffff, v16  }
0x67: {  	v16 =	vld.idx.msk [tilespmem:v19+s0+$0x0], $0xffff  }
0x68: {  	v18 =	vor.u32 v13, v17  }
0x69: {  	v19 =	vor.u32 s5, v14;
	s5 =	smov.u32 s15;
	_ =	sdelay $0x2  }
.Ltmp0:
0x6a: {  	(pc) =	sbr.rel @p2 .LBB2_2-.Ltmp0, $4  }
0x6b: {  	[tilespmem:v18+s9+$0x0] =	vst.idx.msk $0xffff, v16  }
0x6c: {  	v16 =	vld.idx.msk [tilespmem:v19+s0+$0x0], $0xffff  }
0x6d: {  	v18 =	vor.u32 v15, v17  }
0x6e: {  	s15 =	sadd.s32 $0x1, s15;
	v17 =	vor.u32 s5, v1  }
0x6f: {  	_ =	sdelay $0x2  }
0x70: {  	v19 =	vmov s5  }
0x71: {  	[tilespmem:v18+s9+$0x0] =	vst.idx.msk $0xffff, v16;
	v16 =	vshll.u32 v19, $0x7  }
0x72: {  	v17 =	vld.idx.msk [tilespmem:v17+s0+$0x0], $0xffff;
	v50 =	vor.u32 v0, v16  }
0x73: {  	v51 =	vor.u32 s5, v2;
	_ =	sdelay $0x3  }
0x74: {  	[tilespmem:v50+s9+$0x0] =	vst.idx.msk $0xffff, v17  }
0x75: {  	v52 =	vor.u32 v3, v16;
	v17 =	vld.idx.msk [tilespmem:v51+s0+$0x0], $0xffff  }
0x76: {  	v53 =	vor.u32 s5, v4;
	_ =	sdelay $0x3  }
0x77: {  	[tilespmem:v52+s9+$0x0] =	vst.idx.msk $0xffff, v17  }
0x78: {  	v54 =	vor.u32 v5, v16;
	v17 =	vld.idx.msk [tilespmem:v53+s0+$0x0], $0xffff  }
0x79: {  	v55 =	vor.u32 s5, v6;
	_ =	sdelay $0x3  }
0x7a: {  	[tilespmem:v54+s9+$0x0] =	vst.idx.msk $0xffff, v17  }
0x7b: {  	v56 =	vor.u32 v7, v16;
	v17 =	vld.idx.msk [tilespmem:v55+s0+$0x0], $0xffff  }
0x7c: {  	v57 =	vor.u32 s5, v8;
	_ =	sdelay $0x3  }
0x7d: {  	[tilespmem:v56+s9+$0x0] =	vst.idx.msk $0xffff, v17  }
0x7e: {  	v58 =	vor.u32 v9, v16;
	v17 =	vld.idx.msk [tilespmem:v57+s0+$0x0], $0xffff  }
0x7f: {  	v59 =	vor.u32 s5, v10;
	_ =	sdelay $0x3  }
0x80: {  	[tilespmem:v58+s9+$0x0] =	vst.idx.msk $0xffff, v17  }
0x81: {  	v60 =	vor.u32 v11, v16;
	v17 =	vld.idx.msk [tilespmem:v59+s0+$0x0], $0xffff  }
0x82: {  	v61 =	vor.u32 s5, v12;
	_ =	sdelay $0x3  }
0x83: {  	[tilespmem:v60+s9+$0x0] =	vst.idx.msk $0xffff, v17  }
0x84: {  	v62 =	vor.u32 v13, v16;
	v17 =	vld.idx.msk [tilespmem:v61+s0+$0x0], $0xffff  }
0x85: {  	v63 =	vor.u32 s5, v14;
	_ =	sdelay $0x3  }
0x86: {  	[tilespmem:v62+s9+$0x0] =	vst.idx.msk $0xffff, v17  }
0x87: {  	v16 =	vor.u32 v15, v16;
	v17 =	vld.idx.msk [tilespmem:v63+s0+$0x0], $0xffff  }
0x88: {  	s17 =	rddreg [dreg:$0x5]  }
0x89: {  	s5 =	sadd.s32 s17, s13  }
0x8a: {  	s5 =	sshll.u32 s5, $0xA  }
0x8b: {  	s15 =	sshrl.u32 s5, $0x3  }
0x8c: {  	s17 =	sadd.s32 $0x80000, s5;
	s13 =	sadd.s32 s1, s15;
	[tilespmem:v16+s9+$0x0] =	vst.idx.msk $0xffff, v17  }
0x8d: {  	[hbm4b:s13+s2] =	stream.linear.scatter [tilespmem:s9], [sflag:$0x6], $0x400, $0x38;
	[tilespmem:$0x18080] =	vst v63  }
0x8e: {  	s13 =	sshrl.u32 s17, $0x3  }
0x8f: {  	s15 =	simm.s32 $0x14400;
	s13 =	sadd.s32 s1, s13  }
0x90: {  	[hbm4b:s13+s2] =	stream.linear.scatter [tilespmem:s15], [sflag:$0x6], $0x400, $0x38;
	[tilespmem:$0x18080] =	vst v63  }
0x91: {  	s15 =	sadd.s32 $0x100000, s5  }
0x92: {  	s13 =	sshrl.u32 s15, $0x3  }
0x93: {  	s17 =	simm.s32 $0x14800;
	s15 =	sadd.s32 $0x180000, s5;
	s13 =	sadd.s32 s1, s13  }
0x94: {  	[hbm4b:s13+s2] =	stream.linear.scatter [tilespmem:s17], [sflag:$0x6], $0x400, $0x38;
	[tilespmem:$0x18080] =	vst v63  }
0x95: {  	s13 =	sshrl.u32 s15, $0x3  }
0x96: {  	s17 =	simm.s32 $0x14C00;
	s15 =	sadd.s32 $0x200000, s5;
	s13 =	sadd.s32 s1, s13  }
0x97: {  	[hbm4b:s13+s2] =	stream.linear.scatter [tilespmem:s17], [sflag:$0x6], $0x400, $0x38;
	[tilespmem:$0x18080] =	vst v63  }
0x98: {  	s13 =	sshrl.u32 s15, $0x3  }
0x99: {  	s17 =	simm.s32 $0x15000;
	s15 =	sadd.s32 $0x280000, s5;
	s13 =	sadd.s32 s1, s13  }
0x9a: {  	[hbm4b:s13+s2] =	stream.linear.scatter [tilespmem:s17], [sflag:$0x6], $0x400, $0x38;
	[tilespmem:$0x18080] =	vst v63  }
0x9b: {  	s13 =	sshrl.u32 s15, $0x3  }
0x9c: {  	s17 =	simm.s32 $0x15400;
	s15 =	sadd.s32 $0x300000, s5;
	s13 =	sadd.s32 s1, s13  }
0x9d: {  	[hbm4b:s13+s2] =	stream.linear.scatter [tilespmem:s17], [sflag:$0x6], $0x400, $0x38;
	[tilespmem:$0x18080] =	vst v63  }
0x9e: {  	s13 =	sshrl.u32 s15, $0x3  }
0x9f: {  	s17 =	simm.s32 $0x15800;
	s15 =	sadd.s32 $0x380000, s5;
	s13 =	sadd.s32 s1, s13  }
0xa0: {  	[hbm4b:s13+s2] =	stream.linear.scatter [tilespmem:s17], [sflag:$0x6], $0x400, $0x38;
	[tilespmem:$0x18080] =	vst v63  }
0xa1: {  	s13 =	sshrl.u32 s15, $0x3  }
0xa2: {  	s17 =	simm.s32 $0x15C00;
	s15 =	sadd.s32 $0x400000, s5;
	s13 =	sadd.s32 s1, s13  }
0xa3: {  	[hbm4b:s13+s2] =	stream.linear.scatter [tilespmem:s17], [sflag:$0x6], $0x400, $0x38;
	[tilespmem:$0x18080] =	vst v63  }
0xa4: {  	s13 =	sshrl.u32 s15, $0x3  }
0xa5: {  	s17 =	simm.s32 $0x16000;
	s15 =	sadd.s32 $0x480000, s5;
	s13 =	sadd.s32 s1, s13  }
0xa6: {  	[hbm4b:s13+s2] =	stream.linear.scatter [tilespmem:s17], [sflag:$0x6], $0x400, $0x38;
	[tilespmem:$0x18080] =	vst v63  }
0xa7: {  	s13 =	sshrl.u32 s15, $0x3  }
0xa8: {  	s17 =	simm.s32 $0x16400;
	s15 =	sadd.s32 $0x500000, s5;
	s13 =	sadd.s32 s1, s13  }
0xa9: {  	[hbm4b:s13+s2] =	stream.linear.scatter [tilespmem:s17], [sflag:$0x6], $0x400, $0x38;
	[tilespmem:$0x18080] =	vst v63  }
0xaa: {  	s13 =	sshrl.u32 s15, $0x3  }
0xab: {  	s17 =	simm.s32 $0x16800;
	s15 =	sadd.s32 $0x580000, s5;
	s13 =	sadd.s32 s1, s13  }
0xac: {  	[hbm4b:s13+s2] =	stream.linear.scatter [tilespmem:s17], [sflag:$0x6], $0x400, $0x38;
	[tilespmem:$0x18080] =	vst v63  }
0xad: {  	s13 =	sshrl.u32 s15, $0x3  }
0xae: {  	s17 =	simm.s32 $0x16C00;
	s15 =	sadd.s32 $0x600000, s5;
	s13 =	sadd.s32 s1, s13  }
0xaf: {  	[hbm4b:s13+s2] =	stream.linear.scatter [tilespmem:s17], [sflag:$0x6], $0x400, $0x38;
	[tilespmem:$0x18080] =	vst v63  }
0xb0: {  	s13 =	sshrl.u32 s15, $0x3  }
0xb1: {  	s17 =	simm.s32 $0x17000;
	s15 =	sadd.s32 $0x680000, s5;
	s13 =	sadd.s32 s1, s13  }
0xb2: {  	[hbm4b:s13+s2] =	stream.linear.scatter [tilespmem:s17], [sflag:$0x6], $0x400, $0x38;
	[tilespmem:$0x18080] =	vst v63  }
0xb3: {  	s13 =	sshrl.u32 s15, $0x3  }
0xb4: {  	s17 =	simm.s32 $0x17400;
	s15 =	sadd.s32 $0x700000, s5;
	s13 =	sadd.s32 s1, s13  }
0xb5: {  	[hbm4b:s13+s2] =	stream.linear.scatter [tilespmem:s17], [sflag:$0x6], $0x400, $0x38;
	[tilespmem:$0x18080] =	vst v63  }
0xb6: {  	s5 =	sadd.s32 $0x780000, s5;
	s13 =	sshrl.u32 s15, $0x3  }
0xb7: {  	s5 =	sshrl.u32 s5, $0x3;
	s17 =	simm.s32 $0x17800;
	s13 =	sadd.s32 s1, s13  }
0xb8: {  	[hbm4b:s13+s2] =	stream.linear.scatter [tilespmem:s17], [sflag:$0x6], $0x400, $0x38;
	[tilespmem:$0x18080] =	vst v63  }
0xb9: {  	s5 =	sadd.s32 s1, s5;
	s17 =	simm.s32 $0x17C00  }
0xba: {  	[hbm4b:s5+s2] =	stream.linear.scatter [tilespmem:s17], [sflag:$0x6], $0x400, $0x38;
	[tilespmem:$0x18080] =	vst v63  }
0xbb: {  	s5 =	simm.s32 @!p1 $0x1  }
0xbc: {  	_ =	swait.ge @!p1 [sflag:s5], $0x8000  }
0xbd: {  	[sflag:s5] =	ssyncset.done @!p1 $0x0  }
0xbe: {  	s13 =	rddreg [dreg:$0xa];
	[sflag:s5] =	ssyncadd.s32 @!p1 $0xFFFF8000;
	s5 =	simm.s32 @!p1 $0x0  }
0xbf: {  	[hbm4b:s13+s5] =	stream.linear.scatter @!p1 [tilespmem:s5], [sflag:$0x3], $0x8000, $0x38;
	[tilespmem:$0x18080] =	vst v63  }
0xc0: {  	s5 =	simm.s32 @!p1 $0x3  }
0xc1: {  	_ =	swait.ge @!p1 [sflag:s5], $0x8000  }
0xc2: {  	p2 =	seq.s32 s8, s11;
	[sflag:s5] =	ssyncset.done @!p1 $0x0  }
0xc3: {  	s13 =	rddreg [dreg:$0xb];
	[sflag:s5] =	ssyncadd.s32 @!p1 $0xFFFF8000;
	s5 =	simm.s32 @!p2 $0x0  }
0xc4: {  	[tilespmem:s5], [sflag:$0x1] =	stream.linear.gather @!p2 [hbm4b:s13+s5], $0x8000, $0x38;
	[tilespmem:$0x18080] =	vst v63  }
0xc5: {  	s13 =	simm.s32 @!p0 $0x2  }
0xc6: {  	_ =	swait.ge @!p0 [sflag:s13], $0x8000  }
0xc7: {  	s15 =	simm.s32 @!p0 $0x8000;
	[sflag:s13] =	ssyncset.done @!p0 $0x0  }
0xc8: {  	s17 =	rddreg [dreg:$0xc];
	[sflag:s13] =	ssyncadd.s32 @!p0 $0xFFFF8000;
	s13 =	simm.s32 @!p0 $0x0  }
0xc9: {  	[hbm4b:s17+s13] =	stream.linear.scatter @!p0 [tilespmem:s15], [sflag:$0x4], $0x8000, $0x38;
	[tilespmem:$0x18080] =	vst v63  }
0xca: {  	s13 =	simm.s32 @!p0 $0x4  }
0xcb: {  	p1 =	seq.s32 s12, s11;
	_ =	swait.ge @!p0 [sflag:s13], $0x8000  }
0xcc: {  	s15 =	simm.s32 @!p1 $0x8000;
	[sflag:s13] =	ssyncset.done @!p0 $0x0  }
0xcd: {  	s17 =	rddreg [dreg:$0xd];
	[sflag:s13] =	ssyncadd.s32 @!p0 $0xFFFF8000;
	s13 =	simm.s32 @!p1 $0x0  }
0xce: {  	[tilespmem:s15], [sflag:$0x2] =	stream.linear.gather @!p1 [hbm4b:s17+s13], $0x8000, $0x38;
	[tilespmem:$0x18080] =	vst v63  }
0xcf: {  	s17 =	simm.s32 @!p2 $0x1  }
0xd0: {  	_ =	swait.ge @!p2 [sflag:s17], $0x8000  }
0xd1: {  	[sflag:s17] =	ssyncset.done @!p2 $0x0  }
0xd2: {  	[sflag:s17] =	ssyncadd.s32 @!p2 $0xFFFF8000;
	s17 =	rddreg [dreg:$0xe]  }
0xd3: {  	[hbm4b:s17+s5] =	stream.linear.scatter @!p2 [tilespmem:s5], [sflag:$0x3], $0x8000, $0x38;
	[tilespmem:$0x18080] =	vst v63  }
0xd4: {  	s5 =	simm.s32 @!p2 $0x3  }
0xd5: {  	_ =	swait.ge @!p2 [sflag:s5], $0x8000  }
0xd6: {  	p3 =	seq.s32 s14, s11;
	[sflag:s5] =	ssyncset.done @!p2 $0x0  }
0xd7: {  	s17 =	simm.s32 @!p1 $0x2;
	[sflag:s5] =	ssyncadd.s32 @!p2 $0xFFFF8000;
	s5 =	simm.s32 @!p3 $0x0  }
0xd8: {  	[tilespmem:s5], [sflag:$0x1] =	stream.linear.gather @!p3 [hbm4b:s18+s5], $0x8000, $0x38;
	[tilespmem:$0x18080] =	vst v63  }
0xd9: {  	_ =	swait.ge @!p1 [sflag:s17], $0x8000  }
0xda: {  	[sflag:s17] =	ssyncset.done @!p1 $0x0  }
0xdb: {  	[sflag:s17] =	ssyncadd.s32 @!p1 $0xFFFF8000  }
0xdc: {  	[hbm4b:s19+s13] =	stream.linear.scatter @!p1 [tilespmem:s15], [sflag:$0x4], $0x8000, $0x38;
	[tilespmem:$0x18080] =	vst v63  }
0xdd: {  	s13 =	simm.s32 @!p1 $0x4  }
0xde: {  	_ =	swait.ge @!p1 [sflag:s13], $0x8000  }
0xdf: {  	p2 =	seq.s32 s16, s11;
	s17 =	simm.s32 @!p3 $0x1;
	[sflag:s13] =	ssyncset.done @!p1 $0x0  }
0xe0: {  	s15 =	simm.s32 @!p2 $0x8000;
	[sflag:s13] =	ssyncadd.s32 @!p1 $0xFFFF8000;
	s13 =	simm.s32 @!p2 $0x0  }
0xe1: {  	[tilespmem:s15], [sflag:$0x2] =	stream.linear.gather @!p2 [hbm4b:s21+s13], $0x8000, $0x38;
	[tilespmem:$0x18080] =	vst v63  }
0xe2: {  	_ =	swait.ge @!p3 [sflag:s17], $0x8000  }
0xe3: {  	[sflag:s17] =	ssyncset.done @!p3 $0x0  }
0xe4: {  	[sflag:s17] =	ssyncadd.s32 @!p3 $0xFFFF8000  }
0xe5: {  	[hbm4b:s20+s5] =	stream.linear.scatter @!p3 [tilespmem:s5], [sflag:$0x3], $0x8000, $0x38;
	[tilespmem:$0x18080] =	vst v63  }
0xe6: {  	s5 =	simm.s32 @!p3 $0x3  }
0xe7: {  	_ =	swait.ge @!p3 [sflag:s5], $0x8000  }
0xe8: {  	p0 =	seq.s32 s25, s11;
	[sflag:s5] =	ssyncset.done @!p3 $0x0  }
0xe9: {  	s17 =	simm.s32 @!p2 $0x2;
	[sflag:s5] =	ssyncadd.s32 @!p3 $0xFFFF8000;
	s5 =	simm.s32 @!p0 $0x0  }
0xea: {  	[tilespmem:s5], [sflag:$0x1] =	stream.linear.gather @!p0 [hbm4b:s26+s5], $0x8000, $0x38;
	[tilespmem:$0x18080] =	vst v63  }
0xeb: {  	_ =	swait.ge @!p2 [sflag:s17], $0x8000  }
0xec: {  	[sflag:s17] =	ssyncset.done @!p2 $0x0  }
0xed: {  	[sflag:s17] =	ssyncadd.s32 @!p2 $0xFFFF8000  }
0xee: {  	[hbm4b:s22+s13] =	stream.linear.scatter @!p2 [tilespmem:s15], [sflag:$0x4], $0x8000, $0x38;
	[tilespmem:$0x18080] =	vst v63  }
0xef: {  	s13 =	simm.s32 @!p2 $0x4  }
0xf0: {  	p1 =	seq.s32 s23, s11;
	_ =	swait.ge @!p2 [sflag:s13], $0x8000  }
0xf1: {  	s11 =	simm.s32 @!p1 $0x0;
	[sflag:s13] =	ssyncset.done @!p2 $0x0  }
0xf2: {  	s15 =	simm.s32 @!p0 $0x1;
	[sflag:s13] =	ssyncadd.s32 @!p2 $0xFFFF8000;
	s13 =	simm.s32 @!p1 $0x8000  }
0xf3: {  	[tilespmem:s13], [sflag:$0x2] =	stream.linear.gather @!p1 [hbm4b:s28+s11], $0x8000, $0x38;
	[tilespmem:$0x18080] =	vst v63  }
0xf4: {  	_ =	swait.ge @!p0 [sflag:s15], $0x8000  }
0xf5: {  	[sflag:s15] =	ssyncset.done @!p0 $0x0  }
0xf6: {  	[sflag:s15] =	ssyncadd.s32 @!p0 $0xFFFF8000  }
0xf7: {  	[hbm4b:s29+s5] =	stream.linear.scatter @!p0 [tilespmem:s5], [sflag:$0x3], $0x8000, $0x38;
	[tilespmem:$0x18080] =	vst v63  }
0xf8: {  	s5 =	simm.s32 @!p1 $0x2  }
0xf9: {  	_ =	swait.ge @!p1 [sflag:s5], $0x8000  }
0xfa: {  	[sflag:s5] =	ssyncset.done @!p1 $0x0  }
0xfb: {  	[sflag:s5] =	ssyncadd.s32 @!p1 $0xFFFF8000;
	s5 =	simm.s32 @!p0 $0x3  }
0xfc: {  	[hbm4b:s30+s11] =	stream.linear.scatter @!p1 [tilespmem:s13], [sflag:$0x4], $0x8000, $0x38;
	[tilespmem:$0x18080] =	vst v63  }
0xfd: {  	_ =	swait.ge @!p0 [sflag:s5], $0x8000  }
0xfe: {  	[sflag:s5] =	ssyncset.done @!p0 $0x0  }
0xff: {  	[sflag:s5] =	ssyncadd.s32 @!p0 $0xFFFF8000;
	s5 =	simm.s32 @!p1 $0x4  }
0x100: {  	_ =	swait.ge @!p1 [sflag:s5], $0x8000  }
0x101: {  	[sflag:s5] =	ssyncset.done @!p1 $0x0  }
0x102: {  	[sflag:s5] =	ssyncadd.s32 @!p1 $0xFFFF8000  }
0x103: {  	_ =	swait.ge [sflag:s10], $0x400  }
0x104: {  	[sflag:s10] =	ssyncset.done $0x0  }
0x105: {  	[sflag:s10] =	ssyncadd.s32 $0xFFFFFC00  }
0x106: {  	_ =	swait.ge [sflag:s10], $0x400  }
0x107: {  	[sflag:s10] =	ssyncset.done $0x0  }
0x108: {  	[sflag:s10] =	ssyncadd.s32 $0xFFFFFC00  }
0x109: {  	_ =	swait.ge [sflag:s10], $0x400  }
0x10a: {  	[sflag:s10] =	ssyncset.done $0x0  }
0x10b: {  	[sflag:s10] =	ssyncadd.s32 $0xFFFFFC00  }
0x10c: {  	_ =	swait.ge [sflag:s10], $0x400  }
0x10d: {  	[sflag:s10] =	ssyncset.done $0x0  }
0x10e: {  	[sflag:s10] =	ssyncadd.s32 $0xFFFFFC00  }
0x10f: {  	_ =	swait.ge [sflag:s10], $0x400  }
0x110: {  	[sflag:s10] =	ssyncset.done $0x0  }
0x111: {  	[sflag:s10] =	ssyncadd.s32 $0xFFFFFC00  }
0x112: {  	_ =	swait.ge [sflag:s10], $0x400  }
0x113: {  	[sflag:s10] =	ssyncset.done $0x0  }
0x114: {  	[sflag:s10] =	ssyncadd.s32 $0xFFFFFC00  }
0x115: {  	_ =	swait.ge [sflag:s10], $0x400  }
0x116: {  	[sflag:s10] =	ssyncset.done $0x0  }
0x117: {  	[sflag:s10] =	ssyncadd.s32 $0xFFFFFC00  }
0x118: {  	_ =	swait.ge [sflag:s10], $0x400  }
0x119: {  	[sflag:s10] =	ssyncset.done $0x0  }
0x11a: {  	[sflag:s10] =	ssyncadd.s32 $0xFFFFFC00  }
0x11b: {  	_ =	swait.ge [sflag:s10], $0x400  }
0x11c: {  	[sflag:s10] =	ssyncset.done $0x0  }
0x11d: {  	[sflag:s10] =	ssyncadd.s32 $0xFFFFFC00  }
0x11e: {  	_ =	swait.ge [sflag:s10], $0x400  }
0x11f: {  	[sflag:s10] =	ssyncset.done $0x0  }
0x120: {  	[sflag:s10] =	ssyncadd.s32 $0xFFFFFC00  }
0x121: {  	_ =	swait.ge [sflag:s10], $0x400  }
0x122: {  	[sflag:s10] =	ssyncset.done $0x0  }
0x123: {  	[sflag:s10] =	ssyncadd.s32 $0xFFFFFC00  }
0x124: {  	_ =	swait.ge [sflag:s10], $0x400  }
0x125: {  	[sflag:s10] =	ssyncset.done $0x0  }
0x126: {  	[sflag:s10] =	ssyncadd.s32 $0xFFFFFC00  }
0x127: {  	_ =	swait.ge [sflag:s10], $0x400  }
0x128: {  	[sflag:s10] =	ssyncset.done $0x0  }
0x129: {  	[sflag:s10] =	ssyncadd.s32 $0xFFFFFC00  }
0x12a: {  	_ =	swait.ge [sflag:s10], $0x400  }
0x12b: {  	[sflag:s10] =	ssyncset.done $0x0  }
0x12c: {  	s3 =	sadd.s32 $0x1, s3;
	[sflag:s10] =	ssyncadd.s32 $0xFFFFFC00  }
0x12d: {  	p0 =	sne.s32 s3, s24;
	_ =	swait.ge [sflag:s10], $0x400  }
.Ltmp1:
0x12e: {  	[sflag:s10] =	ssyncset.done $0x0;
	(pc) =	sbr.rel @p0 .LBB2_1-.Ltmp1, $4  }
0x12f: {  	[sflag:s10] =	ssyncadd.s32 $0xFFFFFC00  }
0x130: {  	_ =	swait.ge [sflag:s10], $0x400  }
0x131: {  	[sflag:s10] =	ssyncset.done $0x0  }
0x132: {  	[sflag:s10] =	ssyncadd.s32 $0xFFFFFC00  }
0x133: {  	_ =	sfence.sel $0x180000  }
0x134: {  	[bflag:$0x0] =	sbarrier.arrive $0xFFFF  }
0x135: {  	_ =	strace $0x90000047  }
0x136: {  	s0 =	stileid.u32;
	[bflag:$0x2] =	sbarrier.arrive $0xFFFF  }
0x137: {  	p0 =	sne.s32 s0, $0x0;
	s0 =	rddreg [dreg:$0x4]  }
0x138: {  	s0 =	sadd.s32 @!p0 $0x100000, s0  }
0x139: {  	[sflag:s0] =	ssyncadd.tile.s32 @!p0 $0x1;
	_ =	shalt  }
.Lfunc_end2:
_tile_overlayer_lowered:
.L_overlay_start_2:
0x13a: {  	(tag) =	ssettag $0x2  }
0x13b: {  	s0 =	rddreg [dreg:$0x0];
	s2 =	stileid.u32  }
0x13c: {  	s1 =	rddreg [dreg:$0x1];
	p0 =	sne.s32 s2, $0x0  }
0x13d: {  	s3 =	rddreg [dreg:$0x2];
	[bflag:$0x3] =	sbarrier.arrive $0xFFFF;
	s2 =	simm.s32 @!p0 $0x1C07  }
0x13e: {  	[timem:s3], [sflag:s2] =	dma.local @!p0 [hbm:s0], s1  }
0x13f: {  	s0 =	simm.s32 @!p0 $0x7  }
0x140: {  	_ =	swait.ge @!p0 [sflag:s0], s1  }
0x141: {  	s1 =	ssub.s32 @!p0 $0x0, s1;
	[sflag:s0] =	ssyncset.done @!p0 $0x0  }
0x142: {  	[sflag:s0] =	ssyncadd.s32 @!p0 s1  }
0x143: {  	[bflag:$0x3] =	sbarrier.arrive $0xFFFF  }
0x144: {  	_ =	shalt  }

</sc_bundles>
